<compile_context>
chip_gen: v7x
topology: tpu7x:2x2x1
jax: 0.10.2.dev20260603
libtpu: 0.0.44.dev20260713+nightly
codegen_flags: <defaults>
</compile_context>

<pallas_src>
import jax
import jax.numpy as jnp
from jax import lax
from jax.experimental import pallas as pl
from jax.experimental.pallas import tpu as pltpu
from jax.experimental.pallas import tpu_sc as plsc

ENT_NUM = 1000000
REL_NUM = 1000
DIM = 64
B = 4096
NEG = 200

_INFO = plsc.get_sparse_core_info()
NC = _INFO.num_cores
NS = _INFO.num_subcores
NW = NC * NS
CH = 128
NBB = B // CH
DB = DIM // 8
NTR = NEG // 8
CHP = CH + 1


def _transpose_chunk(rows_v, trans_v, p, pt):
    lane = lax.iota(jnp.int32, 16)
    idb = lane // 8
    ids = lax.rem(lane, 8)
    pb = jnp.full((16,), pt, jnp.int32)

    def bq_body(bq, carry):
        vs = []
        for j in range(4):
            b = bq * 4 + j
            for dq in range(DIM // 16):
                vs.append((rows_v[p, b, pl.ds(dq * 16, 16)],
                           idb + dq * 2, jnp.full((16,), b, jnp.int32)))
        for v, dtile, bs in vs:
            plsc.store_scatter(trans_v, [pb, dtile, ids, bs], v)
        return carry

    lax.fori_loop(0, CH // 4, bq_body, 0)


def _sc_gather(ent_hbm, rel_hbm, negidx_hbm, posidx_hbm,
               neg_out, h_out, r_out, t_out,
               idx_v, rows_v, trans_v, gsem, wsem):
    wid = lax.axis_index("s") * NC + lax.axis_index("c")

    for t in range(NTR):
        pltpu.sync_copy(negidx_hbm.at[t, wid], idx_v.at[pl.ds(t * 8, 8)])

    def fire_gather(n, p):
        pltpu.async_copy(ent_hbm.at[idx_v.at[n]], rows_v.at[p], gsem)

    def drain_gather(p):
        pltpu.make_async_copy(ent_hbm.at[pl.ds(0, CH)],
                              rows_v.at[p], gsem).wait()

    def wb_src(p):
        return trans_v.at[p, :, :, pl.ds(0, CH)]

    def drain_wb(p):
        pltpu.make_async_copy(neg_out.at[0, :, 0], wb_src(p), wsem).wait()

    fire_gather(0, 0)
    fire_gather(1, 1)

    def chunk_body(n, carry):
        p = lax.rem(n, 3)
        pt = lax.rem(n, 2)
        drain_gather(p)

        @pl.when(n + 2 < NEG)
        def _():
            fire_gather(n + 2, lax.rem(n + 2, 3))

        @pl.when(n >= 2)
        def _():
            drain_wb(pt)
        _transpose_chunk(rows_v, trans_v, p, pt)
        pltpu.async_copy(wb_src(pt), neg_out.at[n, :, wid], wsem)
        return carry

    lax.fori_loop(0, NEG, chunk_body, 0)
    drain_wb(lax.rem(NEG, 2))
    drain_wb(lax.rem(NEG + 1, 2))

    for which, (table, out) in enumerate(
            [(ent_hbm, h_out), (rel_hbm, r_out), (ent_hbm, t_out)]):
        r = which * NBB + wid
        pltpu.sync_copy(posidx_hbm.at[r // 8], idx_v.at[pl.ds(0, 8)])
        pltpu.async_copy(table.at[idx_v.at[lax.rem(r, 8)]],
                         rows_v.at[0], gsem).wait()
        _transpose_chunk(rows_v, trans_v, 0, 0)
        pltpu.sync_copy(wb_src(0), out.at[:, wid])


@jax.jit
def _run(pos_sample, neg_sample, ent_embd, rel_embd):
    negidx4 = neg_sample.T.reshape(NTR, 8, NBB, CH).transpose(0, 2, 1, 3)
    posidx = pos_sample.T.reshape(3 * B // (8 * CH), 8, CH)

    mesh = plsc.VectorSubcoreMesh(core_axis_name="c", subcore_axis_name="s")
    small = jax.ShapeDtypeStruct((DB, NBB, 8, CH), jnp.float32)
    neg5, h5, r5, t5 = pl.kernel(
        _sc_gather,
        out_type=[
            jax.ShapeDtypeStruct((NEG, DB, NBB, 8, CH), jnp.float32),
            small, small, small,
        ],
        mesh=mesh,
        scratch_types=[
            pltpu.VMEM((NEG, CH), jnp.int32),
            pltpu.VMEM((3, CH, DIM), jnp.float32),
            pltpu.VMEM((2, DB, 8, CHP), jnp.float32),
            pltpu.SemaphoreType.DMA,
            pltpu.SemaphoreType.DMA,
        ],
        compiler_params=pltpu.CompilerParams(use_tc_tiling_on_sc=False,
                                             needs_layout_passes=False),
        name="kge_embed_gather",
    )(ent_embd, rel_embd, negidx4, posidx)

    neg = neg5.transpose(2, 4, 0, 1, 3).reshape(B, NEG, DIM)
    head = h5.transpose(1, 3, 0, 2).reshape(B, 1, DIM)
    relation = r5.transpose(1, 3, 0, 2).reshape(B, 1, DIM)
    tail = t5.transpose(1, 3, 0, 2).reshape(B, 1, DIM)
    return head, relation, tail, neg


def kernel(pos_sample, neg_sample, ent_embd, rel_embd):
    return _run(pos_sample, neg_sample, ent_embd, rel_embd)

# --- scband reference (transcript-rebuilt; emitter-appended) ---
"""Pipeline reference for scband-model-44976897523724 (READ-ONLY COPY).

The authoritative reference and input builder live on the scoring server;
editing this copy changes nothing except your own understanding.
"""

import jax, jax.numpy as jnp
import numpy as np

ENT_NUM = 1000000
REL_NUM = 1000
DIM = 64
B = 4096
NEG = 200


def _kaiming_uniform(key, shape):
    # nn.init.kaiming_uniform_ default: gain=sqrt(2), fan_in=shape[-1], bound=gain*sqrt(3/fan_in)=sqrt(6/fan_in)
    fan_in = shape[-1]
    bound = float(np.sqrt(6.0 / fan_in))
    return jax.random.uniform(key, shape, dtype=jnp.float32, minval=-bound, maxval=bound)


def setup_inputs(seed: int = 0) -> dict:
    key = jax.random.key(seed)
    k1, k2, k3, k4 = jax.random.split(key, 4)
    pos_sample = jax.random.randint(k1, (B, 3), 0, REL_NUM, dtype=jnp.int32)
    neg_sample = jax.random.randint(k2, (B, NEG), 0, ENT_NUM, dtype=jnp.int32)
    ent_embd = _kaiming_uniform(k3, (ENT_NUM, DIM))
    rel_embd = _kaiming_uniform(k4, (REL_NUM, DIM))
    return {"pos_sample": pos_sample, "neg_sample": neg_sample, "ent_embd": ent_embd, "rel_embd": rel_embd}


def reference(pos_sample, neg_sample, ent_embd, rel_embd):
    # get_pos_embd: gather head/relation/tail and unsqueeze(dim=1)
    head = jnp.take(ent_embd, pos_sample[:, 0], axis=0)[:, None, :]
    relation = jnp.take(rel_embd, pos_sample[:, 1], axis=0)[:, None, :]
    tail = jnp.take(ent_embd, pos_sample[:, 2], axis=0)[:, None, :]
    # get_neg_embd: gather negative entity embeddings [B, NEG, DIM]
    neg = jnp.take(ent_embd, neg_sample, axis=0)
    return (head, relation, tail, neg)

if __name__ == "__main__":
    import jax
    _d = setup_inputs()
    print(jax.jit(kernel)(*tuple(_d.values())))

</pallas_src>

<mosaic_0001>
#map = affine_map<(d0, d1) -> (0, 0)>
#map1 = affine_map<(d0, d1) -> (0, 0, 0, 0)>
#map2 = affine_map<(d0, d1) -> (0, 0, 0)>
#map3 = affine_map<(d0, d1) -> (0, 0, 0, 0, 0)>
module attributes {stable_mosaic.version = 14 : i64} {
  func.func @kge_embed_gather(%arg0: i32, %arg1: i32, %arg2: memref<1000000x64xf32, #tpu.memory_space<hbm>>, %arg3: memref<1000x64xf32, #tpu.memory_space<hbm>>, %arg4: memref<25x32x8x128xi32, #tpu.memory_space<hbm>>, %arg5: memref<12x8x128xi32, #tpu.memory_space<hbm>>, %arg6: memref<200x8x32x8x128xf32, #tpu.memory_space<hbm>>, %arg7: memref<8x32x8x128xf32, #tpu.memory_space<hbm>>, %arg8: memref<8x32x8x128xf32, #tpu.memory_space<hbm>>, %arg9: memref<8x32x8x128xf32, #tpu.memory_space<hbm>>, %arg10: memref<200x128xi32, #tpu.memory_space<vmem>>, %arg11: memref<3x128x64xf32, #tpu.memory_space<vmem>>, %arg12: memref<2x8x8x129xf32, #tpu.memory_space<vmem>>, %arg13: memref<!tpu.dma_semaphore, #tpu.memory_space<semaphore_mem>>, %arg14: memref<!tpu.dma_semaphore, #tpu.memory_space<semaphore_mem>>) attributes {dimension_semantics = [#tpu.dimension_semantics<core_parallel>, #tpu.dimension_semantics<subcore_parallel>], iteration_bounds = array<i64: 2, 16>, scalar_prefetch = 0 : i64, scratch_operands = 5 : i64, tpu.core_type = #tpu.core_type<sc_vector_subcore>, window_params = [{transform_indices = #map}, {transform_indices = #map}, {transform_indices = #map1}, {transform_indices = #map2}, {transform_indices = #map3}, {transform_indices = #map1}, {transform_indices = #map1}, {transform_indices = #map1}]} {
    %mul3A = arith.constant 2 : i32
    %mul3A_0 = arith.muli %arg1, %mul3A : i32
    %add3A = arith.addi %mul3A_0, %arg0 : i32
    %run_scoped3A = arith.constant 0 : i32
    "tpu.region"() ({
      %run_scoped3A_374 = tpu.sem_alloc : memref<!tpu.dma_semaphore, #tpu.memory_space<semaphore_mem>>
      %dma_start3A_375 = arith.constant 0 : i32
      %dma_start3A_376 = arith.constant 0 : i32
      %dma_start3A_377 = tpu.memref_slice %arg10[%dma_start3A_375, %dma_start3A_376] : memref<200x128xi32, #tpu.memory_space<vmem>> -> memref<8x128xi32, #tpu.memory_space<vmem>>
      %dma_start3A_378 = arith.constant 0 : i32
      %dma_start3A_379 = arith.constant 0 : i32
      %dma_start3A_380 = tpu.memref_slice %arg4[%run_scoped3A, %add3A, %dma_start3A_378, %dma_start3A_379] : memref<25x32x8x128xi32, #tpu.memory_space<hbm>> -> memref<1x1x8x128xi32, #tpu.memory_space<hbm>>
      %dma_start3A_381 = tpu.memref_squeeze %dma_start3A_380 : memref<1x1x8x128xi32, #tpu.memory_space<hbm>> -> memref<8x128xi32, #tpu.memory_space<hbm>>
      %dma_start3A_382 = arith.constant 0 : i32
      %dma_start3A_383 = arith.constant 0 : i32
      %dma_start3A_384 = tpu.memref_slice %arg10[%dma_start3A_382, %dma_start3A_383] : memref<200x128xi32, #tpu.memory_space<vmem>> -> memref<8x128xi32, #tpu.memory_space<vmem>>
      %dma_start3A_385 = arith.constant 0 : i32
      %dma_start3A_386 = arith.constant 0 : i32
      %dma_start3A_387 = tpu.memref_slice %arg4[%run_scoped3A, %add3A, %dma_start3A_385, %dma_start3A_386] : memref<25x32x8x128xi32, #tpu.memory_space<hbm>> -> memref<1x1x8x128xi32, #tpu.memory_space<hbm>>
      %dma_start3A_388 = tpu.memref_squeeze %dma_start3A_387 : memref<1x1x8x128xi32, #tpu.memory_space<hbm>> -> memref<8x128xi32, #tpu.memory_space<hbm>>
      tpu.enqueue_dma source(%dma_start3A_388 : memref<8x128xi32, #tpu.memory_space<hbm>>) target(%dma_start3A_384 : memref<8x128xi32, #tpu.memory_space<vmem>>) target_semaphore(%run_scoped3A_374 : memref<!tpu.dma_semaphore, #tpu.memory_space<semaphore_mem>>)
      %dma_wait3A_389 = arith.constant 0 : i32
      %dma_wait3A_390 = arith.constant 0 : i32
      %dma_wait3A_391 = tpu.memref_slice %arg10[%dma_wait3A_389, %dma_wait3A_390] : memref<200x128xi32, #tpu.memory_space<vmem>> -> memref<8x128xi32, #tpu.memory_space<vmem>>
      %dma_wait3A_392 = arith.constant 0 : i32
      %dma_wait3A_393 = arith.constant 0 : i32
      %dma_wait3A_394 = tpu.memref_slice %arg4[%run_scoped3A, %add3A, %dma_wait3A_392, %dma_wait3A_393] : memref<25x32x8x128xi32, #tpu.memory_space<hbm>> -> memref<1x1x8x128xi32, #tpu.memory_space<hbm>>
      %dma_wait3A_395 = tpu.memref_squeeze %dma_wait3A_394 : memref<1x1x8x128xi32, #tpu.memory_space<hbm>> -> memref<8x128xi32, #tpu.memory_space<hbm>>
      %dma_wait3A_396 = arith.constant 0 : i32
      %dma_wait3A_397 = arith.constant 0 : i32
      %dma_wait3A_398 = tpu.memref_slice %arg10[%dma_wait3A_396, %dma_wait3A_397] : memref<200x128xi32, #tpu.memory_space<vmem>> -> memref<8x128xi32, #tpu.memory_space<vmem>>
      %dma_wait3A_399 = arith.constant 0 : i32
      %dma_wait3A_400 = arith.constant 0 : i32
      %dma_wait3A_401 = tpu.memref_slice %arg4[%run_scoped3A, %add3A, %dma_wait3A_399, %dma_wait3A_400] : memref<25x32x8x128xi32, #tpu.memory_space<hbm>> -> memref<1x1x8x128xi32, #tpu.memory_space<hbm>>
      %dma_wait3A_402 = tpu.memref_squeeze %dma_wait3A_401 : memref<1x1x8x128xi32, #tpu.memory_space<hbm>> -> memref<8x128xi32, #tpu.memory_space<hbm>>
      tpu.wait_dma2 semaphore(%run_scoped3A_374 : memref<!tpu.dma_semaphore, #tpu.memory_space<semaphore_mem>>) src(%dma_wait3A_402 : memref<8x128xi32, #tpu.memory_space<hbm>>) dst(%dma_wait3A_398 : memref<8x128xi32, #tpu.memory_space<vmem>>)
      tpu.yield
    }) : () -> ()
    %run_scoped3A_1 = arith.constant 1 : i32
    "tpu.region"() ({
      %run_scoped3A_374 = tpu.sem_alloc : memref<!tpu.dma_semaphore, #tpu.memory_space<semaphore_mem>>
      %dma_start3A_375 = arith.constant 8 : i32
      %dma_start3A_376 = arith.constant 0 : i32
      %dma_start3A_377 = tpu.memref_slice %arg10[%dma_start3A_375, %dma_start3A_376] : memref<200x128xi32, #tpu.memory_space<vmem>> -> memref<8x128xi32, #tpu.memory_space<vmem>>
      %dma_start3A_378 = arith.constant 0 : i32
      %dma_start3A_379 = arith.constant 0 : i32
      %dma_start3A_380 = tpu.memref_slice %arg4[%run_scoped3A_1, %add3A, %dma_start3A_378, %dma_start3A_379] : memref<25x32x8x128xi32, #tpu.memory_space<hbm>> -> memref<1x1x8x128xi32, #tpu.memory_space<hbm>>
      %dma_start3A_381 = tpu.memref_squeeze %dma_start3A_380 : memref<1x1x8x128xi32, #tpu.memory_space<hbm>> -> memref<8x128xi32, #tpu.memory_space<hbm>>
      %dma_start3A_382 = arith.constant 8 : i32
      %dma_start3A_383 = arith.constant 0 : i32
      %dma_start3A_384 = tpu.memref_slice %arg10[%dma_start3A_382, %dma_start3A_383] : memref<200x128xi32, #tpu.memory_space<vmem>> -> memref<8x128xi32, #tpu.memory_space<vmem>>
      %dma_start3A_385 = arith.constant 0 : i32
      %dma_start3A_386 = arith.constant 0 : i32
      %dma_start3A_387 = tpu.memref_slice %arg4[%run_scoped3A_1, %add3A, %dma_start3A_385, %dma_start3A_386] : memref<25x32x8x128xi32, #tpu.memory_space<hbm>> -> memref<1x1x8x128xi32, #tpu.memory_space<hbm>>
      %dma_start3A_388 = tpu.memref_squeeze %dma_start3A_387 : memref<1x1x8x128xi32, #tpu.memory_space<hbm>> -> memref<8x128xi32, #tpu.memory_space<hbm>>
      tpu.enqueue_dma source(%dma_start3A_388 : memref<8x128xi32, #tpu.memory_space<hbm>>) target(%dma_start3A_384 : memref<8x128xi32, #tpu.memory_space<vmem>>) target_semaphore(%run_scoped3A_374 : memref<!tpu.dma_semaphore, #tpu.memory_space<semaphore_mem>>)
      %dma_wait3A_389 = arith.constant 8 : i32
      %dma_wait3A_390 = arith.constant 0 : i32
      %dma_wait3A_391 = tpu.memref_slice %arg10[%dma_wait3A_389, %dma_wait3A_390] : memref<200x128xi32, #tpu.memory_space<vmem>> -> memref<8x128xi32, #tpu.memory_space<vmem>>
      %dma_wait3A_392 = arith.constant 0 : i32
      %dma_wait3A_393 = arith.constant 0 : i32
      %dma_wait3A_394 = tpu.memref_slice %arg4[%run_scoped3A_1, %add3A, %dma_wait3A_392, %dma_wait3A_393] : memref<25x32x8x128xi32, #tpu.memory_space<hbm>> -> memref<1x1x8x128xi32, #tpu.memory_space<hbm>>
      %dma_wait3A_395 = tpu.memref_squeeze %dma_wait3A_394 : memref<1x1x8x128xi32, #tpu.memory_space<hbm>> -> memref<8x128xi32, #tpu.memory_space<hbm>>
      %dma_wait3A_396 = arith.constant 8 : i32
      %dma_wait3A_397 = arith.constant 0 : i32
      %dma_wait3A_398 = tpu.memref_slice %arg10[%dma_wait3A_396, %dma_wait3A_397] : memref<200x128xi32, #tpu.memory_space<vmem>> -> memref<8x128xi32, #tpu.memory_space<vmem>>
      %dma_wait3A_399 = arith.constant 0 : i32
      %dma_wait3A_400 = arith.constant 0 : i32
      %dma_wait3A_401 = tpu.memref_slice %arg4[%run_scoped3A_1, %add3A, %dma_wait3A_399, %dma_wait3A_400] : memref<25x32x8x128xi32, #tpu.memory_space<hbm>> -> memref<1x1x8x128xi32, #tpu.memory_space<hbm>>
      %dma_wait3A_402 = tpu.memref_squeeze %dma_wait3A_401 : memref<1x1x8x128xi32, #tpu.memory_space<hbm>> -> memref<8x128xi32, #tpu.memory_space<hbm>>
      tpu.wait_dma2 semaphore(%run_scoped3A_374 : memref<!tpu.dma_semaphore, #tpu.memory_space<semaphore_mem>>) src(%dma_wait3A_402 : memref<8x128xi32, #tpu.memory_space<hbm>>) dst(%dma_wait3A_398 : memref<8x128xi32, #tpu.memory_space<vmem>>)
      tpu.yield
    }) : () -> ()
    %run_scoped3A_2 = arith.constant 2 : i32
    "tpu.region"() ({
      %run_scoped3A_374 = tpu.sem_alloc : memref<!tpu.dma_semaphore, #tpu.memory_space<semaphore_mem>>
      %dma_start3A_375 = arith.constant 16 : i32
      %dma_start3A_376 = arith.constant 0 : i32
      %dma_start3A_377 = tpu.memref_slice %arg10[%dma_start3A_375, %dma_start3A_376] : memref<200x128xi32, #tpu.memory_space<vmem>> -> memref<8x128xi32, #tpu.memory_space<vmem>>
      %dma_start3A_378 = arith.constant 0 : i32
      %dma_start3A_379 = arith.constant 0 : i32
      %dma_start3A_380 = tpu.memref_slice %arg4[%run_scoped3A_2, %add3A, %dma_start3A_378, %dma_start3A_379] : memref<25x32x8x128xi32, #tpu.memory_space<hbm>> -> memref<1x1x8x128xi32, #tpu.memory_space<hbm>>
      %dma_start3A_381 = tpu.memref_squeeze %dma_start3A_380 : memref<1x1x8x128xi32, #tpu.memory_space<hbm>> -> memref<8x128xi32, #tpu.memory_space<hbm>>
      %dma_start3A_382 = arith.constant 16 : i32
      %dma_start3A_383 = arith.constant 0 : i32
      %dma_start3A_384 = tpu.memref_slice %arg10[%dma_start3A_382, %dma_start3A_383] : memref<200x128xi32, #tpu.memory_space<vmem>> -> memref<8x128xi32, #tpu.memory_space<vmem>>
      %dma_start3A_385 = arith.constant 0 : i32
      %dma_start3A_386 = arith.constant 0 : i32
      %dma_start3A_387 = tpu.memref_slice %arg4[%run_scoped3A_2, %add3A, %dma_start3A_385, %dma_start3A_386] : memref<25x32x8x128xi32, #tpu.memory_space<hbm>> -> memref<1x1x8x128xi32, #tpu.memory_space<hbm>>
      %dma_start3A_388 = tpu.memref_squeeze %dma_start3A_387 : memref<1x1x8x128xi32, #tpu.memory_space<hbm>> -> memref<8x128xi32, #tpu.memory_space<hbm>>
      tpu.enqueue_dma source(%dma_start3A_388 : memref<8x128xi32, #tpu.memory_space<hbm>>) target(%dma_start3A_384 : memref<8x128xi32, #tpu.memory_space<vmem>>) target_semaphore(%run_scoped3A_374 : memref<!tpu.dma_semaphore, #tpu.memory_space<semaphore_mem>>)
      %dma_wait3A_389 = arith.constant 16 : i32
      %dma_wait3A_390 = arith.constant 0 : i32
      %dma_wait3A_391 = tpu.memref_slice %arg10[%dma_wait3A_389, %dma_wait3A_390] : memref<200x128xi32, #tpu.memory_space<vmem>> -> memref<8x128xi32, #tpu.memory_space<vmem>>
      %dma_wait3A_392 = arith.constant 0 : i32
      %dma_wait3A_393 = arith.constant 0 : i32
      %dma_wait3A_394 = tpu.memref_slice %arg4[%run_scoped3A_2, %add3A, %dma_wait3A_392, %dma_wait3A_393] : memref<25x32x8x128xi32, #tpu.memory_space<hbm>> -> memref<1x1x8x128xi32, #tpu.memory_space<hbm>>
      %dma_wait3A_395 = tpu.memref_squeeze %dma_wait3A_394 : memref<1x1x8x128xi32, #tpu.memory_space<hbm>> -> memref<8x128xi32, #tpu.memory_space<hbm>>
      %dma_wait3A_396 = arith.constant 16 : i32
      %dma_wait3A_397 = arith.constant 0 : i32
      %dma_wait3A_398 = tpu.memref_slice %arg10[%dma_wait3A_396, %dma_wait3A_397] : memref<200x128xi32, #tpu.memory_space<vmem>> -> memref<8x128xi32, #tpu.memory_space<vmem>>
      %dma_wait3A_399 = arith.constant 0 : i32
      %dma_wait3A_400 = arith.constant 0 : i32
      %dma_wait3A_401 = tpu.memref_slice %arg4[%run_scoped3A_2, %add3A, %dma_wait3A_399, %dma_wait3A_400] : memref<25x32x8x128xi32, #tpu.memory_space<hbm>> -> memref<1x1x8x128xi32, #tpu.memory_space<hbm>>
      %dma_wait3A_402 = tpu.memref_squeeze %dma_wait3A_401 : memref<1x1x8x128xi32, #tpu.memory_space<hbm>> -> memref<8x128xi32, #tpu.memory_space<hbm>>
      tpu.wait_dma2 semaphore(%run_scoped3A_374 : memref<!tpu.dma_semaphore, #tpu.memory_space<semaphore_mem>>) src(%dma_wait3A_402 : memref<8x128xi32, #tpu.memory_space<hbm>>) dst(%dma_wait3A_398 : memref<8x128xi32, #tpu.memory_space<vmem>>)
      tpu.yield
    }) : () -> ()
    %run_scoped3A_3 = arith.constant 3 : i32
    "tpu.region"() ({
      %run_scoped3A_374 = tpu.sem_alloc : memref<!tpu.dma_semaphore, #tpu.memory_space<semaphore_mem>>
      %dma_start3A_375 = arith.constant 24 : i32
      %dma_start3A_376 = arith.constant 0 : i32
      %dma_start3A_377 = tpu.memref_slice %arg10[%dma_start3A_375, %dma_start3A_376] : memref<200x128xi32, #tpu.memory_space<vmem>> -> memref<8x128xi32, #tpu.memory_space<vmem>>
      %dma_start3A_378 = arith.constant 0 : i32
      %dma_start3A_379 = arith.constant 0 : i32
      %dma_start3A_380 = tpu.memref_slice %arg4[%run_scoped3A_3, %add3A, %dma_start3A_378, %dma_start3A_379] : memref<25x32x8x128xi32, #tpu.memory_space<hbm>> -> memref<1x1x8x128xi32, #tpu.memory_space<hbm>>
      %dma_start3A_381 = tpu.memref_squeeze %dma_start3A_380 : memref<1x1x8x128xi32, #tpu.memory_space<hbm>> -> memref<8x128xi32, #tpu.memory_space<hbm>>
      %dma_start3A_382 = arith.constant 24 : i32
      %dma_start3A_383 = arith.constant 0 : i32
      %dma_start3A_384 = tpu.memref_slice %arg10[%dma_start3A_382, %dma_start3A_383] : memref<200x128xi32, #tpu.memory_space<vmem>> -> memref<8x128xi32, #tpu.memory_space<vmem>>
      %dma_start3A_385 = arith.constant 0 : i32
      %dma_start3A_386 = arith.constant 0 : i32
      %dma_start3A_387 = tpu.memref_slice %arg4[%run_scoped3A_3, %add3A, %dma_start3A_385, %dma_start3A_386] : memref<25x32x8x128xi32, #tpu.memory_space<hbm>> -> memref<1x1x8x128xi32, #tpu.memory_space<hbm>>
      %dma_start3A_388 = tpu.memref_squeeze %dma_start3A_387 : memref<1x1x8x128xi32, #tpu.memory_space<hbm>> -> memref<8x128xi32, #tpu.memory_space<hbm>>
      tpu.enqueue_dma source(%dma_start3A_388 : memref<8x128xi32, #tpu.memory_space<hbm>>) target(%dma_start3A_384 : memref<8x128xi32, #tpu.memory_space<vmem>>) target_semaphore(%run_scoped3A_374 : memref<!tpu.dma_semaphore, #tpu.memory_space<semaphore_mem>>)
      %dma_wait3A_389 = arith.constant 24 : i32
      %dma_wait3A_390 = arith.constant 0 : i32
      %dma_wait3A_391 = tpu.memref_slice %arg10[%dma_wait3A_389, %dma_wait3A_390] : memref<200x128xi32, #tpu.memory_space<vmem>> -> memref<8x128xi32, #tpu.memory_space<vmem>>
      %dma_wait3A_392 = arith.constant 0 : i32
      %dma_wait3A_393 = arith.constant 0 : i32
      %dma_wait3A_394 = tpu.memref_slice %arg4[%run_scoped3A_3, %add3A, %dma_wait3A_392, %dma_wait3A_393] : memref<25x32x8x128xi32, #tpu.memory_space<hbm>> -> memref<1x1x8x128xi32, #tpu.memory_space<hbm>>
      %dma_wait3A_395 = tpu.memref_squeeze %dma_wait3A_394 : memref<1x1x8x128xi32, #tpu.memory_space<hbm>> -> memref<8x128xi32, #tpu.memory_space<hbm>>
      %dma_wait3A_396 = arith.constant 24 : i32
      %dma_wait3A_397 = arith.constant 0 : i32
      %dma_wait3A_398 = tpu.memref_slice %arg10[%dma_wait3A_396, %dma_wait3A_397] : memref<200x128xi32, #tpu.memory_space<vmem>> -> memref<8x128xi32, #tpu.memory_space<vmem>>
      %dma_wait3A_399 = arith.constant 0 : i32
      %dma_wait3A_400 = arith.constant 0 : i32
      %dma_wait3A_401 = tpu.memref_slice %arg4[%run_scoped3A_3, %add3A, %dma_wait3A_399, %dma_wait3A_400] : memref<25x32x8x128xi32, #tpu.memory_space<hbm>> -> memref<1x1x8x128xi32, #tpu.memory_space<hbm>>
      %dma_wait3A_402 = tpu.memref_squeeze %dma_wait3A_401 : memref<1x1x8x128xi32, #tpu.memory_space<hbm>> -> memref<8x128xi32, #tpu.memory_space<hbm>>
      tpu.wait_dma2 semaphore(%run_scoped3A_374 : memref<!tpu.dma_semaphore, #tpu.memory_space<semaphore_mem>>) src(%dma_wait3A_402 : memref<8x128xi32, #tpu.memory_space<hbm>>) dst(%dma_wait3A_398 : memref<8x128xi32, #tpu.memory_space<vmem>>)
      tpu.yield
    }) : () -> ()
    %run_scoped3A_4 = arith.constant 4 : i32
    "tpu.region"() ({
      %run_scoped3A_374 = tpu.sem_alloc : memref<!tpu.dma_semaphore, #tpu.memory_space<semaphore_mem>>
      %dma_start3A_375 = arith.constant 32 : i32
      %dma_start3A_376 = arith.constant 0 : i32
      %dma_start3A_377 = tpu.memref_slice %arg10[%dma_start3A_375, %dma_start3A_376] : memref<200x128xi32, #tpu.memory_space<vmem>> -> memref<8x128xi32, #tpu.memory_space<vmem>>
      %dma_start3A_378 = arith.constant 0 : i32
      %dma_start3A_379 = arith.constant 0 : i32
      %dma_start3A_380 = tpu.memref_slice %arg4[%run_scoped3A_4, %add3A, %dma_start3A_378, %dma_start3A_379] : memref<25x32x8x128xi32, #tpu.memory_space<hbm>> -> memref<1x1x8x128xi32, #tpu.memory_space<hbm>>
      %dma_start3A_381 = tpu.memref_squeeze %dma_start3A_380 : memref<1x1x8x128xi32, #tpu.memory_space<hbm>> -> memref<8x128xi32, #tpu.memory_space<hbm>>
      %dma_start3A_382 = arith.constant 32 : i32
      %dma_start3A_383 = arith.constant 0 : i32
      %dma_start3A_384 = tpu.memref_slice %arg10[%dma_start3A_382, %dma_start3A_383] : memref<200x128xi32, #tpu.memory_space<vmem>> -> memref<8x128xi32, #tpu.memory_space<vmem>>
      %dma_start3A_385 = arith.constant 0 : i32
      %dma_start3A_386 = arith.constant 0 : i32
      %dma_start3A_387 = tpu.memref_slice %arg4[%run_scoped3A_4, %add3A, %dma_start3A_385, %dma_start3A_386] : memref<25x32x8x128xi32, #tpu.memory_space<hbm>> -> memref<1x1x8x128xi32, #tpu.memory_space<hbm>>
      %dma_start3A_388 = tpu.memref_squeeze %dma_start3A_387 : memref<1x1x8x128xi32, #tpu.memory_space<hbm>> -> memref<8x128xi32, #tpu.memory_space<hbm>>
      tpu.enqueue_dma source(%dma_start3A_388 : memref<8x128xi32, #tpu.memory_space<hbm>>) target(%dma_start3A_384 : memref<8x128xi32, #tpu.memory_space<vmem>>) target_semaphore(%run_scoped3A_374 : memref<!tpu.dma_semaphore, #tpu.memory_space<semaphore_mem>>)
      %dma_wait3A_389 = arith.constant 32 : i32
      %dma_wait3A_390 = arith.constant 0 : i32
      %dma_wait3A_391 = tpu.memref_slice %arg10[%dma_wait3A_389, %dma_wait3A_390] : memref<200x128xi32, #tpu.memory_space<vmem>> -> memref<8x128xi32, #tpu.memory_space<vmem>>
      %dma_wait3A_392 = arith.constant 0 : i32
      %dma_wait3A_393 = arith.constant 0 : i32
      %dma_wait3A_394 = tpu.memref_slice %arg4[%run_scoped3A_4, %add3A, %dma_wait3A_392, %dma_wait3A_393] : memref<25x32x8x128xi32, #tpu.memory_space<hbm>> -> memref<1x1x8x128xi32, #tpu.memory_space<hbm>>
      %dma_wait3A_395 = tpu.memref_squeeze %dma_wait3A_394 : memref<1x1x8x128xi32, #tpu.memory_space<hbm>> -> memref<8x128xi32, #tpu.memory_space<hbm>>
      %dma_wait3A_396 = arith.constant 32 : i32
      %dma_wait3A_397 = arith.constant 0 : i32
      %dma_wait3A_398 = tpu.memref_slice %arg10[%dma_wait3A_396, %dma_wait3A_397] : memref<200x128xi32, #tpu.memory_space<vmem>> -> memref<8x128xi32, #tpu.memory_space<vmem>>
      %dma_wait3A_399 = arith.constant 0 : i32
      %dma_wait3A_400 = arith.constant 0 : i32
      %dma_wait3A_401 = tpu.memref_slice %arg4[%run_scoped3A_4, %add3A, %dma_wait3A_399, %dma_wait3A_400] : memref<25x32x8x128xi32, #tpu.memory_space<hbm>> -> memref<1x1x8x128xi32, #tpu.memory_space<hbm>>
      %dma_wait3A_402 = tpu.memref_squeeze %dma_wait3A_401 : memref<1x1x8x128xi32, #tpu.memory_space<hbm>> -> memref<8x128xi32, #tpu.memory_space<hbm>>
      tpu.wait_dma2 semaphore(%run_scoped3A_374 : memref<!tpu.dma_semaphore, #tpu.memory_space<semaphore_mem>>) src(%dma_wait3A_402 : memref<8x128xi32, #tpu.memory_space<hbm>>) dst(%dma_wait3A_398 : memref<8x128xi32, #tpu.memory_space<vmem>>)
      tpu.yield
    }) : () -> ()
    %run_scoped3A_5 = arith.constant 5 : i32
    "tpu.region"() ({
      %run_scoped3A_374 = tpu.sem_alloc : memref<!tpu.dma_semaphore, #tpu.memory_space<semaphore_mem>>
      %dma_start3A_375 = arith.constant 40 : i32
      %dma_start3A_376 = arith.constant 0 : i32
      %dma_start3A_377 = tpu.memref_slice %arg10[%dma_start3A_375, %dma_start3A_376] : memref<200x128xi32, #tpu.memory_space<vmem>> -> memref<8x128xi32, #tpu.memory_space<vmem>>
      %dma_start3A_378 = arith.constant 0 : i32
      %dma_start3A_379 = arith.constant 0 : i32
      %dma_start3A_380 = tpu.memref_slice %arg4[%run_scoped3A_5, %add3A, %dma_start3A_378, %dma_start3A_379] : memref<25x32x8x128xi32, #tpu.memory_space<hbm>> -> memref<1x1x8x128xi32, #tpu.memory_space<hbm>>
      %dma_start3A_381 = tpu.memref_squeeze %dma_start3A_380 : memref<1x1x8x128xi32, #tpu.memory_space<hbm>> -> memref<8x128xi32, #tpu.memory_space<hbm>>
      %dma_start3A_382 = arith.constant 40 : i32
      %dma_start3A_383 = arith.constant 0 : i32
      %dma_start3A_384 = tpu.memref_slice %arg10[%dma_start3A_382, %dma_start3A_383] : memref<200x128xi32, #tpu.memory_space<vmem>> -> memref<8x128xi32, #tpu.memory_space<vmem>>
      %dma_start3A_385 = arith.constant 0 : i32
      %dma_start3A_386 = arith.constant 0 : i32
      %dma_start3A_387 = tpu.memref_slice %arg4[%run_scoped3A_5, %add3A, %dma_start3A_385, %dma_start3A_386] : memref<25x32x8x128xi32, #tpu.memory_space<hbm>> -> memref<1x1x8x128xi32, #tpu.memory_space<hbm>>
      %dma_start3A_388 = tpu.memref_squeeze %dma_start3A_387 : memref<1x1x8x128xi32, #tpu.memory_space<hbm>> -> memref<8x128xi32, #tpu.memory_space<hbm>>
      tpu.enqueue_dma source(%dma_start3A_388 : memref<8x128xi32, #tpu.memory_space<hbm>>) target(%dma_start3A_384 : memref<8x128xi32, #tpu.memory_space<vmem>>) target_semaphore(%run_scoped3A_374 : memref<!tpu.dma_semaphore, #tpu.memory_space<semaphore_mem>>)
      %dma_wait3A_389 = arith.constant 40 : i32
      %dma_wait3A_390 = arith.constant 0 : i32
      %dma_wait3A_391 = tpu.memref_slice %arg10[%dma_wait3A_389, %dma_wait3A_390] : memref<200x128xi32, #tpu.memory_space<vmem>> -> memref<8x128xi32, #tpu.memory_space<vmem>>
      %dma_wait3A_392 = arith.constant 0 : i32
      %dma_wait3A_393 = arith.constant 0 : i32
      %dma_wait3A_394 = tpu.memref_slice %arg4[%run_scoped3A_5, %add3A, %dma_wait3A_392, %dma_wait3A_393] : memref<25x32x8x128xi32, #tpu.memory_space<hbm>> -> memref<1x1x8x128xi32, #tpu.memory_space<hbm>>
      %dma_wait3A_395 = tpu.memref_squeeze %dma_wait3A_394 : memref<1x1x8x128xi32, #tpu.memory_space<hbm>> -> memref<8x128xi32, #tpu.memory_space<hbm>>
      %dma_wait3A_396 = arith.constant 40 : i32
      %dma_wait3A_397 = arith.constant 0 : i32
      %dma_wait3A_398 = tpu.memref_slice %arg10[%dma_wait3A_396, %dma_wait3A_397] : memref<200x128xi32, #tpu.memory_space<vmem>> -> memref<8x128xi32, #tpu.memory_space<vmem>>
      %dma_wait3A_399 = arith.constant 0 : i32
      %dma_wait3A_400 = arith.constant 0 : i32
      %dma_wait3A_401 = tpu.memref_slice %arg4[%run_scoped3A_5, %add3A, %dma_wait3A_399, %dma_wait3A_400] : memref<25x32x8x128xi32, #tpu.memory_space<hbm>> -> memref<1x1x8x128xi32, #tpu.memory_space<hbm>>
      %dma_wait3A_402 = tpu.memref_squeeze %dma_wait3A_401 : memref<1x1x8x128xi32, #tpu.memory_space<hbm>> -> memref<8x128xi32, #tpu.memory_space<hbm>>
      tpu.wait_dma2 semaphore(%run_scoped3A_374 : memref<!tpu.dma_semaphore, #tpu.memory_space<semaphore_mem>>) src(%dma_wait3A_402 : memref<8x128xi32, #tpu.memory_space<hbm>>) dst(%dma_wait3A_398 : memref<8x128xi32, #tpu.memory_space<vmem>>)
      tpu.yield
    }) : () -> ()
    %run_scoped3A_6 = arith.constant 6 : i32
    "tpu.region"() ({
      %run_scoped3A_374 = tpu.sem_alloc : memref<!tpu.dma_semaphore, #tpu.memory_space<semaphore_mem>>
      %dma_start3A_375 = arith.constant 48 : i32
      %dma_start3A_376 = arith.constant 0 : i32
      %dma_start3A_377 = tpu.memref_slice %arg10[%dma_start3A_375, %dma_start3A_376] : memref<200x128xi32, #tpu.memory_space<vmem>> -> memref<8x128xi32, #tpu.memory_space<vmem>>
      %dma_start3A_378 = arith.constant 0 : i32
      %dma_start3A_379 = arith.constant 0 : i32
      %dma_start3A_380 = tpu.memref_slice %arg4[%run_scoped3A_6, %add3A, %dma_start3A_378, %dma_start3A_379] : memref<25x32x8x128xi32, #tpu.memory_space<hbm>> -> memref<1x1x8x128xi32, #tpu.memory_space<hbm>>
      %dma_start3A_381 = tpu.memref_squeeze %dma_start3A_380 : memref<1x1x8x128xi32, #tpu.memory_space<hbm>> -> memref<8x128xi32, #tpu.memory_space<hbm>>
      %dma_start3A_382 = arith.constant 48 : i32
      %dma_start3A_383 = arith.constant 0 : i32
      %dma_start3A_384 = tpu.memref_slice %arg10[%dma_start3A_382, %dma_start3A_383] : memref<200x128xi32, #tpu.memory_space<vmem>> -> memref<8x128xi32, #tpu.memory_space<vmem>>
      %dma_start3A_385 = arith.constant 0 : i32
      %dma_start3A_386 = arith.constant 0 : i32
      %dma_start3A_387 = tpu.memref_slice %arg4[%run_scoped3A_6, %add3A, %dma_start3A_385, %dma_start3A_386] : memref<25x32x8x128xi32, #tpu.memory_space<hbm>> -> memref<1x1x8x128xi32, #tpu.memory_space<hbm>>
      %dma_start3A_388 = tpu.memref_squeeze %dma_start3A_387 : memref<1x1x8x128xi32, #tpu.memory_space<hbm>> -> memref<8x128xi32, #tpu.memory_space<hbm>>
      tpu.enqueue_dma source(%dma_start3A_388 : memref<8x128xi32, #tpu.memory_space<hbm>>) target(%dma_start3A_384 : memref<8x128xi32, #tpu.memory_space<vmem>>) target_semaphore(%run_scoped3A_374 : memref<!tpu.dma_semaphore, #tpu.memory_space<semaphore_mem>>)
      %dma_wait3A_389 = arith.constant 48 : i32
      %dma_wait3A_390 = arith.constant 0 : i32
      %dma_wait3A_391 = tpu.memref_slice %arg10[%dma_wait3A_389, %dma_wait3A_390] : memref<200x128xi32, #tpu.memory_space<vmem>> -> memref<8x128xi32, #tpu.memory_space<vmem>>
      %dma_wait3A_392 = arith.constant 0 : i32
      %dma_wait3A_393 = arith.constant 0 : i32
      %dma_wait3A_394 = tpu.memref_slice %arg4[%run_scoped3A_6, %add3A, %dma_wait3A_392, %dma_wait3A_393] : memref<25x32x8x128xi32, #tpu.memory_space<hbm>> -> memref<1x1x8x128xi32, #tpu.memory_space<hbm>>
      %dma_wait3A_395 = tpu.memref_squeeze %dma_wait3A_394 : memref<1x1x8x128xi32, #tpu.memory_space<hbm>> -> memref<8x128xi32, #tpu.memory_space<hbm>>
      %dma_wait3A_396 = arith.constant 48 : i32
      %dma_wait3A_397 = arith.constant 0 : i32
      %dma_wait3A_398 = tpu.memref_slice %arg10[%dma_wait3A_396, %dma_wait3A_397] : memref<200x128xi32, #tpu.memory_space<vmem>> -> memref<8x128xi32, #tpu.memory_space<vmem>>
      %dma_wait3A_399 = arith.constant 0 : i32
      %dma_wait3A_400 = arith.constant 0 : i32
      %dma_wait3A_401 = tpu.memref_slice %arg4[%run_scoped3A_6, %add3A, %dma_wait3A_399, %dma_wait3A_400] : memref<25x32x8x128xi32, #tpu.memory_space<hbm>> -> memref<1x1x8x128xi32, #tpu.memory_space<hbm>>
      %dma_wait3A_402 = tpu.memref_squeeze %dma_wait3A_401 : memref<1x1x8x128xi32, #tpu.memory_space<hbm>> -> memref<8x128xi32, #tpu.memory_space<hbm>>
      tpu.wait_dma2 semaphore(%run_scoped3A_374 : memref<!tpu.dma_semaphore, #tpu.memory_space<semaphore_mem>>) src(%dma_wait3A_402 : memref<8x128xi32, #tpu.memory_space<hbm>>) dst(%dma_wait3A_398 : memref<8x128xi32, #tpu.memory_space<vmem>>)
      tpu.yield
    }) : () -> ()
    %run_scoped3A_7 = arith.constant 7 : i32
    "tpu.region"() ({
      %run_scoped3A_374 = tpu.sem_alloc : memref<!tpu.dma_semaphore, #tpu.memory_space<semaphore_mem>>
      %dma_start3A_375 = arith.constant 56 : i32
      %dma_start3A_376 = arith.constant 0 : i32
      %dma_start3A_377 = tpu.memref_slice %arg10[%dma_start3A_375, %dma_start3A_376] : memref<200x128xi32, #tpu.memory_space<vmem>> -> memref<8x128xi32, #tpu.memory_space<vmem>>
      %dma_start3A_378 = arith.constant 0 : i32
      %dma_start3A_379 = arith.constant 0 : i32
      %dma_start3A_380 = tpu.memref_slice %arg4[%run_scoped3A_7, %add3A, %dma_start3A_378, %dma_start3A_379] : memref<25x32x8x128xi32, #tpu.memory_space<hbm>> -> memref<1x1x8x128xi32, #tpu.memory_space<hbm>>
      %dma_start3A_381 = tpu.memref_squeeze %dma_start3A_380 : memref<1x1x8x128xi32, #tpu.memory_space<hbm>> -> memref<8x128xi32, #tpu.memory_space<hbm>>
      %dma_start3A_382 = arith.constant 56 : i32
      %dma_start3A_383 = arith.constant 0 : i32
      %dma_start3A_384 = tpu.memref_slice %arg10[%dma_start3A_382, %dma_start3A_383] : memref<200x128xi32, #tpu.memory_space<vmem>> -> memref<8x128xi32, #tpu.memory_space<vmem>>
      %dma_start3A_385 = arith.constant 0 : i32
      %dma_start3A_386 = arith.constant 0 : i32
      %dma_start3A_387 = tpu.memref_slice %arg4[%run_scoped3A_7, %add3A, %dma_start3A_385, %dma_start3A_386] : memref<25x32x8x128xi32, #tpu.memory_space<hbm>> -> memref<1x1x8x128xi32, #tpu.memory_space<hbm>>
      %dma_start3A_388 = tpu.memref_squeeze %dma_start3A_387 : memref<1x1x8x128xi32, #tpu.memory_space<hbm>> -> memref<8x128xi32, #tpu.memory_space<hbm>>
      tpu.enqueue_dma source(%dma_start3A_388 : memref<8x128xi32, #tpu.memory_space<hbm>>) target(%dma_start3A_384 : memref<8x128xi32, #tpu.memory_space<vmem>>) target_semaphore(%run_scoped3A_374 : memref<!tpu.dma_semaphore, #tpu.memory_space<semaphore_mem>>)
      %dma_wait3A_389 = arith.constant 56 : i32
      %dma_wait3A_390 = arith.constant 0 : i32
      %dma_wait3A_391 = tpu.memref_slice %arg10[%dma_wait3A_389, %dma_wait3A_390] : memref<200x128xi32, #tpu.memory_space<vmem>> -> memref<8x128xi32, #tpu.memory_space<vmem>>
      %dma_wait3A_392 = arith.constant 0 : i32
      %dma_wait3A_393 = arith.constant 0 : i32
      %dma_wait3A_394 = tpu.memref_slice %arg4[%run_scoped3A_7, %add3A, %dma_wait3A_392, %dma_wait3A_393] : memref<25x32x8x128xi32, #tpu.memory_space<hbm>> -> memref<1x1x8x128xi32, #tpu.memory_space<hbm>>
      %dma_wait3A_395 = tpu.memref_squeeze %dma_wait3A_394 : memref<1x1x8x128xi32, #tpu.memory_space<hbm>> -> memref<8x128xi32, #tpu.memory_space<hbm>>
      %dma_wait3A_396 = arith.constant 56 : i32
      %dma_wait3A_397 = arith.constant 0 : i32
      %dma_wait3A_398 = tpu.memref_slice %arg10[%dma_wait3A_396, %dma_wait3A_397] : memref<200x128xi32, #tpu.memory_space<vmem>> -> memref<8x128xi32, #tpu.memory_space<vmem>>
      %dma_wait3A_399 = arith.constant 0 : i32
      %dma_wait3A_400 = arith.constant 0 : i32
      %dma_wait3A_401 = tpu.memref_slice %arg4[%run_scoped3A_7, %add3A, %dma_wait3A_399, %dma_wait3A_400] : memref<25x32x8x128xi32, #tpu.memory_space<hbm>> -> memref<1x1x8x128xi32, #tpu.memory_space<hbm>>
      %dma_wait3A_402 = tpu.memref_squeeze %dma_wait3A_401 : memref<1x1x8x128xi32, #tpu.memory_space<hbm>> -> memref<8x128xi32, #tpu.memory_space<hbm>>
      tpu.wait_dma2 semaphore(%run_scoped3A_374 : memref<!tpu.dma_semaphore, #tpu.memory_space<semaphore_mem>>) src(%dma_wait3A_402 : memref<8x128xi32, #tpu.memory_space<hbm>>) dst(%dma_wait3A_398 : memref<8x128xi32, #tpu.memory_space<vmem>>)
      tpu.yield
    }) : () -> ()
    %run_scoped3A_8 = arith.constant 8 : i32
    "tpu.region"() ({
      %run_scoped3A_374 = tpu.sem_alloc : memref<!tpu.dma_semaphore, #tpu.memory_space<semaphore_mem>>
      %dma_start3A_375 = arith.constant 64 : i32
      %dma_start3A_376 = arith.constant 0 : i32
      %dma_start3A_377 = tpu.memref_slice %arg10[%dma_start3A_375, %dma_start3A_376] : memref<200x128xi32, #tpu.memory_space<vmem>> -> memref<8x128xi32, #tpu.memory_space<vmem>>
      %dma_start3A_378 = arith.constant 0 : i32
      %dma_start3A_379 = arith.constant 0 : i32
      %dma_start3A_380 = tpu.memref_slice %arg4[%run_scoped3A_8, %add3A, %dma_start3A_378, %dma_start3A_379] : memref<25x32x8x128xi32, #tpu.memory_space<hbm>> -> memref<1x1x8x128xi32, #tpu.memory_space<hbm>>
      %dma_start3A_381 = tpu.memref_squeeze %dma_start3A_380 : memref<1x1x8x128xi32, #tpu.memory_space<hbm>> -> memref<8x128xi32, #tpu.memory_space<hbm>>
      %dma_start3A_382 = arith.constant 64 : i32
      %dma_start3A_383 = arith.constant 0 : i32
      %dma_start3A_384 = tpu.memref_slice %arg10[%dma_start3A_382, %dma_start3A_383] : memref<200x128xi32, #tpu.memory_space<vmem>> -> memref<8x128xi32, #tpu.memory_space<vmem>>
      %dma_start3A_385 = arith.constant 0 : i32
      %dma_start3A_386 = arith.constant 0 : i32
      %dma_start3A_387 = tpu.memref_slice %arg4[%run_scoped3A_8, %add3A, %dma_start3A_385, %dma_start3A_386] : memref<25x32x8x128xi32, #tpu.memory_space<hbm>> -> memref<1x1x8x128xi32, #tpu.memory_space<hbm>>
      %dma_start3A_388 = tpu.memref_squeeze %dma_start3A_387 : memref<1x1x8x128xi32, #tpu.memory_space<hbm>> -> memref<8x128xi32, #tpu.memory_space<hbm>>
      tpu.enqueue_dma source(%dma_start3A_388 : memref<8x128xi32, #tpu.memory_space<hbm>>) target(%dma_start3A_384 : memref<8x128xi32, #tpu.memory_space<vmem>>) target_semaphore(%run_scoped3A_374 : memref<!tpu.dma_semaphore, #tpu.memory_space<semaphore_mem>>)
      %dma_wait3A_389 = arith.constant 64 : i32
      %dma_wait3A_390 = arith.constant 0 : i32
      %dma_wait3A_391 = tpu.memref_slice %arg10[%dma_wait3A_389, %dma_wait3A_390] : memref<200x128xi32, #tpu.memory_space<vmem>> -> memref<8x128xi32, #tpu.memory_space<vmem>>
      %dma_wait3A_392 = arith.constant 0 : i32
      %dma_wait3A_393 = arith.constant 0 : i32
      %dma_wait3A_394 = tpu.memref_slice %arg4[%run_scoped3A_8, %add3A, %dma_wait3A_392, %dma_wait3A_393] : memref<25x32x8x128xi32, #tpu.memory_space<hbm>> -> memref<1x1x8x128xi32, #tpu.memory_space<hbm>>
      %dma_wait3A_395 = tpu.memref_squeeze %dma_wait3A_394 : memref<1x1x8x128xi32, #tpu.memory_space<hbm>> -> memref<8x128xi32, #tpu.memory_space<hbm>>
      %dma_wait3A_396 = arith.constant 64 : i32
      %dma_wait3A_397 = arith.constant 0 : i32
      %dma_wait3A_398 = tpu.memref_slice %arg10[%dma_wait3A_396, %dma_wait3A_397] : memref<200x128xi32, #tpu.memory_space<vmem>> -> memref<8x128xi32, #tpu.memory_space<vmem>>
      %dma_wait3A_399 = arith.constant 0 : i32
      %dma_wait3A_400 = arith.constant 0 : i32
      %dma_wait3A_401 = tpu.memref_slice %arg4[%run_scoped3A_8, %add3A, %dma_wait3A_399, %dma_wait3A_400] : memref<25x32x8x128xi32, #tpu.memory_space<hbm>> -> memref<1x1x8x128xi32, #tpu.memory_space<hbm>>
      %dma_wait3A_402 = tpu.memref_squeeze %dma_wait3A_401 : memref<1x1x8x128xi32, #tpu.memory_space<hbm>> -> memref<8x128xi32, #tpu.memory_space<hbm>>
      tpu.wait_dma2 semaphore(%run_scoped3A_374 : memref<!tpu.dma_semaphore, #tpu.memory_space<semaphore_mem>>) src(%dma_wait3A_402 : memref<8x128xi32, #tpu.memory_space<hbm>>) dst(%dma_wait3A_398 : memref<8x128xi32, #tpu.memory_space<vmem>>)
      tpu.yield
    }) : () -> ()
    %run_scoped3A_9 = arith.constant 9 : i32
    "tpu.region"() ({
      %run_scoped3A_374 = tpu.sem_alloc : memref<!tpu.dma_semaphore, #tpu.memory_space<semaphore_mem>>
      %dma_start3A_375 = arith.constant 72 : i32
      %dma_start3A_376 = arith.constant 0 : i32
      %dma_start3A_377 = tpu.memref_slice %arg10[%dma_start3A_375, %dma_start3A_376] : memref<200x128xi32, #tpu.memory_space<vmem>> -> memref<8x128xi32, #tpu.memory_space<vmem>>
      %dma_start3A_378 = arith.constant 0 : i32
      %dma_start3A_379 = arith.constant 0 : i32
      %dma_start3A_380 = tpu.memref_slice %arg4[%run_scoped3A_9, %add3A, %dma_start3A_378, %dma_start3A_379] : memref<25x32x8x128xi32, #tpu.memory_space<hbm>> -> memref<1x1x8x128xi32, #tpu.memory_space<hbm>>
      %dma_start3A_381 = tpu.memref_squeeze %dma_start3A_380 : memref<1x1x8x128xi32, #tpu.memory_space<hbm>> -> memref<8x128xi32, #tpu.memory_space<hbm>>
      %dma_start3A_382 = arith.constant 72 : i32
      %dma_start3A_383 = arith.constant 0 : i32
      %dma_start3A_384 = tpu.memref_slice %arg10[%dma_start3A_382, %dma_start3A_383] : memref<200x128xi32, #tpu.memory_space<vmem>> -> memref<8x128xi32, #tpu.memory_space<vmem>>
      %dma_start3A_385 = arith.constant 0 : i32
      %dma_start3A_386 = arith.constant 0 : i32
      %dma_start3A_387 = tpu.memref_slice %arg4[%run_scoped3A_9, %add3A, %dma_start3A_385, %dma_start3A_386] : memref<25x32x8x128xi32, #tpu.memory_space<hbm>> -> memref<1x1x8x128xi32, #tpu.memory_space<hbm>>
      %dma_start3A_388 = tpu.memref_squeeze %dma_start3A_387 : memref<1x1x8x128xi32, #tpu.memory_space<hbm>> -> memref<8x128xi32, #tpu.memory_space<hbm>>
      tpu.enqueue_dma source(%dma_start3A_388 : memref<8x128xi32, #tpu.memory_space<hbm>>) target(%dma_start3A_384 : memref<8x128xi32, #tpu.memory_space<vmem>>) target_semaphore(%run_scoped3A_374 : memref<!tpu.dma_semaphore, #tpu.memory_space<semaphore_mem>>)
      %dma_wait3A_389 = arith.constant 72 : i32
      %dma_wait3A_390 = arith.constant 0 : i32
      %dma_wait3A_391 = tpu.memref_slice %arg10[%dma_wait3A_389, %dma_wait3A_390] : memref<200x128xi32, #tpu.memory_space<vmem>> -> memref<8x128xi32, #tpu.memory_space<vmem>>
      %dma_wait3A_392 = arith.constant 0 : i32
      %dma_wait3A_393 = arith.constant 0 : i32
      %dma_wait3A_394 = tpu.memref_slice %arg4[%run_scoped3A_9, %add3A, %dma_wait3A_392, %dma_wait3A_393] : memref<25x32x8x128xi32, #tpu.memory_space<hbm>> -> memref<1x1x8x128xi32, #tpu.memory_space<hbm>>
      %dma_wait3A_395 = tpu.memref_squeeze %dma_wait3A_394 : memref<1x1x8x128xi32, #tpu.memory_space<hbm>> -> memref<8x128xi32, #tpu.memory_space<hbm>>
      %dma_wait3A_396 = arith.constant 72 : i32
      %dma_wait3A_397 = arith.constant 0 : i32
      %dma_wait3A_398 = tpu.memref_slice %arg10[%dma_wait3A_396, %dma_wait3A_397] : memref<200x128xi32, #tpu.memory_space<vmem>> -> memref<8x128xi32, #tpu.memory_space<vmem>>
      %dma_wait3A_399 = arith.constant 0 : i32
      %dma_wait3A_400 = arith.constant 0 : i32
      %dma_wait3A_401 = tpu.memref_slice %arg4[%run_scoped3A_9, %add3A, %dma_wait3A_399, %dma_wait3A_400] : memref<25x32x8x128xi32, #tpu.memory_space<hbm>> -> memref<1x1x8x128xi32, #tpu.memory_space<hbm>>
      %dma_wait3A_402 = tpu.memref_squeeze %dma_wait3A_401 : memref<1x1x8x128xi32, #tpu.memory_space<hbm>> -> memref<8x128xi32, #tpu.memory_space<hbm>>
      tpu.wait_dma2 semaphore(%run_scoped3A_374 : memref<!tpu.dma_semaphore, #tpu.memory_space<semaphore_mem>>) src(%dma_wait3A_402 : memref<8x128xi32, #tpu.memory_space<hbm>>) dst(%dma_wait3A_398 : memref<8x128xi32, #tpu.memory_space<vmem>>)
      tpu.yield
    }) : () -> ()
    %run_scoped3A_10 = arith.constant 10 : i32
    "tpu.region"() ({
      %run_scoped3A_374 = tpu.sem_alloc : memref<!tpu.dma_semaphore, #tpu.memory_space<semaphore_mem>>
      %dma_start3A_375 = arith.constant 80 : i32
      %dma_start3A_376 = arith.constant 0 : i32
      %dma_start3A_377 = tpu.memref_slice %arg10[%dma_start3A_375, %dma_start3A_376] : memref<200x128xi32, #tpu.memory_space<vmem>> -> memref<8x128xi32, #tpu.memory_space<vmem>>
      %dma_start3A_378 = arith.constant 0 : i32
      %dma_start3A_379 = arith.constant 0 : i32
      %dma_start3A_380 = tpu.memref_slice %arg4[%run_scoped3A_10, %add3A, %dma_start3A_378, %dma_start3A_379] : memref<25x32x8x128xi32, #tpu.memory_space<hbm>> -> memref<1x1x8x128xi32, #tpu.memory_space<hbm>>
      %dma_start3A_381 = tpu.memref_squeeze %dma_start3A_380 : memref<1x1x8x128xi32, #tpu.memory_space<hbm>> -> memref<8x128xi32, #tpu.memory_space<hbm>>
      %dma_start3A_382 = arith.constant 80 : i32
      %dma_start3A_383 = arith.constant 0 : i32
      %dma_start3A_384 = tpu.memref_slice %arg10[%dma_start3A_382, %dma_start3A_383] : memref<200x128xi32, #tpu.memory_space<vmem>> -> memref<8x128xi32, #tpu.memory_space<vmem>>
      %dma_start3A_385 = arith.constant 0 : i32
      %dma_start3A_386 = arith.constant 0 : i32
      %dma_start3A_387 = tpu.memref_slice %arg4[%run_scoped3A_10, %add3A, %dma_start3A_385, %dma_start3A_386] : memref<25x32x8x128xi32, #tpu.memory_space<hbm>> -> memref<1x1x8x128xi32, #tpu.memory_space<hbm>>
      %dma_start3A_388 = tpu.memref_squeeze %dma_start3A_387 : memref<1x1x8x128xi32, #tpu.memory_space<hbm>> -> memref<8x128xi32, #tpu.memory_space<hbm>>
      tpu.enqueue_dma source(%dma_start3A_388 : memref<8x128xi32, #tpu.memory_space<hbm>>) target(%dma_start3A_384 : memref<8x128xi32, #tpu.memory_space<vmem>>) target_semaphore(%run_scoped3A_374 : memref<!tpu.dma_semaphore, #tpu.memory_space<semaphore_mem>>)
      %dma_wait3A_389 = arith.constant 80 : i32
      %dma_wait3A_390 = arith.constant 0 : i32
      %dma_wait3A_391 = tpu.memref_slice %arg10[%dma_wait3A_389, %dma_wait3A_390] : memref<200x128xi32, #tpu.memory_space<vmem>> -> memref<8x128xi32, #tpu.memory_space<vmem>>
      %dma_wait3A_392 = arith.constant 0 : i32
      %dma_wait3A_393 = arith.constant 0 : i32
      %dma_wait3A_394 = tpu.memref_slice %arg4[%run_scoped3A_10, %add3A, %dma_wait3A_392, %dma_wait3A_393] : memref<25x32x8x128xi32, #tpu.memory_space<hbm>> -> memref<1x1x8x128xi32, #tpu.memory_space<hbm>>
      %dma_wait3A_395 = tpu.memref_squeeze %dma_wait3A_394 : memref<1x1x8x128xi32, #tpu.memory_space<hbm>> -> memref<8x128xi32, #tpu.memory_space<hbm>>
      %dma_wait3A_396 = arith.constant 80 : i32
      %dma_wait3A_397 = arith.constant 0 : i32
      %dma_wait3A_398 = tpu.memref_slice %arg10[%dma_wait3A_396, %dma_wait3A_397] : memref<200x128xi32, #tpu.memory_space<vmem>> -> memref<8x128xi32, #tpu.memory_space<vmem>>
      %dma_wait3A_399 = arith.constant 0 : i32
      %dma_wait3A_400 = arith.constant 0 : i32
      %dma_wait3A_401 = tpu.memref_slice %arg4[%run_scoped3A_10, %add3A, %dma_wait3A_399, %dma_wait3A_400] : memref<25x32x8x128xi32, #tpu.memory_space<hbm>> -> memref<1x1x8x128xi32, #tpu.memory_space<hbm>>
      %dma_wait3A_402 = tpu.memref_squeeze %dma_wait3A_401 : memref<1x1x8x128xi32, #tpu.memory_space<hbm>> -> memref<8x128xi32, #tpu.memory_space<hbm>>
      tpu.wait_dma2 semaphore(%run_scoped3A_374 : memref<!tpu.dma_semaphore, #tpu.memory_space<semaphore_mem>>) src(%dma_wait3A_402 : memref<8x128xi32, #tpu.memory_space<hbm>>) dst(%dma_wait3A_398 : memref<8x128xi32, #tpu.memory_space<vmem>>)
      tpu.yield
    }) : () -> ()
    %run_scoped3A_11 = arith.constant 11 : i32
    "tpu.region"() ({
      %run_scoped3A_374 = tpu.sem_alloc : memref<!tpu.dma_semaphore, #tpu.memory_space<semaphore_mem>>
      %dma_start3A_375 = arith.constant 88 : i32
      %dma_start3A_376 = arith.constant 0 : i32
      %dma_start3A_377 = tpu.memref_slice %arg10[%dma_start3A_375, %dma_start3A_376] : memref<200x128xi32, #tpu.memory_space<vmem>> -> memref<8x128xi32, #tpu.memory_space<vmem>>
      %dma_start3A_378 = arith.constant 0 : i32
      %dma_start3A_379 = arith.constant 0 : i32
      %dma_start3A_380 = tpu.memref_slice %arg4[%run_scoped3A_11, %add3A, %dma_start3A_378, %dma_start3A_379] : memref<25x32x8x128xi32, #tpu.memory_space<hbm>> -> memref<1x1x8x128xi32, #tpu.memory_space<hbm>>
      %dma_start3A_381 = tpu.memref_squeeze %dma_start3A_380 : memref<1x1x8x128xi32, #tpu.memory_space<hbm>> -> memref<8x128xi32, #tpu.memory_space<hbm>>
      %dma_start3A_382 = arith.constant 88 : i32
      %dma_start3A_383 = arith.constant 0 : i32
      %dma_start3A_384 = tpu.memref_slice %arg10[%dma_start3A_382, %dma_start3A_383] : memref<200x128xi32, #tpu.memory_space<vmem>> -> memref<8x128xi32, #tpu.memory_space<vmem>>
      %dma_start3A_385 = arith.constant 0 : i32
      %dma_start3A_386 = arith.constant 0 : i32
      %dma_start3A_387 = tpu.memref_slice %arg4[%run_scoped3A_11, %add3A, %dma_start3A_385, %dma_start3A_386] : memref<25x32x8x128xi32, #tpu.memory_space<hbm>> -> memref<1x1x8x128xi32, #tpu.memory_space<hbm>>
      %dma_start3A_388 = tpu.memref_squeeze %dma_start3A_387 : memref<1x1x8x128xi32, #tpu.memory_space<hbm>> -> memref<8x128xi32, #tpu.memory_space<hbm>>
      tpu.enqueue_dma source(%dma_start3A_388 : memref<8x128xi32, #tpu.memory_space<hbm>>) target(%dma_start3A_384 : memref<8x128xi32, #tpu.memory_space<vmem>>) target_semaphore(%run_scoped3A_374 : memref<!tpu.dma_semaphore, #tpu.memory_space<semaphore_mem>>)
      %dma_wait3A_389 = arith.constant 88 : i32
      %dma_wait3A_390 = arith.constant 0 : i32
      %dma_wait3A_391 = tpu.memref_slice %arg10[%dma_wait3A_389, %dma_wait3A_390] : memref<200x128xi32, #tpu.memory_space<vmem>> -> memref<8x128xi32, #tpu.memory_space<vmem>>
      %dma_wait3A_392 = arith.constant 0 : i32
      %dma_wait3A_393 = arith.constant 0 : i32
      %dma_wait3A_394 = tpu.memref_slice %arg4[%run_scoped3A_11, %add3A, %dma_wait3A_392, %dma_wait3A_393] : memref<25x32x8x128xi32, #tpu.memory_space<hbm>> -> memref<1x1x8x128xi32, #tpu.memory_space<hbm>>
      %dma_wait3A_395 = tpu.memref_squeeze %dma_wait3A_394 : memref<1x1x8x128xi32, #tpu.memory_space<hbm>> -> memref<8x128xi32, #tpu.memory_space<hbm>>
      %dma_wait3A_396 = arith.constant 88 : i32
      %dma_wait3A_397 = arith.constant 0 : i32
      %dma_wait3A_398 = tpu.memref_slice %arg10[%dma_wait3A_396, %dma_wait3A_397] : memref<200x128xi32, #tpu.memory_space<vmem>> -> memref<8x128xi32, #tpu.memory_space<vmem>>
      %dma_wait3A_399 = arith.constant 0 : i32
      %dma_wait3A_400 = arith.constant 0 : i32
      %dma_wait3A_401 = tpu.memref_slice %arg4[%run_scoped3A_11, %add3A, %dma_wait3A_399, %dma_wait3A_400] : memref<25x32x8x128xi32, #tpu.memory_space<hbm>> -> memref<1x1x8x128xi32, #tpu.memory_space<hbm>>
      %dma_wait3A_402 = tpu.memref_squeeze %dma_wait3A_401 : memref<1x1x8x128xi32, #tpu.memory_space<hbm>> -> memref<8x128xi32, #tpu.memory_space<hbm>>
      tpu.wait_dma2 semaphore(%run_scoped3A_374 : memref<!tpu.dma_semaphore, #tpu.memory_space<semaphore_mem>>) src(%dma_wait3A_402 : memref<8x128xi32, #tpu.memory_space<hbm>>) dst(%dma_wait3A_398 : memref<8x128xi32, #tpu.memory_space<vmem>>)
      tpu.yield
    }) : () -> ()
    %run_scoped3A_12 = arith.constant 12 : i32
    "tpu.region"() ({
      %run_scoped3A_374 = tpu.sem_alloc : memref<!tpu.dma_semaphore, #tpu.memory_space<semaphore_mem>>
      %dma_start3A_375 = arith.constant 96 : i32
      %dma_start3A_376 = arith.constant 0 : i32
      %dma_start3A_377 = tpu.memref_slice %arg10[%dma_start3A_375, %dma_start3A_376] : memref<200x128xi32, #tpu.memory_space<vmem>> -> memref<8x128xi32, #tpu.memory_space<vmem>>
      %dma_start3A_378 = arith.constant 0 : i32
      %dma_start3A_379 = arith.constant 0 : i32
      %dma_start3A_380 = tpu.memref_slice %arg4[%run_scoped3A_12, %add3A, %dma_start3A_378, %dma_start3A_379] : memref<25x32x8x128xi32, #tpu.memory_space<hbm>> -> memref<1x1x8x128xi32, #tpu.memory_space<hbm>>
      %dma_start3A_381 = tpu.memref_squeeze %dma_start3A_380 : memref<1x1x8x128xi32, #tpu.memory_space<hbm>> -> memref<8x128xi32, #tpu.memory_space<hbm>>
      %dma_start3A_382 = arith.constant 96 : i32
      %dma_start3A_383 = arith.constant 0 : i32
      %dma_start3A_384 = tpu.memref_slice %arg10[%dma_start3A_382, %dma_start3A_383] : memref<200x128xi32, #tpu.memory_space<vmem>> -> memref<8x128xi32, #tpu.memory_space<vmem>>
      %dma_start3A_385 = arith.constant 0 : i32
      %dma_start3A_386 = arith.constant 0 : i32
      %dma_start3A_387 = tpu.memref_slice %arg4[%run_scoped3A_12, %add3A, %dma_start3A_385, %dma_start3A_386] : memref<25x32x8x128xi32, #tpu.memory_space<hbm>> -> memref<1x1x8x128xi32, #tpu.memory_space<hbm>>
      %dma_start3A_388 = tpu.memref_squeeze %dma_start3A_387 : memref<1x1x8x128xi32, #tpu.memory_space<hbm>> -> memref<8x128xi32, #tpu.memory_space<hbm>>
      tpu.enqueue_dma source(%dma_start3A_388 : memref<8x128xi32, #tpu.memory_space<hbm>>) target(%dma_start3A_384 : memref<8x128xi32, #tpu.memory_space<vmem>>) target_semaphore(%run_scoped3A_374 : memref<!tpu.dma_semaphore, #tpu.memory_space<semaphore_mem>>)
      %dma_wait3A_389 = arith.constant 96 : i32
      %dma_wait3A_390 = arith.constant 0 : i32
      %dma_wait3A_391 = tpu.memref_slice %arg10[%dma_wait3A_389, %dma_wait3A_390] : memref<200x128xi32, #tpu.memory_space<vmem>> -> memref<8x128xi32, #tpu.memory_space<vmem>>
      %dma_wait3A_392 = arith.constant 0 : i32
      %dma_wait3A_393 = arith.constant 0 : i32
      %dma_wait3A_394 = tpu.memref_slice %arg4[%run_scoped3A_12, %add3A, %dma_wait3A_392, %dma_wait3A_393] : memref<25x32x8x128xi32, #tpu.memory_space<hbm>> -> memref<1x1x8x128xi32, #tpu.memory_space<hbm>>
      %dma_wait3A_395 = tpu.memref_squeeze %dma_wait3A_394 : memref<1x1x8x128xi32, #tpu.memory_space<hbm>> -> memref<8x128xi32, #tpu.memory_space<hbm>>
      %dma_wait3A_396 = arith.constant 96 : i32
      %dma_wait3A_397 = arith.constant 0 : i32
      %dma_wait3A_398 = tpu.memref_slice %arg10[%dma_wait3A_396, %dma_wait3A_397] : memref<200x128xi32, #tpu.memory_space<vmem>> -> memref<8x128xi32, #tpu.memory_space<vmem>>
      %dma_wait3A_399 = arith.constant 0 : i32
      %dma_wait3A_400 = arith.constant 0 : i32
      %dma_wait3A_401 = tpu.memref_slice %arg4[%run_scoped3A_12, %add3A, %dma_wait3A_399, %dma_wait3A_400] : memref<25x32x8x128xi32, #tpu.memory_space<hbm>> -> memref<1x1x8x128xi32, #tpu.memory_space<hbm>>
      %dma_wait3A_402 = tpu.memref_squeeze %dma_wait3A_401 : memref<1x1x8x128xi32, #tpu.memory_space<hbm>> -> memref<8x128xi32, #tpu.memory_space<hbm>>
      tpu.wait_dma2 semaphore(%run_scoped3A_374 : memref<!tpu.dma_semaphore, #tpu.memory_space<semaphore_mem>>) src(%dma_wait3A_402 : memref<8x128xi32, #tpu.memory_space<hbm>>) dst(%dma_wait3A_398 : memref<8x128xi32, #tpu.memory_space<vmem>>)
      tpu.yield
    }) : () -> ()
    %run_scoped3A_13 = arith.constant 13 : i32
    "tpu.region"() ({
      %run_scoped3A_374 = tpu.sem_alloc : memref<!tpu.dma_semaphore, #tpu.memory_space<semaphore_mem>>
      %dma_start3A_375 = arith.constant 104 : i32
      %dma_start3A_376 = arith.constant 0 : i32
      %dma_start3A_377 = tpu.memref_slice %arg10[%dma_start3A_375, %dma_start3A_376] : memref<200x128xi32, #tpu.memory_space<vmem>> -> memref<8x128xi32, #tpu.memory_space<vmem>>
      %dma_start3A_378 = arith.constant 0 : i32
      %dma_start3A_379 = arith.constant 0 : i32
      %dma_start3A_380 = tpu.memref_slice %arg4[%run_scoped3A_13, %add3A, %dma_start3A_378, %dma_start3A_379] : memref<25x32x8x128xi32, #tpu.memory_space<hbm>> -> memref<1x1x8x128xi32, #tpu.memory_space<hbm>>
      %dma_start3A_381 = tpu.memref_squeeze %dma_start3A_380 : memref<1x1x8x128xi32, #tpu.memory_space<hbm>> -> memref<8x128xi32, #tpu.memory_space<hbm>>
      %dma_start3A_382 = arith.constant 104 : i32
      %dma_start3A_383 = arith.constant 0 : i32
      %dma_start3A_384 = tpu.memref_slice %arg10[%dma_start3A_382, %dma_start3A_383] : memref<200x128xi32, #tpu.memory_space<vmem>> -> memref<8x128xi32, #tpu.memory_space<vmem>>
      %dma_start3A_385 = arith.constant 0 : i32
      %dma_start3A_386 = arith.constant 0 : i32
      %dma_start3A_387 = tpu.memref_slice %arg4[%run_scoped3A_13, %add3A, %dma_start3A_385, %dma_start3A_386] : memref<25x32x8x128xi32, #tpu.memory_space<hbm>> -> memref<1x1x8x128xi32, #tpu.memory_space<hbm>>
      %dma_start3A_388 = tpu.memref_squeeze %dma_start3A_387 : memref<1x1x8x128xi32, #tpu.memory_space<hbm>> -> memref<8x128xi32, #tpu.memory_space<hbm>>
      tpu.enqueue_dma source(%dma_start3A_388 : memref<8x128xi32, #tpu.memory_space<hbm>>) target(%dma_start3A_384 : memref<8x128xi32, #tpu.memory_space<vmem>>) target_semaphore(%run_scoped3A_374 : memref<!tpu.dma_semaphore, #tpu.memory_space<semaphore_mem>>)
      %dma_wait3A_389 = arith.constant 104 : i32
      %dma_wait3A_390 = arith.constant 0 : i32
      %dma_wait3A_391 = tpu.memref_slice %arg10[%dma_wait3A_389, %dma_wait3A_390] : memref<200x128xi32, #tpu.memory_space<vmem>> -> memref<8x128xi32, #tpu.memory_space<vmem>>
      %dma_wait3A_392 = arith.constant 0 : i32
      %dma_wait3A_393 = arith.constant 0 : i32
      %dma_wait3A_394 = tpu.memref_slice %arg4[%run_scoped3A_13, %add3A, %dma_wait3A_392, %dma_wait3A_393] : memref<25x32x8x128xi32, #tpu.memory_space<hbm>> -> memref<1x1x8x128xi32, #tpu.memory_space<hbm>>
      %dma_wait3A_395 = tpu.memref_squeeze %dma_wait3A_394 : memref<1x1x8x128xi32, #tpu.memory_space<hbm>> -> memref<8x128xi32, #tpu.memory_space<hbm>>
      %dma_wait3A_396 = arith.constant 104 : i32
      %dma_wait3A_397 = arith.constant 0 : i32
      %dma_wait3A_398 = tpu.memref_slice %arg10[%dma_wait3A_396, %dma_wait3A_397] : memref<200x128xi32, #tpu.memory_space<vmem>> -> memref<8x128xi32, #tpu.memory_space<vmem>>
      %dma_wait3A_399 = arith.constant 0 : i32
      %dma_wait3A_400 = arith.constant 0 : i32
      %dma_wait3A_401 = tpu.memref_slice %arg4[%run_scoped3A_13, %add3A, %dma_wait3A_399, %dma_wait3A_400] : memref<25x32x8x128xi32, #tpu.memory_space<hbm>> -> memref<1x1x8x128xi32, #tpu.memory_space<hbm>>
      %dma_wait3A_402 = tpu.memref_squeeze %dma_wait3A_401 : memref<1x1x8x128xi32, #tpu.memory_space<hbm>> -> memref<8x128xi32, #tpu.memory_space<hbm>>
      tpu.wait_dma2 semaphore(%run_scoped3A_374 : memref<!tpu.dma_semaphore, #tpu.memory_space<semaphore_mem>>) src(%dma_wait3A_402 : memref<8x128xi32, #tpu.memory_space<hbm>>) dst(%dma_wait3A_398 : memref<8x128xi32, #tpu.memory_space<vmem>>)
      tpu.yield
    }) : () -> ()
    %run_scoped3A_14 = arith.constant 14 : i32
    "tpu.region"() ({
      %run_scoped3A_374 = tpu.sem_alloc : memref<!tpu.dma_semaphore, #tpu.memory_space<semaphore_mem>>
      %dma_start3A_375 = arith.constant 112 : i32
      %dma_start3A_376 = arith.constant 0 : i32
      %dma_start3A_377 = tpu.memref_slice %arg10[%dma_start3A_375, %dma_start3A_376] : memref<200x128xi32, #tpu.memory_space<vmem>> -> memref<8x128xi32, #tpu.memory_space<vmem>>
      %dma_start3A_378 = arith.constant 0 : i32
      %dma_start3A_379 = arith.constant 0 : i32
      %dma_start3A_380 = tpu.memref_slice %arg4[%run_scoped3A_14, %add3A, %dma_start3A_378, %dma_start3A_379] : memref<25x32x8x128xi32, #tpu.memory_space<hbm>> -> memref<1x1x8x128xi32, #tpu.memory_space<hbm>>
      %dma_start3A_381 = tpu.memref_squeeze %dma_start3A_380 : memref<1x1x8x128xi32, #tpu.memory_space<hbm>> -> memref<8x128xi32, #tpu.memory_space<hbm>>
      %dma_start3A_382 = arith.constant 112 : i32
      %dma_start3A_383 = arith.constant 0 : i32
      %dma_start3A_384 = tpu.memref_slice %arg10[%dma_start3A_382, %dma_start3A_383] : memref<200x128xi32, #tpu.memory_space<vmem>> -> memref<8x128xi32, #tpu.memory_space<vmem>>
      %dma_start3A_385 = arith.constant 0 : i32
      %dma_start3A_386 = arith.constant 0 : i32
      %dma_start3A_387 = tpu.memref_slice %arg4[%run_scoped3A_14, %add3A, %dma_start3A_385, %dma_start3A_386] : memref<25x32x8x128xi32, #tpu.memory_space<hbm>> -> memref<1x1x8x128xi32, #tpu.memory_space<hbm>>
      %dma_start3A_388 = tpu.memref_squeeze %dma_start3A_387 : memref<1x1x8x128xi32, #tpu.memory_space<hbm>> -> memref<8x128xi32, #tpu.memory_space<hbm>>
      tpu.enqueue_dma source(%dma_start3A_388 : memref<8x128xi32, #tpu.memory_space<hbm>>) target(%dma_start3A_384 : memref<8x128xi32, #tpu.memory_space<vmem>>) target_semaphore(%run_scoped3A_374 : memref<!tpu.dma_semaphore, #tpu.memory_space<semaphore_mem>>)
      %dma_wait3A_389 = arith.constant 112 : i32
      %dma_wait3A_390 = arith.constant 0 : i32
      %dma_wait3A_391 = tpu.memref_slice %arg10[%dma_wait3A_389, %dma_wait3A_390] : memref<200x128xi32, #tpu.memory_space<vmem>> -> memref<8x128xi32, #tpu.memory_space<vmem>>
      %dma_wait3A_392 = arith.constant 0 : i32
      %dma_wait3A_393 = arith.constant 0 : i32
      %dma_wait3A_394 = tpu.memref_slice %arg4[%run_scoped3A_14, %add3A, %dma_wait3A_392, %dma_wait3A_393] : memref<25x32x8x128xi32, #tpu.memory_space<hbm>> -> memref<1x1x8x128xi32, #tpu.memory_space<hbm>>
      %dma_wait3A_395 = tpu.memref_squeeze %dma_wait3A_394 : memref<1x1x8x128xi32, #tpu.memory_space<hbm>> -> memref<8x128xi32, #tpu.memory_space<hbm>>
      %dma_wait3A_396 = arith.constant 112 : i32
      %dma_wait3A_397 = arith.constant 0 : i32
      %dma_wait3A_398 = tpu.memref_slice %arg10[%dma_wait3A_396, %dma_wait3A_397] : memref<200x128xi32, #tpu.memory_space<vmem>> -> memref<8x128xi32, #tpu.memory_space<vmem>>
      %dma_wait3A_399 = arith.constant 0 : i32
      %dma_wait3A_400 = arith.constant 0 : i32
      %dma_wait3A_401 = tpu.memref_slice %arg4[%run_scoped3A_14, %add3A, %dma_wait3A_399, %dma_wait3A_400] : memref<25x32x8x128xi32, #tpu.memory_space<hbm>> -> memref<1x1x8x128xi32, #tpu.memory_space<hbm>>
      %dma_wait3A_402 = tpu.memref_squeeze %dma_wait3A_401 : memref<1x1x8x128xi32, #tpu.memory_space<hbm>> -> memref<8x128xi32, #tpu.memory_space<hbm>>
      tpu.wait_dma2 semaphore(%run_scoped3A_374 : memref<!tpu.dma_semaphore, #tpu.memory_space<semaphore_mem>>) src(%dma_wait3A_402 : memref<8x128xi32, #tpu.memory_space<hbm>>) dst(%dma_wait3A_398 : memref<8x128xi32, #tpu.memory_space<vmem>>)
      tpu.yield
    }) : () -> ()
    %run_scoped3A_15 = arith.constant 15 : i32
    "tpu.region"() ({
      %run_scoped3A_374 = tpu.sem_alloc : memref<!tpu.dma_semaphore, #tpu.memory_space<semaphore_mem>>
      %dma_start3A_375 = arith.constant 120 : i32
      %dma_start3A_376 = arith.constant 0 : i32
      %dma_start3A_377 = tpu.memref_slice %arg10[%dma_start3A_375, %dma_start3A_376] : memref<200x128xi32, #tpu.memory_space<vmem>> -> memref<8x128xi32, #tpu.memory_space<vmem>>
      %dma_start3A_378 = arith.constant 0 : i32
      %dma_start3A_379 = arith.constant 0 : i32
      %dma_start3A_380 = tpu.memref_slice %arg4[%run_scoped3A_15, %add3A, %dma_start3A_378, %dma_start3A_379] : memref<25x32x8x128xi32, #tpu.memory_space<hbm>> -> memref<1x1x8x128xi32, #tpu.memory_space<hbm>>
      %dma_start3A_381 = tpu.memref_squeeze %dma_start3A_380 : memref<1x1x8x128xi32, #tpu.memory_space<hbm>> -> memref<8x128xi32, #tpu.memory_space<hbm>>
      %dma_start3A_382 = arith.constant 120 : i32
      %dma_start3A_383 = arith.constant 0 : i32
      %dma_start3A_384 = tpu.memref_slice %arg10[%dma_start3A_382, %dma_start3A_383] : memref<200x128xi32, #tpu.memory_space<vmem>> -> memref<8x128xi32, #tpu.memory_space<vmem>>
      %dma_start3A_385 = arith.constant 0 : i32
      %dma_start3A_386 = arith.constant 0 : i32
      %dma_start3A_387 = tpu.memref_slice %arg4[%run_scoped3A_15, %add3A, %dma_start3A_385, %dma_start3A_386] : memref<25x32x8x128xi32, #tpu.memory_space<hbm>> -> memref<1x1x8x128xi32, #tpu.memory_space<hbm>>
      %dma_start3A_388 = tpu.memref_squeeze %dma_start3A_387 : memref<1x1x8x128xi32, #tpu.memory_space<hbm>> -> memref<8x128xi32, #tpu.memory_space<hbm>>
      tpu.enqueue_dma source(%dma_start3A_388 : memref<8x128xi32, #tpu.memory_space<hbm>>) target(%dma_start3A_384 : memref<8x128xi32, #tpu.memory_space<vmem>>) target_semaphore(%run_scoped3A_374 : memref<!tpu.dma_semaphore, #tpu.memory_space<semaphore_mem>>)
      %dma_wait3A_389 = arith.constant 120 : i32
      %dma_wait3A_390 = arith.constant 0 : i32
      %dma_wait3A_391 = tpu.memref_slice %arg10[%dma_wait3A_389, %dma_wait3A_390] : memref<200x128xi32, #tpu.memory_space<vmem>> -> memref<8x128xi32, #tpu.memory_space<vmem>>
      %dma_wait3A_392 = arith.constant 0 : i32
      %dma_wait3A_393 = arith.constant 0 : i32
      %dma_wait3A_394 = tpu.memref_slice %arg4[%run_scoped3A_15, %add3A, %dma_wait3A_392, %dma_wait3A_393] : memref<25x32x8x128xi32, #tpu.memory_space<hbm>> -> memref<1x1x8x128xi32, #tpu.memory_space<hbm>>
      %dma_wait3A_395 = tpu.memref_squeeze %dma_wait3A_394 : memref<1x1x8x128xi32, #tpu.memory_space<hbm>> -> memref<8x128xi32, #tpu.memory_space<hbm>>
      %dma_wait3A_396 = arith.constant 120 : i32
      %dma_wait3A_397 = arith.constant 0 : i32
      %dma_wait3A_398 = tpu.memref_slice %arg10[%dma_wait3A_396, %dma_wait3A_397] : memref<200x128xi32, #tpu.memory_space<vmem>> -> memref<8x128xi32, #tpu.memory_space<vmem>>
      %dma_wait3A_399 = arith.constant 0 : i32
      %dma_wait3A_400 = arith.constant 0 : i32
      %dma_wait3A_401 = tpu.memref_slice %arg4[%run_scoped3A_15, %add3A, %dma_wait3A_399, %dma_wait3A_400] : memref<25x32x8x128xi32, #tpu.memory_space<hbm>> -> memref<1x1x8x128xi32, #tpu.memory_space<hbm>>
      %dma_wait3A_402 = tpu.memref_squeeze %dma_wait3A_401 : memref<1x1x8x128xi32, #tpu.memory_space<hbm>> -> memref<8x128xi32, #tpu.memory_space<hbm>>
      tpu.wait_dma2 semaphore(%run_scoped3A_374 : memref<!tpu.dma_semaphore, #tpu.memory_space<semaphore_mem>>) src(%dma_wait3A_402 : memref<8x128xi32, #tpu.memory_space<hbm>>) dst(%dma_wait3A_398 : memref<8x128xi32, #tpu.memory_space<vmem>>)
      tpu.yield
    }) : () -> ()
    %run_scoped3A_16 = arith.constant 16 : i32
    "tpu.region"() ({
      %run_scoped3A_374 = tpu.sem_alloc : memref<!tpu.dma_semaphore, #tpu.memory_space<semaphore_mem>>
      %dma_start3A_375 = arith.constant 128 : i32
      %dma_start3A_376 = arith.constant 0 : i32
      %dma_start3A_377 = tpu.memref_slice %arg10[%dma_start3A_375, %dma_start3A_376] : memref<200x128xi32, #tpu.memory_space<vmem>> -> memref<8x128xi32, #tpu.memory_space<vmem>>
      %dma_start3A_378 = arith.constant 0 : i32
      %dma_start3A_379 = arith.constant 0 : i32
      %dma_start3A_380 = tpu.memref_slice %arg4[%run_scoped3A_16, %add3A, %dma_start3A_378, %dma_start3A_379] : memref<25x32x8x128xi32, #tpu.memory_space<hbm>> -> memref<1x1x8x128xi32, #tpu.memory_space<hbm>>
      %dma_start3A_381 = tpu.memref_squeeze %dma_start3A_380 : memref<1x1x8x128xi32, #tpu.memory_space<hbm>> -> memref<8x128xi32, #tpu.memory_space<hbm>>
      %dma_start3A_382 = arith.constant 128 : i32
      %dma_start3A_383 = arith.constant 0 : i32
      %dma_start3A_384 = tpu.memref_slice %arg10[%dma_start3A_382, %dma_start3A_383] : memref<200x128xi32, #tpu.memory_space<vmem>> -> memref<8x128xi32, #tpu.memory_space<vmem>>
      %dma_start3A_385 = arith.constant 0 : i32
      %dma_start3A_386 = arith.constant 0 : i32
      %dma_start3A_387 = tpu.memref_slice %arg4[%run_scoped3A_16, %add3A, %dma_start3A_385, %dma_start3A_386] : memref<25x32x8x128xi32, #tpu.memory_space<hbm>> -> memref<1x1x8x128xi32, #tpu.memory_space<hbm>>
      %dma_start3A_388 = tpu.memref_squeeze %dma_start3A_387 : memref<1x1x8x128xi32, #tpu.memory_space<hbm>> -> memref<8x128xi32, #tpu.memory_space<hbm>>
      tpu.enqueue_dma source(%dma_start3A_388 : memref<8x128xi32, #tpu.memory_space<hbm>>) target(%dma_start3A_384 : memref<8x128xi32, #tpu.memory_space<vmem>>) target_semaphore(%run_scoped3A_374 : memref<!tpu.dma_semaphore, #tpu.memory_space<semaphore_mem>>)
      %dma_wait3A_389 = arith.constant 128 : i32
      %dma_wait3A_390 = arith.constant 0 : i32
      %dma_wait3A_391 = tpu.memref_slice %arg10[%dma_wait3A_389, %dma_wait3A_390] : memref<200x128xi32, #tpu.memory_space<vmem>> -> memref<8x128xi32, #tpu.memory_space<vmem>>
      %dma_wait3A_392 = arith.constant 0 : i32
      %dma_wait3A_393 = arith.constant 0 : i32
      %dma_wait3A_394 = tpu.memref_slice %arg4[%run_scoped3A_16, %add3A, %dma_wait3A_392, %dma_wait3A_393] : memref<25x32x8x128xi32, #tpu.memory_space<hbm>> -> memref<1x1x8x128xi32, #tpu.memory_space<hbm>>
      %dma_wait3A_395 = tpu.memref_squeeze %dma_wait3A_394 : memref<1x1x8x128xi32, #tpu.memory_space<hbm>> -> memref<8x128xi32, #tpu.memory_space<hbm>>
      %dma_wait3A_396 = arith.constant 128 : i32
      %dma_wait3A_397 = arith.constant 0 : i32
      %dma_wait3A_398 = tpu.memref_slice %arg10[%dma_wait3A_396, %dma_wait3A_397] : memref<200x128xi32, #tpu.memory_space<vmem>> -> memref<8x128xi32, #tpu.memory_space<vmem>>
      %dma_wait3A_399 = arith.constant 0 : i32
      %dma_wait3A_400 = arith.constant 0 : i32
      %dma_wait3A_401 = tpu.memref_slice %arg4[%run_scoped3A_16, %add3A, %dma_wait3A_399, %dma_wait3A_400] : memref<25x32x8x128xi32, #tpu.memory_space<hbm>> -> memref<1x1x8x128xi32, #tpu.memory_space<hbm>>
      %dma_wait3A_402 = tpu.memref_squeeze %dma_wait3A_401 : memref<1x1x8x128xi32, #tpu.memory_space<hbm>> -> memref<8x128xi32, #tpu.memory_space<hbm>>
      tpu.wait_dma2 semaphore(%run_scoped3A_374 : memref<!tpu.dma_semaphore, #tpu.memory_space<semaphore_mem>>) src(%dma_wait3A_402 : memref<8x128xi32, #tpu.memory_space<hbm>>) dst(%dma_wait3A_398 : memref<8x128xi32, #tpu.memory_space<vmem>>)
      tpu.yield
    }) : () -> ()
    %run_scoped3A_17 = arith.constant 17 : i32
    "tpu.region"() ({
      %run_scoped3A_374 = tpu.sem_alloc : memref<!tpu.dma_semaphore, #tpu.memory_space<semaphore_mem>>
      %dma_start3A_375 = arith.constant 136 : i32
      %dma_start3A_376 = arith.constant 0 : i32
      %dma_start3A_377 = tpu.memref_slice %arg10[%dma_start3A_375, %dma_start3A_376] : memref<200x128xi32, #tpu.memory_space<vmem>> -> memref<8x128xi32, #tpu.memory_space<vmem>>
      %dma_start3A_378 = arith.constant 0 : i32
      %dma_start3A_379 = arith.constant 0 : i32
      %dma_start3A_380 = tpu.memref_slice %arg4[%run_scoped3A_17, %add3A, %dma_start3A_378, %dma_start3A_379] : memref<25x32x8x128xi32, #tpu.memory_space<hbm>> -> memref<1x1x8x128xi32, #tpu.memory_space<hbm>>
      %dma_start3A_381 = tpu.memref_squeeze %dma_start3A_380 : memref<1x1x8x128xi32, #tpu.memory_space<hbm>> -> memref<8x128xi32, #tpu.memory_space<hbm>>
      %dma_start3A_382 = arith.constant 136 : i32
      %dma_start3A_383 = arith.constant 0 : i32
      %dma_start3A_384 = tpu.memref_slice %arg10[%dma_start3A_382, %dma_start3A_383] : memref<200x128xi32, #tpu.memory_space<vmem>> -> memref<8x128xi32, #tpu.memory_space<vmem>>
      %dma_start3A_385 = arith.constant 0 : i32
      %dma_start3A_386 = arith.constant 0 : i32
      %dma_start3A_387 = tpu.memref_slice %arg4[%run_scoped3A_17, %add3A, %dma_start3A_385, %dma_start3A_386] : memref<25x32x8x128xi32, #tpu.memory_space<hbm>> -> memref<1x1x8x128xi32, #tpu.memory_space<hbm>>
      %dma_start3A_388 = tpu.memref_squeeze %dma_start3A_387 : memref<1x1x8x128xi32, #tpu.memory_space<hbm>> -> memref<8x128xi32, #tpu.memory_space<hbm>>
      tpu.enqueue_dma source(%dma_start3A_388 : memref<8x128xi32, #tpu.memory_space<hbm>>) target(%dma_start3A_384 : memref<8x128xi32, #tpu.memory_space<vmem>>) target_semaphore(%run_scoped3A_374 : memref<!tpu.dma_semaphore, #tpu.memory_space<semaphore_mem>>)
      %dma_wait3A_389 = arith.constant 136 : i32
      %dma_wait3A_390 = arith.constant 0 : i32
      %dma_wait3A_391 = tpu.memref_slice %arg10[%dma_wait3A_389, %dma_wait3A_390] : memref<200x128xi32, #tpu.memory_space<vmem>> -> memref<8x128xi32, #tpu.memory_space<vmem>>
      %dma_wait3A_392 = arith.constant 0 : i32
      %dma_wait3A_393 = arith.constant 0 : i32
      %dma_wait3A_394 = tpu.memref_slice %arg4[%run_scoped3A_17, %add3A, %dma_wait3A_392, %dma_wait3A_393] : memref<25x32x8x128xi32, #tpu.memory_space<hbm>> -> memref<1x1x8x128xi32, #tpu.memory_space<hbm>>
      %dma_wait3A_395 = tpu.memref_squeeze %dma_wait3A_394 : memref<1x1x8x128xi32, #tpu.memory_space<hbm>> -> memref<8x128xi32, #tpu.memory_space<hbm>>
      %dma_wait3A_396 = arith.constant 136 : i32
      %dma_wait3A_397 = arith.constant 0 : i32
      %dma_wait3A_398 = tpu.memref_slice %arg10[%dma_wait3A_396, %dma_wait3A_397] : memref<200x128xi32, #tpu.memory_space<vmem>> -> memref<8x128xi32, #tpu.memory_space<vmem>>
      %dma_wait3A_399 = arith.constant 0 : i32
      %dma_wait3A_400 = arith.constant 0 : i32
      %dma_wait3A_401 = tpu.memref_slice %arg4[%run_scoped3A_17, %add3A, %dma_wait3A_399, %dma_wait3A_400] : memref<25x32x8x128xi32, #tpu.memory_space<hbm>> -> memref<1x1x8x128xi32, #tpu.memory_space<hbm>>
      %dma_wait3A_402 = tpu.memref_squeeze %dma_wait3A_401 : memref<1x1x8x128xi32, #tpu.memory_space<hbm>> -> memref<8x128xi32, #tpu.memory_space<hbm>>
      tpu.wait_dma2 semaphore(%run_scoped3A_374 : memref<!tpu.dma_semaphore, #tpu.memory_space<semaphore_mem>>) src(%dma_wait3A_402 : memref<8x128xi32, #tpu.memory_space<hbm>>) dst(%dma_wait3A_398 : memref<8x128xi32, #tpu.memory_space<vmem>>)
      tpu.yield
    }) : () -> ()
    %run_scoped3A_18 = arith.constant 18 : i32
    "tpu.region"() ({
      %run_scoped3A_374 = tpu.sem_alloc : memref<!tpu.dma_semaphore, #tpu.memory_space<semaphore_mem>>
      %dma_start3A_375 = arith.constant 144 : i32
      %dma_start3A_376 = arith.constant 0 : i32
      %dma_start3A_377 = tpu.memref_slice %arg10[%dma_start3A_375, %dma_start3A_376] : memref<200x128xi32, #tpu.memory_space<vmem>> -> memref<8x128xi32, #tpu.memory_space<vmem>>
      %dma_start3A_378 = arith.constant 0 : i32
      %dma_start3A_379 = arith.constant 0 : i32
      %dma_start3A_380 = tpu.memref_slice %arg4[%run_scoped3A_18, %add3A, %dma_start3A_378, %dma_start3A_379] : memref<25x32x8x128xi32, #tpu.memory_space<hbm>> -> memref<1x1x8x128xi32, #tpu.memory_space<hbm>>
      %dma_start3A_381 = tpu.memref_squeeze %dma_start3A_380 : memref<1x1x8x128xi32, #tpu.memory_space<hbm>> -> memref<8x128xi32, #tpu.memory_space<hbm>>
      %dma_start3A_382 = arith.constant 144 : i32
      %dma_start3A_383 = arith.constant 0 : i32
      %dma_start3A_384 = tpu.memref_slice %arg10[%dma_start3A_382, %dma_start3A_383] : memref<200x128xi32, #tpu.memory_space<vmem>> -> memref<8x128xi32, #tpu.memory_space<vmem>>
      %dma_start3A_385 = arith.constant 0 : i32
      %dma_start3A_386 = arith.constant 0 : i32
      %dma_start3A_387 = tpu.memref_slice %arg4[%run_scoped3A_18, %add3A, %dma_start3A_385, %dma_start3A_386] : memref<25x32x8x128xi32, #tpu.memory_space<hbm>> -> memref<1x1x8x128xi32, #tpu.memory_space<hbm>>
      %dma_start3A_388 = tpu.memref_squeeze %dma_start3A_387 : memref<1x1x8x128xi32, #tpu.memory_space<hbm>> -> memref<8x128xi32, #tpu.memory_space<hbm>>
      tpu.enqueue_dma source(%dma_start3A_388 : memref<8x128xi32, #tpu.memory_space<hbm>>) target(%dma_start3A_384 : memref<8x128xi32, #tpu.memory_space<vmem>>) target_semaphore(%run_scoped3A_374 : memref<!tpu.dma_semaphore, #tpu.memory_space<semaphore_mem>>)
      %dma_wait3A_389 = arith.constant 144 : i32
      %dma_wait3A_390 = arith.constant 0 : i32
      %dma_wait3A_391 = tpu.memref_slice %arg10[%dma_wait3A_389, %dma_wait3A_390] : memref<200x128xi32, #tpu.memory_space<vmem>> -> memref<8x128xi32, #tpu.memory_space<vmem>>
      %dma_wait3A_392 = arith.constant 0 : i32
      %dma_wait3A_393 = arith.constant 0 : i32
      %dma_wait3A_394 = tpu.memref_slice %arg4[%run_scoped3A_18, %add3A, %dma_wait3A_392, %dma_wait3A_393] : memref<25x32x8x128xi32, #tpu.memory_space<hbm>> -> memref<1x1x8x128xi32, #tpu.memory_space<hbm>>
      %dma_wait3A_395 = tpu.memref_squeeze %dma_wait3A_394 : memref<1x1x8x128xi32, #tpu.memory_space<hbm>> -> memref<8x128xi32, #tpu.memory_space<hbm>>
      %dma_wait3A_396 = arith.constant 144 : i32
      %dma_wait3A_397 = arith.constant 0 : i32
      %dma_wait3A_398 = tpu.memref_slice %arg10[%dma_wait3A_396, %dma_wait3A_397] : memref<200x128xi32, #tpu.memory_space<vmem>> -> memref<8x128xi32, #tpu.memory_space<vmem>>
      %dma_wait3A_399 = arith.constant 0 : i32
      %dma_wait3A_400 = arith.constant 0 : i32
      %dma_wait3A_401 = tpu.memref_slice %arg4[%run_scoped3A_18, %add3A, %dma_wait3A_399, %dma_wait3A_400] : memref<25x32x8x128xi32, #tpu.memory_space<hbm>> -> memref<1x1x8x128xi32, #tpu.memory_space<hbm>>
      %dma_wait3A_402 = tpu.memref_squeeze %dma_wait3A_401 : memref<1x1x8x128xi32, #tpu.memory_space<hbm>> -> memref<8x128xi32, #tpu.memory_space<hbm>>
      tpu.wait_dma2 semaphore(%run_scoped3A_374 : memref<!tpu.dma_semaphore, #tpu.memory_space<semaphore_mem>>) src(%dma_wait3A_402 : memref<8x128xi32, #tpu.memory_space<hbm>>) dst(%dma_wait3A_398 : memref<8x128xi32, #tpu.memory_space<vmem>>)
      tpu.yield
    }) : () -> ()
    %run_scoped3A_19 = arith.constant 19 : i32
    "tpu.region"() ({
      %run_scoped3A_374 = tpu.sem_alloc : memref<!tpu.dma_semaphore, #tpu.memory_space<semaphore_mem>>
      %dma_start3A_375 = arith.constant 152 : i32
      %dma_start3A_376 = arith.constant 0 : i32
      %dma_start3A_377 = tpu.memref_slice %arg10[%dma_start3A_375, %dma_start3A_376] : memref<200x128xi32, #tpu.memory_space<vmem>> -> memref<8x128xi32, #tpu.memory_space<vmem>>
      %dma_start3A_378 = arith.constant 0 : i32
      %dma_start3A_379 = arith.constant 0 : i32
      %dma_start3A_380 = tpu.memref_slice %arg4[%run_scoped3A_19, %add3A, %dma_start3A_378, %dma_start3A_379] : memref<25x32x8x128xi32, #tpu.memory_space<hbm>> -> memref<1x1x8x128xi32, #tpu.memory_space<hbm>>
      %dma_start3A_381 = tpu.memref_squeeze %dma_start3A_380 : memref<1x1x8x128xi32, #tpu.memory_space<hbm>> -> memref<8x128xi32, #tpu.memory_space<hbm>>
      %dma_start3A_382 = arith.constant 152 : i32
      %dma_start3A_383 = arith.constant 0 : i32
      %dma_start3A_384 = tpu.memref_slice %arg10[%dma_start3A_382, %dma_start3A_383] : memref<200x128xi32, #tpu.memory_space<vmem>> -> memref<8x128xi32, #tpu.memory_space<vmem>>
      %dma_start3A_385 = arith.constant 0 : i32
      %dma_start3A_386 = arith.constant 0 : i32
      %dma_start3A_387 = tpu.memref_slice %arg4[%run_scoped3A_19, %add3A, %dma_start3A_385, %dma_start3A_386] : memref<25x32x8x128xi32, #tpu.memory_space<hbm>> -> memref<1x1x8x128xi32, #tpu.memory_space<hbm>>
      %dma_start3A_388 = tpu.memref_squeeze %dma_start3A_387 : memref<1x1x8x128xi32, #tpu.memory_space<hbm>> -> memref<8x128xi32, #tpu.memory_space<hbm>>
      tpu.enqueue_dma source(%dma_start3A_388 : memref<8x128xi32, #tpu.memory_space<hbm>>) target(%dma_start3A_384 : memref<8x128xi32, #tpu.memory_space<vmem>>) target_semaphore(%run_scoped3A_374 : memref<!tpu.dma_semaphore, #tpu.memory_space<semaphore_mem>>)
      %dma_wait3A_389 = arith.constant 152 : i32
      %dma_wait3A_390 = arith.constant 0 : i32
      %dma_wait3A_391 = tpu.memref_slice %arg10[%dma_wait3A_389, %dma_wait3A_390] : memref<200x128xi32, #tpu.memory_space<vmem>> -> memref<8x128xi32, #tpu.memory_space<vmem>>
      %dma_wait3A_392 = arith.constant 0 : i32
      %dma_wait3A_393 = arith.constant 0 : i32
      %dma_wait3A_394 = tpu.memref_slice %arg4[%run_scoped3A_19, %add3A, %dma_wait3A_392, %dma_wait3A_393] : memref<25x32x8x128xi32, #tpu.memory_space<hbm>> -> memref<1x1x8x128xi32, #tpu.memory_space<hbm>>
      %dma_wait3A_395 = tpu.memref_squeeze %dma_wait3A_394 : memref<1x1x8x128xi32, #tpu.memory_space<hbm>> -> memref<8x128xi32, #tpu.memory_space<hbm>>
      %dma_wait3A_396 = arith.constant 152 : i32
      %dma_wait3A_397 = arith.constant 0 : i32
      %dma_wait3A_398 = tpu.memref_slice %arg10[%dma_wait3A_396, %dma_wait3A_397] : memref<200x128xi32, #tpu.memory_space<vmem>> -> memref<8x128xi32, #tpu.memory_space<vmem>>
      %dma_wait3A_399 = arith.constant 0 : i32
      %dma_wait3A_400 = arith.constant 0 : i32
      %dma_wait3A_401 = tpu.memref_slice %arg4[%run_scoped3A_19, %add3A, %dma_wait3A_399, %dma_wait3A_400] : memref<25x32x8x128xi32, #tpu.memory_space<hbm>> -> memref<1x1x8x128xi32, #tpu.memory_space<hbm>>
      %dma_wait3A_402 = tpu.memref_squeeze %dma_wait3A_401 : memref<1x1x8x128xi32, #tpu.memory_space<hbm>> -> memref<8x128xi32, #tpu.memory_space<hbm>>
      tpu.wait_dma2 semaphore(%run_scoped3A_374 : memref<!tpu.dma_semaphore, #tpu.memory_space<semaphore_mem>>) src(%dma_wait3A_402 : memref<8x128xi32, #tpu.memory_space<hbm>>) dst(%dma_wait3A_398 : memref<8x128xi32, #tpu.memory_space<vmem>>)
      tpu.yield
    }) : () -> ()
    %run_scoped3A_20 = arith.constant 20 : i32
    "tpu.region"() ({
      %run_scoped3A_374 = tpu.sem_alloc : memref<!tpu.dma_semaphore, #tpu.memory_space<semaphore_mem>>
      %dma_start3A_375 = arith.constant 160 : i32
      %dma_start3A_376 = arith.constant 0 : i32
      %dma_start3A_377 = tpu.memref_slice %arg10[%dma_start3A_375, %dma_start3A_376] : memref<200x128xi32, #tpu.memory_space<vmem>> -> memref<8x128xi32, #tpu.memory_space<vmem>>
      %dma_start3A_378 = arith.constant 0 : i32
      %dma_start3A_379 = arith.constant 0 : i32
      %dma_start3A_380 = tpu.memref_slice %arg4[%run_scoped3A_20, %add3A, %dma_start3A_378, %dma_start3A_379] : memref<25x32x8x128xi32, #tpu.memory_space<hbm>> -> memref<1x1x8x128xi32, #tpu.memory_space<hbm>>
      %dma_start3A_381 = tpu.memref_squeeze %dma_start3A_380 : memref<1x1x8x128xi32, #tpu.memory_space<hbm>> -> memref<8x128xi32, #tpu.memory_space<hbm>>
      %dma_start3A_382 = arith.constant 160 : i32
      %dma_start3A_383 = arith.constant 0 : i32
      %dma_start3A_384 = tpu.memref_slice %arg10[%dma_start3A_382, %dma_start3A_383] : memref<200x128xi32, #tpu.memory_space<vmem>> -> memref<8x128xi32, #tpu.memory_space<vmem>>
      %dma_start3A_385 = arith.constant 0 : i32
      %dma_start3A_386 = arith.constant 0 : i32
      %dma_start3A_387 = tpu.memref_slice %arg4[%run_scoped3A_20, %add3A, %dma_start3A_385, %dma_start3A_386] : memref<25x32x8x128xi32, #tpu.memory_space<hbm>> -> memref<1x1x8x128xi32, #tpu.memory_space<hbm>>
      %dma_start3A_388 = tpu.memref_squeeze %dma_start3A_387 : memref<1x1x8x128xi32, #tpu.memory_space<hbm>> -> memref<8x128xi32, #tpu.memory_space<hbm>>
      tpu.enqueue_dma source(%dma_start3A_388 : memref<8x128xi32, #tpu.memory_space<hbm>>) target(%dma_start3A_384 : memref<8x128xi32, #tpu.memory_space<vmem>>) target_semaphore(%run_scoped3A_374 : memref<!tpu.dma_semaphore, #tpu.memory_space<semaphore_mem>>)
      %dma_wait3A_389 = arith.constant 160 : i32
      %dma_wait3A_390 = arith.constant 0 : i32
      %dma_wait3A_391 = tpu.memref_slice %arg10[%dma_wait3A_389, %dma_wait3A_390] : memref<200x128xi32, #tpu.memory_space<vmem>> -> memref<8x128xi32, #tpu.memory_space<vmem>>
      %dma_wait3A_392 = arith.constant 0 : i32
      %dma_wait3A_393 = arith.constant 0 : i32
      %dma_wait3A_394 = tpu.memref_slice %arg4[%run_scoped3A_20, %add3A, %dma_wait3A_392, %dma_wait3A_393] : memref<25x32x8x128xi32, #tpu.memory_space<hbm>> -> memref<1x1x8x128xi32, #tpu.memory_space<hbm>>
      %dma_wait3A_395 = tpu.memref_squeeze %dma_wait3A_394 : memref<1x1x8x128xi32, #tpu.memory_space<hbm>> -> memref<8x128xi32, #tpu.memory_space<hbm>>
      %dma_wait3A_396 = arith.constant 160 : i32
      %dma_wait3A_397 = arith.constant 0 : i32
      %dma_wait3A_398 = tpu.memref_slice %arg10[%dma_wait3A_396, %dma_wait3A_397] : memref<200x128xi32, #tpu.memory_space<vmem>> -> memref<8x128xi32, #tpu.memory_space<vmem>>
      %dma_wait3A_399 = arith.constant 0 : i32
      %dma_wait3A_400 = arith.constant 0 : i32
      %dma_wait3A_401 = tpu.memref_slice %arg4[%run_scoped3A_20, %add3A, %dma_wait3A_399, %dma_wait3A_400] : memref<25x32x8x128xi32, #tpu.memory_space<hbm>> -> memref<1x1x8x128xi32, #tpu.memory_space<hbm>>
      %dma_wait3A_402 = tpu.memref_squeeze %dma_wait3A_401 : memref<1x1x8x128xi32, #tpu.memory_space<hbm>> -> memref<8x128xi32, #tpu.memory_space<hbm>>
      tpu.wait_dma2 semaphore(%run_scoped3A_374 : memref<!tpu.dma_semaphore, #tpu.memory_space<semaphore_mem>>) src(%dma_wait3A_402 : memref<8x128xi32, #tpu.memory_space<hbm>>) dst(%dma_wait3A_398 : memref<8x128xi32, #tpu.memory_space<vmem>>)
      tpu.yield
    }) : () -> ()
    %run_scoped3A_21 = arith.constant 21 : i32
    "tpu.region"() ({
      %run_scoped3A_374 = tpu.sem_alloc : memref<!tpu.dma_semaphore, #tpu.memory_space<semaphore_mem>>
      %dma_start3A_375 = arith.constant 168 : i32
      %dma_start3A_376 = arith.constant 0 : i32
      %dma_start3A_377 = tpu.memref_slice %arg10[%dma_start3A_375, %dma_start3A_376] : memref<200x128xi32, #tpu.memory_space<vmem>> -> memref<8x128xi32, #tpu.memory_space<vmem>>
      %dma_start3A_378 = arith.constant 0 : i32
      %dma_start3A_379 = arith.constant 0 : i32
      %dma_start3A_380 = tpu.memref_slice %arg4[%run_scoped3A_21, %add3A, %dma_start3A_378, %dma_start3A_379] : memref<25x32x8x128xi32, #tpu.memory_space<hbm>> -> memref<1x1x8x128xi32, #tpu.memory_space<hbm>>
      %dma_start3A_381 = tpu.memref_squeeze %dma_start3A_380 : memref<1x1x8x128xi32, #tpu.memory_space<hbm>> -> memref<8x128xi32, #tpu.memory_space<hbm>>
      %dma_start3A_382 = arith.constant 168 : i32
      %dma_start3A_383 = arith.constant 0 : i32
      %dma_start3A_384 = tpu.memref_slice %arg10[%dma_start3A_382, %dma_start3A_383] : memref<200x128xi32, #tpu.memory_space<vmem>> -> memref<8x128xi32, #tpu.memory_space<vmem>>
      %dma_start3A_385 = arith.constant 0 : i32
      %dma_start3A_386 = arith.constant 0 : i32
      %dma_start3A_387 = tpu.memref_slice %arg4[%run_scoped3A_21, %add3A, %dma_start3A_385, %dma_start3A_386] : memref<25x32x8x128xi32, #tpu.memory_space<hbm>> -> memref<1x1x8x128xi32, #tpu.memory_space<hbm>>
      %dma_start3A_388 = tpu.memref_squeeze %dma_start3A_387 : memref<1x1x8x128xi32, #tpu.memory_space<hbm>> -> memref<8x128xi32, #tpu.memory_space<hbm>>
      tpu.enqueue_dma source(%dma_start3A_388 : memref<8x128xi32, #tpu.memory_space<hbm>>) target(%dma_start3A_384 : memref<8x128xi32, #tpu.memory_space<vmem>>) target_semaphore(%run_scoped3A_374 : memref<!tpu.dma_semaphore, #tpu.memory_space<semaphore_mem>>)
      %dma_wait3A_389 = arith.constant 168 : i32
      %dma_wait3A_390 = arith.constant 0 : i32
      %dma_wait3A_391 = tpu.memref_slice %arg10[%dma_wait3A_389, %dma_wait3A_390] : memref<200x128xi32, #tpu.memory_space<vmem>> -> memref<8x128xi32, #tpu.memory_space<vmem>>
      %dma_wait3A_392 = arith.constant 0 : i32
      %dma_wait3A_393 = arith.constant 0 : i32
      %dma_wait3A_394 = tpu.memref_slice %arg4[%run_scoped3A_21, %add3A, %dma_wait3A_392, %dma_wait3A_393] : memref<25x32x8x128xi32, #tpu.memory_space<hbm>> -> memref<1x1x8x128xi32, #tpu.memory_space<hbm>>
      %dma_wait3A_395 = tpu.memref_squeeze %dma_wait3A_394 : memref<1x1x8x128xi32, #tpu.memory_space<hbm>> -> memref<8x128xi32, #tpu.memory_space<hbm>>
      %dma_wait3A_396 = arith.constant 168 : i32
      %dma_wait3A_397 = arith.constant 0 : i32
      %dma_wait3A_398 = tpu.memref_slice %arg10[%dma_wait3A_396, %dma_wait3A_397] : memref<200x128xi32, #tpu.memory_space<vmem>> -> memref<8x128xi32, #tpu.memory_space<vmem>>
      %dma_wait3A_399 = arith.constant 0 : i32
      %dma_wait3A_400 = arith.constant 0 : i32
      %dma_wait3A_401 = tpu.memref_slice %arg4[%run_scoped3A_21, %add3A, %dma_wait3A_399, %dma_wait3A_400] : memref<25x32x8x128xi32, #tpu.memory_space<hbm>> -> memref<1x1x8x128xi32, #tpu.memory_space<hbm>>
      %dma_wait3A_402 = tpu.memref_squeeze %dma_wait3A_401 : memref<1x1x8x128xi32, #tpu.memory_space<hbm>> -> memref<8x128xi32, #tpu.memory_space<hbm>>
      tpu.wait_dma2 semaphore(%run_scoped3A_374 : memref<!tpu.dma_semaphore, #tpu.memory_space<semaphore_mem>>) src(%dma_wait3A_402 : memref<8x128xi32, #tpu.memory_space<hbm>>) dst(%dma_wait3A_398 : memref<8x128xi32, #tpu.memory_space<vmem>>)
      tpu.yield
    }) : () -> ()
    %run_scoped3A_22 = arith.constant 22 : i32
    "tpu.region"() ({
      %run_scoped3A_374 = tpu.sem_alloc : memref<!tpu.dma_semaphore, #tpu.memory_space<semaphore_mem>>
      %dma_start3A_375 = arith.constant 176 : i32
      %dma_start3A_376 = arith.constant 0 : i32
      %dma_start3A_377 = tpu.memref_slice %arg10[%dma_start3A_375, %dma_start3A_376] : memref<200x128xi32, #tpu.memory_space<vmem>> -> memref<8x128xi32, #tpu.memory_space<vmem>>
      %dma_start3A_378 = arith.constant 0 : i32
      %dma_start3A_379 = arith.constant 0 : i32
      %dma_start3A_380 = tpu.memref_slice %arg4[%run_scoped3A_22, %add3A, %dma_start3A_378, %dma_start3A_379] : memref<25x32x8x128xi32, #tpu.memory_space<hbm>> -> memref<1x1x8x128xi32, #tpu.memory_space<hbm>>
      %dma_start3A_381 = tpu.memref_squeeze %dma_start3A_380 : memref<1x1x8x128xi32, #tpu.memory_space<hbm>> -> memref<8x128xi32, #tpu.memory_space<hbm>>
      %dma_start3A_382 = arith.constant 176 : i32
      %dma_start3A_383 = arith.constant 0 : i32
      %dma_start3A_384 = tpu.memref_slice %arg10[%dma_start3A_382, %dma_start3A_383] : memref<200x128xi32, #tpu.memory_space<vmem>> -> memref<8x128xi32, #tpu.memory_space<vmem>>
      %dma_start3A_385 = arith.constant 0 : i32
      %dma_start3A_386 = arith.constant 0 : i32
      %dma_start3A_387 = tpu.memref_slice %arg4[%run_scoped3A_22, %add3A, %dma_start3A_385, %dma_start3A_386] : memref<25x32x8x128xi32, #tpu.memory_space<hbm>> -> memref<1x1x8x128xi32, #tpu.memory_space<hbm>>
      %dma_start3A_388 = tpu.memref_squeeze %dma_start3A_387 : memref<1x1x8x128xi32, #tpu.memory_space<hbm>> -> memref<8x128xi32, #tpu.memory_space<hbm>>
      tpu.enqueue_dma source(%dma_start3A_388 : memref<8x128xi32, #tpu.memory_space<hbm>>) target(%dma_start3A_384 : memref<8x128xi32, #tpu.memory_space<vmem>>) target_semaphore(%run_scoped3A_374 : memref<!tpu.dma_semaphore, #tpu.memory_space<semaphore_mem>>)
      %dma_wait3A_389 = arith.constant 176 : i32
      %dma_wait3A_390 = arith.constant 0 : i32
      %dma_wait3A_391 = tpu.memref_slice %arg10[%dma_wait3A_389, %dma_wait3A_390] : memref<200x128xi32, #tpu.memory_space<vmem>> -> memref<8x128xi32, #tpu.memory_space<vmem>>
      %dma_wait3A_392 = arith.constant 0 : i32
      %dma_wait3A_393 = arith.constant 0 : i32
      %dma_wait3A_394 = tpu.memref_slice %arg4[%run_scoped3A_22, %add3A, %dma_wait3A_392, %dma_wait3A_393] : memref<25x32x8x128xi32, #tpu.memory_space<hbm>> -> memref<1x1x8x128xi32, #tpu.memory_space<hbm>>
      %dma_wait3A_395 = tpu.memref_squeeze %dma_wait3A_394 : memref<1x1x8x128xi32, #tpu.memory_space<hbm>> -> memref<8x128xi32, #tpu.memory_space<hbm>>
      %dma_wait3A_396 = arith.constant 176 : i32
      %dma_wait3A_397 = arith.constant 0 : i32
      %dma_wait3A_398 = tpu.memref_slice %arg10[%dma_wait3A_396, %dma_wait3A_397] : memref<200x128xi32, #tpu.memory_space<vmem>> -> memref<8x128xi32, #tpu.memory_space<vmem>>
      %dma_wait3A_399 = arith.constant 0 : i32
      %dma_wait3A_400 = arith.constant 0 : i32
      %dma_wait3A_401 = tpu.memref_slice %arg4[%run_scoped3A_22, %add3A, %dma_wait3A_399, %dma_wait3A_400] : memref<25x32x8x128xi32, #tpu.memory_space<hbm>> -> memref<1x1x8x128xi32, #tpu.memory_space<hbm>>
      %dma_wait3A_402 = tpu.memref_squeeze %dma_wait3A_401 : memref<1x1x8x128xi32, #tpu.memory_space<hbm>> -> memref<8x128xi32, #tpu.memory_space<hbm>>
      tpu.wait_dma2 semaphore(%run_scoped3A_374 : memref<!tpu.dma_semaphore, #tpu.memory_space<semaphore_mem>>) src(%dma_wait3A_402 : memref<8x128xi32, #tpu.memory_space<hbm>>) dst(%dma_wait3A_398 : memref<8x128xi32, #tpu.memory_space<vmem>>)
      tpu.yield
    }) : () -> ()
    %run_scoped3A_23 = arith.constant 23 : i32
    "tpu.region"() ({
      %run_scoped3A_374 = tpu.sem_alloc : memref<!tpu.dma_semaphore, #tpu.memory_space<semaphore_mem>>
      %dma_start3A_375 = arith.constant 184 : i32
      %dma_start3A_376 = arith.constant 0 : i32
      %dma_start3A_377 = tpu.memref_slice %arg10[%dma_start3A_375, %dma_start3A_376] : memref<200x128xi32, #tpu.memory_space<vmem>> -> memref<8x128xi32, #tpu.memory_space<vmem>>
      %dma_start3A_378 = arith.constant 0 : i32
      %dma_start3A_379 = arith.constant 0 : i32
      %dma_start3A_380 = tpu.memref_slice %arg4[%run_scoped3A_23, %add3A, %dma_start3A_378, %dma_start3A_379] : memref<25x32x8x128xi32, #tpu.memory_space<hbm>> -> memref<1x1x8x128xi32, #tpu.memory_space<hbm>>
      %dma_start3A_381 = tpu.memref_squeeze %dma_start3A_380 : memref<1x1x8x128xi32, #tpu.memory_space<hbm>> -> memref<8x128xi32, #tpu.memory_space<hbm>>
      %dma_start3A_382 = arith.constant 184 : i32
      %dma_start3A_383 = arith.constant 0 : i32
      %dma_start3A_384 = tpu.memref_slice %arg10[%dma_start3A_382, %dma_start3A_383] : memref<200x128xi32, #tpu.memory_space<vmem>> -> memref<8x128xi32, #tpu.memory_space<vmem>>
      %dma_start3A_385 = arith.constant 0 : i32
      %dma_start3A_386 = arith.constant 0 : i32
      %dma_start3A_387 = tpu.memref_slice %arg4[%run_scoped3A_23, %add3A, %dma_start3A_385, %dma_start3A_386] : memref<25x32x8x128xi32, #tpu.memory_space<hbm>> -> memref<1x1x8x128xi32, #tpu.memory_space<hbm>>
      %dma_start3A_388 = tpu.memref_squeeze %dma_start3A_387 : memref<1x1x8x128xi32, #tpu.memory_space<hbm>> -> memref<8x128xi32, #tpu.memory_space<hbm>>
      tpu.enqueue_dma source(%dma_start3A_388 : memref<8x128xi32, #tpu.memory_space<hbm>>) target(%dma_start3A_384 : memref<8x128xi32, #tpu.memory_space<vmem>>) target_semaphore(%run_scoped3A_374 : memref<!tpu.dma_semaphore, #tpu.memory_space<semaphore_mem>>)
      %dma_wait3A_389 = arith.constant 184 : i32
      %dma_wait3A_390 = arith.constant 0 : i32
      %dma_wait3A_391 = tpu.memref_slice %arg10[%dma_wait3A_389, %dma_wait3A_390] : memref<200x128xi32, #tpu.memory_space<vmem>> -> memref<8x128xi32, #tpu.memory_space<vmem>>
      %dma_wait3A_392 = arith.constant 0 : i32
      %dma_wait3A_393 = arith.constant 0 : i32
      %dma_wait3A_394 = tpu.memref_slice %arg4[%run_scoped3A_23, %add3A, %dma_wait3A_392, %dma_wait3A_393] : memref<25x32x8x128xi32, #tpu.memory_space<hbm>> -> memref<1x1x8x128xi32, #tpu.memory_space<hbm>>
      %dma_wait3A_395 = tpu.memref_squeeze %dma_wait3A_394 : memref<1x1x8x128xi32, #tpu.memory_space<hbm>> -> memref<8x128xi32, #tpu.memory_space<hbm>>
      %dma_wait3A_396 = arith.constant 184 : i32
      %dma_wait3A_397 = arith.constant 0 : i32
      %dma_wait3A_398 = tpu.memref_slice %arg10[%dma_wait3A_396, %dma_wait3A_397] : memref<200x128xi32, #tpu.memory_space<vmem>> -> memref<8x128xi32, #tpu.memory_space<vmem>>
      %dma_wait3A_399 = arith.constant 0 : i32
      %dma_wait3A_400 = arith.constant 0 : i32
      %dma_wait3A_401 = tpu.memref_slice %arg4[%run_scoped3A_23, %add3A, %dma_wait3A_399, %dma_wait3A_400] : memref<25x32x8x128xi32, #tpu.memory_space<hbm>> -> memref<1x1x8x128xi32, #tpu.memory_space<hbm>>
      %dma_wait3A_402 = tpu.memref_squeeze %dma_wait3A_401 : memref<1x1x8x128xi32, #tpu.memory_space<hbm>> -> memref<8x128xi32, #tpu.memory_space<hbm>>
      tpu.wait_dma2 semaphore(%run_scoped3A_374 : memref<!tpu.dma_semaphore, #tpu.memory_space<semaphore_mem>>) src(%dma_wait3A_402 : memref<8x128xi32, #tpu.memory_space<hbm>>) dst(%dma_wait3A_398 : memref<8x128xi32, #tpu.memory_space<vmem>>)
      tpu.yield
    }) : () -> ()
    %run_scoped3A_24 = arith.constant 24 : i32
    "tpu.region"() ({
      %run_scoped3A_374 = tpu.sem_alloc : memref<!tpu.dma_semaphore, #tpu.memory_space<semaphore_mem>>
      %dma_start3A_375 = arith.constant 192 : i32
      %dma_start3A_376 = arith.constant 0 : i32
      %dma_start3A_377 = tpu.memref_slice %arg10[%dma_start3A_375, %dma_start3A_376] : memref<200x128xi32, #tpu.memory_space<vmem>> -> memref<8x128xi32, #tpu.memory_space<vmem>>
      %dma_start3A_378 = arith.constant 0 : i32
      %dma_start3A_379 = arith.constant 0 : i32
      %dma_start3A_380 = tpu.memref_slice %arg4[%run_scoped3A_24, %add3A, %dma_start3A_378, %dma_start3A_379] : memref<25x32x8x128xi32, #tpu.memory_space<hbm>> -> memref<1x1x8x128xi32, #tpu.memory_space<hbm>>
      %dma_start3A_381 = tpu.memref_squeeze %dma_start3A_380 : memref<1x1x8x128xi32, #tpu.memory_space<hbm>> -> memref<8x128xi32, #tpu.memory_space<hbm>>
      %dma_start3A_382 = arith.constant 192 : i32
      %dma_start3A_383 = arith.constant 0 : i32
      %dma_start3A_384 = tpu.memref_slice %arg10[%dma_start3A_382, %dma_start3A_383] : memref<200x128xi32, #tpu.memory_space<vmem>> -> memref<8x128xi32, #tpu.memory_space<vmem>>
      %dma_start3A_385 = arith.constant 0 : i32
      %dma_start3A_386 = arith.constant 0 : i32
      %dma_start3A_387 = tpu.memref_slice %arg4[%run_scoped3A_24, %add3A, %dma_start3A_385, %dma_start3A_386] : memref<25x32x8x128xi32, #tpu.memory_space<hbm>> -> memref<1x1x8x128xi32, #tpu.memory_space<hbm>>
      %dma_start3A_388 = tpu.memref_squeeze %dma_start3A_387 : memref<1x1x8x128xi32, #tpu.memory_space<hbm>> -> memref<8x128xi32, #tpu.memory_space<hbm>>
      tpu.enqueue_dma source(%dma_start3A_388 : memref<8x128xi32, #tpu.memory_space<hbm>>) target(%dma_start3A_384 : memref<8x128xi32, #tpu.memory_space<vmem>>) target_semaphore(%run_scoped3A_374 : memref<!tpu.dma_semaphore, #tpu.memory_space<semaphore_mem>>)
      %dma_wait3A_389 = arith.constant 192 : i32
      %dma_wait3A_390 = arith.constant 0 : i32
      %dma_wait3A_391 = tpu.memref_slice %arg10[%dma_wait3A_389, %dma_wait3A_390] : memref<200x128xi32, #tpu.memory_space<vmem>> -> memref<8x128xi32, #tpu.memory_space<vmem>>
      %dma_wait3A_392 = arith.constant 0 : i32
      %dma_wait3A_393 = arith.constant 0 : i32
      %dma_wait3A_394 = tpu.memref_slice %arg4[%run_scoped3A_24, %add3A, %dma_wait3A_392, %dma_wait3A_393] : memref<25x32x8x128xi32, #tpu.memory_space<hbm>> -> memref<1x1x8x128xi32, #tpu.memory_space<hbm>>
      %dma_wait3A_395 = tpu.memref_squeeze %dma_wait3A_394 : memref<1x1x8x128xi32, #tpu.memory_space<hbm>> -> memref<8x128xi32, #tpu.memory_space<hbm>>
      %dma_wait3A_396 = arith.constant 192 : i32
      %dma_wait3A_397 = arith.constant 0 : i32
      %dma_wait3A_398 = tpu.memref_slice %arg10[%dma_wait3A_396, %dma_wait3A_397] : memref<200x128xi32, #tpu.memory_space<vmem>> -> memref<8x128xi32, #tpu.memory_space<vmem>>
      %dma_wait3A_399 = arith.constant 0 : i32
      %dma_wait3A_400 = arith.constant 0 : i32
      %dma_wait3A_401 = tpu.memref_slice %arg4[%run_scoped3A_24, %add3A, %dma_wait3A_399, %dma_wait3A_400] : memref<25x32x8x128xi32, #tpu.memory_space<hbm>> -> memref<1x1x8x128xi32, #tpu.memory_space<hbm>>
      %dma_wait3A_402 = tpu.memref_squeeze %dma_wait3A_401 : memref<1x1x8x128xi32, #tpu.memory_space<hbm>> -> memref<8x128xi32, #tpu.memory_space<hbm>>
      tpu.wait_dma2 semaphore(%run_scoped3A_374 : memref<!tpu.dma_semaphore, #tpu.memory_space<semaphore_mem>>) src(%dma_wait3A_402 : memref<8x128xi32, #tpu.memory_space<hbm>>) dst(%dma_wait3A_398 : memref<8x128xi32, #tpu.memory_space<vmem>>)
      tpu.yield
    }) : () -> ()
    %dma_start3A = arith.constant 0 : i32
    %dma_start3A_25 = arith.constant 0 : i32
    %dma_start3A_26 = arith.constant 0 : i32
    %dma_start3A_27 = arith.constant 0 : i32
    %dma_start3A_28 = tpu.memref_slice %arg11[%dma_start3A_25, %dma_start3A_26, %dma_start3A_27] : memref<3x128x64xf32, #tpu.memory_space<vmem>> -> memref<1x128x64xf32, #tpu.memory_space<vmem>>
    %dma_start3A_29 = tpu.memref_squeeze %dma_start3A_28 : memref<1x128x64xf32, #tpu.memory_space<vmem>> -> memref<128x64xf32, #tpu.memory_space<vmem>>
    %dma_start3A_30 = arith.constant 0 : i32
    %dma_start3A_31 = tpu.memref_slice %arg10[%dma_start3A, %dma_start3A_30] : memref<200x128xi32, #tpu.memory_space<vmem>> -> memref<1x128xi32, #tpu.memory_space<vmem>>
    %dma_start3A_32 = tpu.memref_squeeze %dma_start3A_31 : memref<1x128xi32, #tpu.memory_space<vmem>> -> memref<128xi32, #tpu.memory_space<vmem>>
    %dma_start3A_33 = arith.constant 0 : i32
    %dma_start3A_34 = arith.constant 0 : i32
    %dma_start3A_35 = tpu.memref_slice %arg2[%dma_start3A_33, %dma_start3A_34] : memref<1000000x64xf32, #tpu.memory_space<hbm>> -> memref<1000000x64xf32, #tpu.memory_space<hbm>>
    tpu.enqueue_indirect_dma source(%dma_start3A_35 : memref<1000000x64xf32, #tpu.memory_space<hbm>>) target(%dma_start3A_29 : memref<128x64xf32, #tpu.memory_space<vmem>>) offsets(%dma_start3A_32 : memref<128xi32, #tpu.memory_space<vmem>>) semaphore(%arg13 : memref<!tpu.dma_semaphore, #tpu.memory_space<semaphore_mem>>)
    %dma_start3A_36 = arith.constant 1 : i32
    %dma_start3A_37 = arith.constant 1 : i32
    %dma_start3A_38 = arith.constant 0 : i32
    %dma_start3A_39 = arith.constant 0 : i32
    %dma_start3A_40 = tpu.memref_slice %arg11[%dma_start3A_37, %dma_start3A_38, %dma_start3A_39] : memref<3x128x64xf32, #tpu.memory_space<vmem>> -> memref<1x128x64xf32, #tpu.memory_space<vmem>>
    %dma_start3A_41 = tpu.memref_squeeze %dma_start3A_40 : memref<1x128x64xf32, #tpu.memory_space<vmem>> -> memref<128x64xf32, #tpu.memory_space<vmem>>
    %dma_start3A_42 = arith.constant 0 : i32
    %dma_start3A_43 = tpu.memref_slice %arg10[%dma_start3A_36, %dma_start3A_42] : memref<200x128xi32, #tpu.memory_space<vmem>> -> memref<1x128xi32, #tpu.memory_space<vmem>>
    %dma_start3A_44 = tpu.memref_squeeze %dma_start3A_43 : memref<1x128xi32, #tpu.memory_space<vmem>> -> memref<128xi32, #tpu.memory_space<vmem>>
    %dma_start3A_45 = arith.constant 0 : i32
    %dma_start3A_46 = arith.constant 0 : i32
    %dma_start3A_47 = tpu.memref_slice %arg2[%dma_start3A_45, %dma_start3A_46] : memref<1000000x64xf32, #tpu.memory_space<hbm>> -> memref<1000000x64xf32, #tpu.memory_space<hbm>>
    tpu.enqueue_indirect_dma source(%dma_start3A_47 : memref<1000000x64xf32, #tpu.memory_space<hbm>>) target(%dma_start3A_41 : memref<128x64xf32, #tpu.memory_space<vmem>>) offsets(%dma_start3A_44 : memref<128xi32, #tpu.memory_space<vmem>>) semaphore(%arg13 : memref<!tpu.dma_semaphore, #tpu.memory_space<semaphore_mem>>)
    %scan3A = arith.constant 0 : i32
    %scan3A_48 = arith.constant 0 : i32
    %scan3A_49 = arith.constant 200 : i32
    %scan3A_50 = arith.addi %scan3A_48, %scan3A_49 : i32
    %scan3A_51 = arith.constant 1 : i32
    scf.for %scan3A_374 = %scan3A_48 to %scan3A_50 step %scan3A_51  : i32 {
      %rem3A_375 = arith.constant 3 : i32
      %rem3A_376 = arith.remsi %scan3A_374, %rem3A_375 : i32
      %rem3A_377 = arith.constant 2 : i32
      %rem3A_378 = arith.remsi %scan3A_374, %rem3A_377 : i32
      %dma_wait3A_379 = arith.constant 0 : i32
      %dma_wait3A_380 = arith.constant 0 : i32
      %dma_wait3A_381 = tpu.memref_slice %arg11[%rem3A_376, %dma_wait3A_379, %dma_wait3A_380] : memref<3x128x64xf32, #tpu.memory_space<vmem>> -> memref<1x128x64xf32, #tpu.memory_space<vmem>>
      %dma_wait3A_382 = tpu.memref_squeeze %dma_wait3A_381 : memref<1x128x64xf32, #tpu.memory_space<vmem>> -> memref<128x64xf32, #tpu.memory_space<vmem>>
      %dma_wait3A_383 = arith.constant 0 : i32
      %dma_wait3A_384 = arith.constant 0 : i32
      %dma_wait3A_385 = tpu.memref_slice %arg2[%dma_wait3A_383, %dma_wait3A_384] : memref<1000000x64xf32, #tpu.memory_space<hbm>> -> memref<128x64xf32, #tpu.memory_space<hbm>>
      %dma_wait3A_386 = arith.constant 0 : i32
      %dma_wait3A_387 = arith.constant 0 : i32
      %dma_wait3A_388 = tpu.memref_slice %arg11[%rem3A_376, %dma_wait3A_386, %dma_wait3A_387] : memref<3x128x64xf32, #tpu.memory_space<vmem>> -> memref<1x128x64xf32, #tpu.memory_space<vmem>>
      %dma_wait3A_389 = tpu.memref_squeeze %dma_wait3A_388 : memref<1x128x64xf32, #tpu.memory_space<vmem>> -> memref<128x64xf32, #tpu.memory_space<vmem>>
      %dma_wait3A_390 = arith.constant 0 : i32
      %dma_wait3A_391 = arith.constant 0 : i32
      %dma_wait3A_392 = tpu.memref_slice %arg2[%dma_wait3A_390, %dma_wait3A_391] : memref<1000000x64xf32, #tpu.memory_space<hbm>> -> memref<128x64xf32, #tpu.memory_space<hbm>>
      tpu.wait_dma2 semaphore(%arg13 : memref<!tpu.dma_semaphore, #tpu.memory_space<semaphore_mem>>) src(%dma_wait3A_392 : memref<128x64xf32, #tpu.memory_space<hbm>>) dst(%dma_wait3A_389 : memref<128x64xf32, #tpu.memory_space<vmem>>)
      %add3A_393 = arith.constant 2 : i32
      %add3A_394 = arith.addi %scan3A_374, %add3A_393 : i32
      %lt3A = arith.constant 200 : i32
      %lt3A_395 = arith.cmpi slt, %add3A_394, %lt3A : i32
      %convert_element_type3A = arith.extui %lt3A_395 : i1 to i32
      %cond3A = arith.constant 0 : i32
      %cond3A_396 = arith.cmpi ne, %convert_element_type3A, %cond3A : i32
      scf.if %cond3A_396 {
        %add3A_463 = arith.constant 2 : i32
        %add3A_464 = arith.addi %scan3A_374, %add3A_463 : i32
        %add3A_465 = arith.constant 2 : i32
        %add3A_466 = arith.addi %scan3A_374, %add3A_465 : i32
        %rem3A_467 = arith.constant 3 : i32
        %rem3A_468 = arith.remsi %add3A_466, %rem3A_467 : i32
        %dma_start3A_469 = arith.constant 0 : i32
        %dma_start3A_470 = arith.constant 0 : i32
        %dma_start3A_471 = tpu.memref_slice %arg11[%rem3A_468, %dma_start3A_469, %dma_start3A_470] : memref<3x128x64xf32, #tpu.memory_space<vmem>> -> memref<1x128x64xf32, #tpu.memory_space<vmem>>
        %dma_start3A_472 = tpu.memref_squeeze %dma_start3A_471 : memref<1x128x64xf32, #tpu.memory_space<vmem>> -> memref<128x64xf32, #tpu.memory_space<vmem>>
        %dma_start3A_473 = arith.constant 0 : i32
        %dma_start3A_474 = tpu.memref_slice %arg10[%add3A_464, %dma_start3A_473] : memref<200x128xi32, #tpu.memory_space<vmem>> -> memref<1x128xi32, #tpu.memory_space<vmem>>
        %dma_start3A_475 = tpu.memref_squeeze %dma_start3A_474 : memref<1x128xi32, #tpu.memory_space<vmem>> -> memref<128xi32, #tpu.memory_space<vmem>>
        %dma_start3A_476 = arith.constant 0 : i32
        %dma_start3A_477 = arith.constant 0 : i32
        %dma_start3A_478 = tpu.memref_slice %arg2[%dma_start3A_476, %dma_start3A_477] : memref<1000000x64xf32, #tpu.memory_space<hbm>> -> memref<1000000x64xf32, #tpu.memory_space<hbm>>
        tpu.enqueue_indirect_dma source(%dma_start3A_478 : memref<1000000x64xf32, #tpu.memory_space<hbm>>) target(%dma_start3A_472 : memref<128x64xf32, #tpu.memory_space<vmem>>) offsets(%dma_start3A_475 : memref<128xi32, #tpu.memory_space<vmem>>) semaphore(%arg13 : memref<!tpu.dma_semaphore, #tpu.memory_space<semaphore_mem>>)
      } else {
      }
      %ge3A = arith.constant 2 : i32
      %ge3A_397 = arith.cmpi sge, %scan3A_374, %ge3A : i32
      %convert_element_type3A_398 = arith.extui %ge3A_397 : i1 to i32
      %cond3A_399 = arith.constant 0 : i32
      %cond3A_400 = arith.cmpi ne, %convert_element_type3A_398, %cond3A_399 : i32
      scf.if %cond3A_400 {
        %dma_wait3A_463 = arith.constant 0 : i32
        %dma_wait3A_464 = arith.constant 0 : i32
        %dma_wait3A_465 = arith.constant 0 : i32
        %dma_wait3A_466 = arith.constant 0 : i32
        %dma_wait3A_467 = arith.constant 0 : i32
        %dma_wait3A_468 = tpu.memref_slice %arg12[%rem3A_378, %dma_wait3A_465, %dma_wait3A_466, %dma_wait3A_467] : memref<2x8x8x129xf32, #tpu.memory_space<vmem>> -> memref<1x8x8x128xf32, #tpu.memory_space<vmem>>
        %dma_wait3A_469 = tpu.memref_squeeze %dma_wait3A_468 : memref<1x8x8x128xf32, #tpu.memory_space<vmem>> -> memref<8x8x128xf32, #tpu.memory_space<vmem>>
        %dma_wait3A_470 = arith.constant 0 : i32
        %dma_wait3A_471 = arith.constant 0 : i32
        %dma_wait3A_472 = arith.constant 0 : i32
        %dma_wait3A_473 = tpu.memref_slice %arg6[%dma_wait3A_463, %dma_wait3A_470, %dma_wait3A_464, %dma_wait3A_471, %dma_wait3A_472] : memref<200x8x32x8x128xf32, #tpu.memory_space<hbm>> -> memref<1x8x1x8x128xf32, #tpu.memory_space<hbm>>
        %dma_wait3A_474 = tpu.memref_squeeze %dma_wait3A_473 : memref<1x8x1x8x128xf32, #tpu.memory_space<hbm>> -> memref<8x8x128xf32, #tpu.memory_space<hbm>>
        %dma_wait3A_475 = arith.constant 0 : i32
        %dma_wait3A_476 = arith.constant 0 : i32
        %dma_wait3A_477 = arith.constant 0 : i32
        %dma_wait3A_478 = tpu.memref_slice %arg12[%rem3A_378, %dma_wait3A_475, %dma_wait3A_476, %dma_wait3A_477] : memref<2x8x8x129xf32, #tpu.memory_space<vmem>> -> memref<1x8x8x128xf32, #tpu.memory_space<vmem>>
        %dma_wait3A_479 = tpu.memref_squeeze %dma_wait3A_478 : memref<1x8x8x128xf32, #tpu.memory_space<vmem>> -> memref<8x8x128xf32, #tpu.memory_space<vmem>>
        %dma_wait3A_480 = arith.constant 0 : i32
        %dma_wait3A_481 = arith.constant 0 : i32
        %dma_wait3A_482 = arith.constant 0 : i32
        %dma_wait3A_483 = tpu.memref_slice %arg6[%dma_wait3A_463, %dma_wait3A_480, %dma_wait3A_464, %dma_wait3A_481, %dma_wait3A_482] : memref<200x8x32x8x128xf32, #tpu.memory_space<hbm>> -> memref<1x8x1x8x128xf32, #tpu.memory_space<hbm>>
        %dma_wait3A_484 = tpu.memref_squeeze %dma_wait3A_483 : memref<1x8x1x8x128xf32, #tpu.memory_space<hbm>> -> memref<8x8x128xf32, #tpu.memory_space<hbm>>
        tpu.wait_dma2 semaphore(%arg14 : memref<!tpu.dma_semaphore, #tpu.memory_space<semaphore_mem>>) src(%dma_wait3A_484 : memref<8x8x128xf32, #tpu.memory_space<hbm>>) dst(%dma_wait3A_479 : memref<8x8x128xf32, #tpu.memory_space<vmem>>)
      } else {
      }
      %iota3A_401 = tpu.iota {dimensions = array<i32: 0>} : vector<16xi32>
      %jit3A_402 = arith.constant 8 : i32
      %div3A_403 = vector.broadcast %jit3A_402 : i32 to vector<16xi32>
      %div3A_404 = arith.divsi %iota3A_401, %div3A_403 : vector<16xi32>
      %sign3A_405 = arith.constant 0 : i32
      %sign3A_406 = vector.broadcast %sign3A_405 : i32 to vector<16xi32>
      %sign3A_407 = arith.cmpi sgt, %iota3A_401, %sign3A_406 : vector<16xi32>
      %sign3A_408 = arith.extui %sign3A_407 : vector<16xi1> to vector<16xi32>
      %sign3A_409 = arith.constant 0 : i32
      %sign3A_410 = vector.broadcast %sign3A_409 : i32 to vector<16xi32>
      %sign3A_411 = arith.cmpi slt, %iota3A_401, %sign3A_410 : vector<16xi32>
      %sign3A_412 = arith.extui %sign3A_411 : vector<16xi1> to vector<16xi32>
      %sign3A_413 = arith.subi %sign3A_408, %sign3A_412 : vector<16xi32>
      %sign3A_414 = arith.constant 0 : i32
      %sign3A_415 = arith.cmpi sgt, %jit3A_402, %sign3A_414 : i32
      %sign3A_416 = arith.extui %sign3A_415 : i1 to i32
      %sign3A_417 = arith.constant 0 : i32
      %sign3A_418 = arith.cmpi slt, %jit3A_402, %sign3A_417 : i32
      %sign3A_419 = arith.extui %sign3A_418 : i1 to i32
      %sign3A_420 = arith.subi %sign3A_416, %sign3A_419 : i32
      %ne3A_421 = vector.broadcast %sign3A_420 : i32 to vector<16xi32>
      %ne3A_422 = arith.cmpi ne, %sign3A_413, %ne3A_421 : vector<16xi32>
      %rem3A_423 = vector.broadcast %jit3A_402 : i32 to vector<16xi32>
      %rem3A_424 = arith.remsi %iota3A_401, %rem3A_423 : vector<16xi32>
      %ne3A_425 = arith.constant 0 : i32
      %ne3A_426 = vector.broadcast %ne3A_425 : i32 to vector<16xi32>
      %ne3A_427 = arith.cmpi ne, %rem3A_424, %ne3A_426 : vector<16xi32>
      %and3A_428 = arith.andi %ne3A_422, %ne3A_427 : vector<16xi1>
      %sub3A_429 = arith.constant 1 : i32
      %sub3A_430 = vector.broadcast %sub3A_429 : i32 to vector<16xi32>
      %sub3A_431 = arith.subi %div3A_404, %sub3A_430 : vector<16xi32>
      %select_n3A_432 = arith.select %and3A_428, %sub3A_431, %div3A_404 : vector<16xi1>, vector<16xi32>
      %rem3A_433 = arith.constant 8 : i32
      %rem3A_434 = vector.broadcast %rem3A_433 : i32 to vector<16xi32>
      %rem3A_435 = arith.remsi %iota3A_401, %rem3A_434 : vector<16xi32>
      %broadcast_in_dim3A_436 = vector.broadcast %rem3A_378 : i32 to vector<16xi32>
      %scan3A_437 = arith.constant 0 : i32
      %scan3A_438 = arith.constant 0 : i32
      %scan3A_439 = arith.constant 32 : i32
      %scan3A_440 = arith.addi %scan3A_438, %scan3A_439 : i32
      %scan3A_441 = arith.constant 1 : i32
      scf.for %scan3A_463 = %scan3A_438 to %scan3A_440 step %scan3A_441  : i32 {
        %mul3A_464 = arith.constant 4 : i32
        %mul3A_465 = arith.muli %scan3A_463, %mul3A_464 : i32
        %add3A_466 = arith.constant 0 : i32
        %add3A_467 = arith.addi %mul3A_465, %add3A_466 : i32
        %get3A = arith.index_cast %rem3A_376 : i32 to index
        %get3A_468 = arith.index_cast %add3A_467 : i32 to index
        %get3A_469 = arith.constant 0 : index
        %get3A_470 = tpu.vector_load %arg11[%get3A, %get3A_468, %get3A_469] {strides = array<i32>} : memref<3x128x64xf32, #tpu.memory_space<vmem>>, vector<16xf32>,
        %add3A_471 = arith.constant 0 : i32
        %add3A_472 = vector.broadcast %add3A_471 : i32 to vector<16xi32>
        %add3A_473 = arith.addi %select_n3A_432, %add3A_472 : vector<16xi32>
        %broadcast_in_dim3A_474 = vector.broadcast %add3A_467 : i32 to vector<16xi32>
        %get3A_475 = arith.index_cast %rem3A_376 : i32 to index
        %get3A_476 = arith.index_cast %add3A_467 : i32 to index
        %get3A_477 = arith.constant 16 : index
        %get3A_478 = tpu.vector_load %arg11[%get3A_475, %get3A_476, %get3A_477] {strides = array<i32>} : memref<3x128x64xf32, #tpu.memory_space<vmem>>, vector<16xf32>,
        %add3A_479 = arith.constant 2 : i32
        %add3A_480 = vector.broadcast %add3A_479 : i32 to vector<16xi32>
        %add3A_481 = arith.addi %select_n3A_432, %add3A_480 : vector<16xi32>
        %broadcast_in_dim3A_482 = vector.broadcast %add3A_467 : i32 to vector<16xi32>
        %get3A_483 = arith.index_cast %rem3A_376 : i32 to index
        %get3A_484 = arith.index_cast %add3A_467 : i32 to index
        %get3A_485 = arith.constant 32 : index
        %get3A_486 = tpu.vector_load %arg11[%get3A_483, %get3A_484, %get3A_485] {strides = array<i32>} : memref<3x128x64xf32, #tpu.memory_space<vmem>>, vector<16xf32>,
        %add3A_487 = arith.constant 4 : i32
        %add3A_488 = vector.broadcast %add3A_487 : i32 to vector<16xi32>
        %add3A_489 = arith.addi %select_n3A_432, %add3A_488 : vector<16xi32>
        %broadcast_in_dim3A_490 = vector.broadcast %add3A_467 : i32 to vector<16xi32>
        %get3A_491 = arith.index_cast %rem3A_376 : i32 to index
        %get3A_492 = arith.index_cast %add3A_467 : i32 to index
        %get3A_493 = arith.constant 48 : index
        %get3A_494 = tpu.vector_load %arg11[%get3A_491, %get3A_492, %get3A_493] {strides = array<i32>} : memref<3x128x64xf32, #tpu.memory_space<vmem>>, vector<16xf32>,
        %add3A_495 = arith.constant 6 : i32
        %add3A_496 = vector.broadcast %add3A_495 : i32 to vector<16xi32>
        %add3A_497 = arith.addi %select_n3A_432, %add3A_496 : vector<16xi32>
        %broadcast_in_dim3A_498 = vector.broadcast %add3A_467 : i32 to vector<16xi32>
        %mul3A_499 = arith.constant 4 : i32
        %mul3A_500 = arith.muli %scan3A_463, %mul3A_499 : i32
        %add3A_501 = arith.constant 1 : i32
        %add3A_502 = arith.addi %mul3A_500, %add3A_501 : i32
        %get3A_503 = arith.index_cast %rem3A_376 : i32 to index
        %get3A_504 = arith.index_cast %add3A_502 : i32 to index
        %get3A_505 = arith.constant 0 : index
        %get3A_506 = tpu.vector_load %arg11[%get3A_503, %get3A_504, %get3A_505] {strides = array<i32>} : memref<3x128x64xf32, #tpu.memory_space<vmem>>, vector<16xf32>,
        %add3A_507 = arith.constant 0 : i32
        %add3A_508 = vector.broadcast %add3A_507 : i32 to vector<16xi32>
        %add3A_509 = arith.addi %select_n3A_432, %add3A_508 : vector<16xi32>
        %broadcast_in_dim3A_510 = vector.broadcast %add3A_502 : i32 to vector<16xi32>
        %get3A_511 = arith.index_cast %rem3A_376 : i32 to index
        %get3A_512 = arith.index_cast %add3A_502 : i32 to index
        %get3A_513 = arith.constant 16 : index
        %get3A_514 = tpu.vector_load %arg11[%get3A_511, %get3A_512, %get3A_513] {strides = array<i32>} : memref<3x128x64xf32, #tpu.memory_space<vmem>>, vector<16xf32>,
        %add3A_515 = arith.constant 2 : i32
        %add3A_516 = vector.broadcast %add3A_515 : i32 to vector<16xi32>
        %add3A_517 = arith.addi %select_n3A_432, %add3A_516 : vector<16xi32>
        %broadcast_in_dim3A_518 = vector.broadcast %add3A_502 : i32 to vector<16xi32>
        %get3A_519 = arith.index_cast %rem3A_376 : i32 to index
        %get3A_520 = arith.index_cast %add3A_502 : i32 to index
        %get3A_521 = arith.constant 32 : index
        %get3A_522 = tpu.vector_load %arg11[%get3A_519, %get3A_520, %get3A_521] {strides = array<i32>} : memref<3x128x64xf32, #tpu.memory_space<vmem>>, vector<16xf32>,
        %add3A_523 = arith.constant 4 : i32
        %add3A_524 = vector.broadcast %add3A_523 : i32 to vector<16xi32>
        %add3A_525 = arith.addi %select_n3A_432, %add3A_524 : vector<16xi32>
        %broadcast_in_dim3A_526 = vector.broadcast %add3A_502 : i32 to vector<16xi32>
        %get3A_527 = arith.index_cast %rem3A_376 : i32 to index
        %get3A_528 = arith.index_cast %add3A_502 : i32 to index
        %get3A_529 = arith.constant 48 : index
        %get3A_530 = tpu.vector_load %arg11[%get3A_527, %get3A_528, %get3A_529] {strides = array<i32>} : memref<3x128x64xf32, #tpu.memory_space<vmem>>, vector<16xf32>,
        %add3A_531 = arith.constant 6 : i32
        %add3A_532 = vector.broadcast %add3A_531 : i32 to vector<16xi32>
        %add3A_533 = arith.addi %select_n3A_432, %add3A_532 : vector<16xi32>
        %broadcast_in_dim3A_534 = vector.broadcast %add3A_502 : i32 to vector<16xi32>
        %mul3A_535 = arith.constant 4 : i32
        %mul3A_536 = arith.muli %scan3A_463, %mul3A_535 : i32
        %add3A_537 = arith.constant 2 : i32
        %add3A_538 = arith.addi %mul3A_536, %add3A_537 : i32
        %get3A_539 = arith.index_cast %rem3A_376 : i32 to index
        %get3A_540 = arith.index_cast %add3A_538 : i32 to index
        %get3A_541 = arith.constant 0 : index
        %get3A_542 = tpu.vector_load %arg11[%get3A_539, %get3A_540, %get3A_541] {strides = array<i32>} : memref<3x128x64xf32, #tpu.memory_space<vmem>>, vector<16xf32>,
        %add3A_543 = arith.constant 0 : i32
        %add3A_544 = vector.broadcast %add3A_543 : i32 to vector<16xi32>
        %add3A_545 = arith.addi %select_n3A_432, %add3A_544 : vector<16xi32>
        %broadcast_in_dim3A_546 = vector.broadcast %add3A_538 : i32 to vector<16xi32>
        %get3A_547 = arith.index_cast %rem3A_376 : i32 to index
        %get3A_548 = arith.index_cast %add3A_538 : i32 to index
        %get3A_549 = arith.constant 16 : index
        %get3A_550 = tpu.vector_load %arg11[%get3A_547, %get3A_548, %get3A_549] {strides = array<i32>} : memref<3x128x64xf32, #tpu.memory_space<vmem>>, vector<16xf32>,
        %add3A_551 = arith.constant 2 : i32
        %add3A_552 = vector.broadcast %add3A_551 : i32 to vector<16xi32>
        %add3A_553 = arith.addi %select_n3A_432, %add3A_552 : vector<16xi32>
        %broadcast_in_dim3A_554 = vector.broadcast %add3A_538 : i32 to vector<16xi32>
        %get3A_555 = arith.index_cast %rem3A_376 : i32 to index
        %get3A_556 = arith.index_cast %add3A_538 : i32 to index
        %get3A_557 = arith.constant 32 : index
        %get3A_558 = tpu.vector_load %arg11[%get3A_555, %get3A_556, %get3A_557] {strides = array<i32>} : memref<3x128x64xf32, #tpu.memory_space<vmem>>, vector<16xf32>,
        %add3A_559 = arith.constant 4 : i32
        %add3A_560 = vector.broadcast %add3A_559 : i32 to vector<16xi32>
        %add3A_561 = arith.addi %select_n3A_432, %add3A_560 : vector<16xi32>
        %broadcast_in_dim3A_562 = vector.broadcast %add3A_538 : i32 to vector<16xi32>
        %get3A_563 = arith.index_cast %rem3A_376 : i32 to index
        %get3A_564 = arith.index_cast %add3A_538 : i32 to index
        %get3A_565 = arith.constant 48 : index
        %get3A_566 = tpu.vector_load %arg11[%get3A_563, %get3A_564, %get3A_565] {strides = array<i32>} : memref<3x128x64xf32, #tpu.memory_space<vmem>>, vector<16xf32>,
        %add3A_567 = arith.constant 6 : i32
        %add3A_568 = vector.broadcast %add3A_567 : i32 to vector<16xi32>
        %add3A_569 = arith.addi %select_n3A_432, %add3A_568 : vector<16xi32>
        %broadcast_in_dim3A_570 = vector.broadcast %add3A_538 : i32 to vector<16xi32>
        %mul3A_571 = arith.constant 4 : i32
        %mul3A_572 = arith.muli %scan3A_463, %mul3A_571 : i32
        %add3A_573 = arith.constant 3 : i32
        %add3A_574 = arith.addi %mul3A_572, %add3A_573 : i32
        %get3A_575 = arith.index_cast %rem3A_376 : i32 to index
        %get3A_576 = arith.index_cast %add3A_574 : i32 to index
        %get3A_577 = arith.constant 0 : index
        %get3A_578 = tpu.vector_load %arg11[%get3A_575, %get3A_576, %get3A_577] {strides = array<i32>} : memref<3x128x64xf32, #tpu.memory_space<vmem>>, vector<16xf32>,
        %add3A_579 = arith.constant 0 : i32
        %add3A_580 = vector.broadcast %add3A_579 : i32 to vector<16xi32>
        %add3A_581 = arith.addi %select_n3A_432, %add3A_580 : vector<16xi32>
        %broadcast_in_dim3A_582 = vector.broadcast %add3A_574 : i32 to vector<16xi32>
        %get3A_583 = arith.index_cast %rem3A_376 : i32 to index
        %get3A_584 = arith.index_cast %add3A_574 : i32 to index
        %get3A_585 = arith.constant 16 : index
        %get3A_586 = tpu.vector_load %arg11[%get3A_583, %get3A_584, %get3A_585] {strides = array<i32>} : memref<3x128x64xf32, #tpu.memory_space<vmem>>, vector<16xf32>,
        %add3A_587 = arith.constant 2 : i32
        %add3A_588 = vector.broadcast %add3A_587 : i32 to vector<16xi32>
        %add3A_589 = arith.addi %select_n3A_432, %add3A_588 : vector<16xi32>
        %broadcast_in_dim3A_590 = vector.broadcast %add3A_574 : i32 to vector<16xi32>
        %get3A_591 = arith.index_cast %rem3A_376 : i32 to index
        %get3A_592 = arith.index_cast %add3A_574 : i32 to index
        %get3A_593 = arith.constant 32 : index
        %get3A_594 = tpu.vector_load %arg11[%get3A_591, %get3A_592, %get3A_593] {strides = array<i32>} : memref<3x128x64xf32, #tpu.memory_space<vmem>>, vector<16xf32>,
        %add3A_595 = arith.constant 4 : i32
        %add3A_596 = vector.broadcast %add3A_595 : i32 to vector<16xi32>
        %add3A_597 = arith.addi %select_n3A_432, %add3A_596 : vector<16xi32>
        %broadcast_in_dim3A_598 = vector.broadcast %add3A_574 : i32 to vector<16xi32>
        %get3A_599 = arith.index_cast %rem3A_376 : i32 to index
        %get3A_600 = arith.index_cast %add3A_574 : i32 to index
        %get3A_601 = arith.constant 48 : index
        %get3A_602 = tpu.vector_load %arg11[%get3A_599, %get3A_600, %get3A_601] {strides = array<i32>} : memref<3x128x64xf32, #tpu.memory_space<vmem>>, vector<16xf32>,
        %add3A_603 = arith.constant 6 : i32
        %add3A_604 = vector.broadcast %add3A_603 : i32 to vector<16xi32>
        %add3A_605 = arith.addi %select_n3A_432, %add3A_604 : vector<16xi32>
        %broadcast_in_dim3A_606 = vector.broadcast %add3A_574 : i32 to vector<16xi32>
        tpu.vector_store_idx %arg12[%broadcast_in_dim3A_436, %add3A_473, %rem3A_435, %broadcast_in_dim3A_474], %get3A_470 : memref<2x8x8x129xf32, #tpu.memory_space<vmem>>[vector<16xi32>, vector<16xi32>, vector<16xi32>, vector<16xi32>], vector<16xf32>,
        tpu.vector_store_idx %arg12[%broadcast_in_dim3A_436, %add3A_481, %rem3A_435, %broadcast_in_dim3A_482], %get3A_478 : memref<2x8x8x129xf32, #tpu.memory_space<vmem>>[vector<16xi32>, vector<16xi32>, vector<16xi32>, vector<16xi32>], vector<16xf32>,
        tpu.vector_store_idx %arg12[%broadcast_in_dim3A_436, %add3A_489, %rem3A_435, %broadcast_in_dim3A_490], %get3A_486 : memref<2x8x8x129xf32, #tpu.memory_space<vmem>>[vector<16xi32>, vector<16xi32>, vector<16xi32>, vector<16xi32>], vector<16xf32>,
        tpu.vector_store_idx %arg12[%broadcast_in_dim3A_436, %add3A_497, %rem3A_435, %broadcast_in_dim3A_498], %get3A_494 : memref<2x8x8x129xf32, #tpu.memory_space<vmem>>[vector<16xi32>, vector<16xi32>, vector<16xi32>, vector<16xi32>], vector<16xf32>,
        tpu.vector_store_idx %arg12[%broadcast_in_dim3A_436, %add3A_509, %rem3A_435, %broadcast_in_dim3A_510], %get3A_506 : memref<2x8x8x129xf32, #tpu.memory_space<vmem>>[vector<16xi32>, vector<16xi32>, vector<16xi32>, vector<16xi32>], vector<16xf32>,
        tpu.vector_store_idx %arg12[%broadcast_in_dim3A_436, %add3A_517, %rem3A_435, %broadcast_in_dim3A_518], %get3A_514 : memref<2x8x8x129xf32, #tpu.memory_space<vmem>>[vector<16xi32>, vector<16xi32>, vector<16xi32>, vector<16xi32>], vector<16xf32>,
        tpu.vector_store_idx %arg12[%broadcast_in_dim3A_436, %add3A_525, %rem3A_435, %broadcast_in_dim3A_526], %get3A_522 : memref<2x8x8x129xf32, #tpu.memory_space<vmem>>[vector<16xi32>, vector<16xi32>, vector<16xi32>, vector<16xi32>], vector<16xf32>,
        tpu.vector_store_idx %arg12[%broadcast_in_dim3A_436, %add3A_533, %rem3A_435, %broadcast_in_dim3A_534], %get3A_530 : memref<2x8x8x129xf32, #tpu.memory_space<vmem>>[vector<16xi32>, vector<16xi32>, vector<16xi32>, vector<16xi32>], vector<16xf32>,
        tpu.vector_store_idx %arg12[%broadcast_in_dim3A_436, %add3A_545, %rem3A_435, %broadcast_in_dim3A_546], %get3A_542 : memref<2x8x8x129xf32, #tpu.memory_space<vmem>>[vector<16xi32>, vector<16xi32>, vector<16xi32>, vector<16xi32>], vector<16xf32>,
        tpu.vector_store_idx %arg12[%broadcast_in_dim3A_436, %add3A_553, %rem3A_435, %broadcast_in_dim3A_554], %get3A_550 : memref<2x8x8x129xf32, #tpu.memory_space<vmem>>[vector<16xi32>, vector<16xi32>, vector<16xi32>, vector<16xi32>], vector<16xf32>,
        tpu.vector_store_idx %arg12[%broadcast_in_dim3A_436, %add3A_561, %rem3A_435, %broadcast_in_dim3A_562], %get3A_558 : memref<2x8x8x129xf32, #tpu.memory_space<vmem>>[vector<16xi32>, vector<16xi32>, vector<16xi32>, vector<16xi32>], vector<16xf32>,
        tpu.vector_store_idx %arg12[%broadcast_in_dim3A_436, %add3A_569, %rem3A_435, %broadcast_in_dim3A_570], %get3A_566 : memref<2x8x8x129xf32, #tpu.memory_space<vmem>>[vector<16xi32>, vector<16xi32>, vector<16xi32>, vector<16xi32>], vector<16xf32>,
        tpu.vector_store_idx %arg12[%broadcast_in_dim3A_436, %add3A_581, %rem3A_435, %broadcast_in_dim3A_582], %get3A_578 : memref<2x8x8x129xf32, #tpu.memory_space<vmem>>[vector<16xi32>, vector<16xi32>, vector<16xi32>, vector<16xi32>], vector<16xf32>,
        tpu.vector_store_idx %arg12[%broadcast_in_dim3A_436, %add3A_589, %rem3A_435, %broadcast_in_dim3A_590], %get3A_586 : memref<2x8x8x129xf32, #tpu.memory_space<vmem>>[vector<16xi32>, vector<16xi32>, vector<16xi32>, vector<16xi32>], vector<16xf32>,
        tpu.vector_store_idx %arg12[%broadcast_in_dim3A_436, %add3A_597, %rem3A_435, %broadcast_in_dim3A_598], %get3A_594 : memref<2x8x8x129xf32, #tpu.memory_space<vmem>>[vector<16xi32>, vector<16xi32>, vector<16xi32>, vector<16xi32>], vector<16xf32>,
        tpu.vector_store_idx %arg12[%broadcast_in_dim3A_436, %add3A_605, %rem3A_435, %broadcast_in_dim3A_606], %get3A_602 : memref<2x8x8x129xf32, #tpu.memory_space<vmem>>[vector<16xi32>, vector<16xi32>, vector<16xi32>, vector<16xi32>], vector<16xf32>,
      }
      %scan3A_442 = arith.constant 32 : i32
      %dma_start3A_443 = arith.constant 0 : i32
      %dma_start3A_444 = arith.constant 0 : i32
      %dma_start3A_445 = arith.constant 0 : i32
      %dma_start3A_446 = tpu.memref_slice %arg12[%rem3A_378, %dma_start3A_443, %dma_start3A_444, %dma_start3A_445] : memref<2x8x8x129xf32, #tpu.memory_space<vmem>> -> memref<1x8x8x128xf32, #tpu.memory_space<vmem>>
      %dma_start3A_447 = tpu.memref_squeeze %dma_start3A_446 : memref<1x8x8x128xf32, #tpu.memory_space<vmem>> -> memref<8x8x128xf32, #tpu.memory_space<vmem>>
      %dma_start3A_448 = arith.constant 0 : i32
      %dma_start3A_449 = arith.constant 0 : i32
      %dma_start3A_450 = arith.constant 0 : i32
      %dma_start3A_451 = tpu.memref_slice %arg6[%scan3A_374, %dma_start3A_448, %add3A, %dma_start3A_449, %dma_start3A_450] : memref<200x8x32x8x128xf32, #tpu.memory_space<hbm>> -> memref<1x8x1x8x128xf32, #tpu.memory_space<hbm>>
      %dma_start3A_452 = tpu.memref_squeeze %dma_start3A_451 : memref<1x8x1x8x128xf32, #tpu.memory_space<hbm>> -> memref<8x8x128xf32, #tpu.memory_space<hbm>>
      %dma_start3A_453 = arith.constant 0 : i32
      %dma_start3A_454 = arith.constant 0 : i32
      %dma_start3A_455 = arith.constant 0 : i32
      %dma_start3A_456 = tpu.memref_slice %arg6[%scan3A_374, %dma_start3A_453, %add3A, %dma_start3A_454, %dma_start3A_455] : memref<200x8x32x8x128xf32, #tpu.memory_space<hbm>> -> memref<1x8x1x8x128xf32, #tpu.memory_space<hbm>>
      %dma_start3A_457 = tpu.memref_squeeze %dma_start3A_456 : memref<1x8x1x8x128xf32, #tpu.memory_space<hbm>> -> memref<8x8x128xf32, #tpu.memory_space<hbm>>
      %dma_start3A_458 = arith.constant 0 : i32
      %dma_start3A_459 = arith.constant 0 : i32
      %dma_start3A_460 = arith.constant 0 : i32
      %dma_start3A_461 = tpu.memref_slice %arg12[%rem3A_378, %dma_start3A_458, %dma_start3A_459, %dma_start3A_460] : memref<2x8x8x129xf32, #tpu.memory_space<vmem>> -> memref<1x8x8x128xf32, #tpu.memory_space<vmem>>
      %dma_start3A_462 = tpu.memref_squeeze %dma_start3A_461 : memref<1x8x8x128xf32, #tpu.memory_space<vmem>> -> memref<8x8x128xf32, #tpu.memory_space<vmem>>
      tpu.enqueue_dma source(%dma_start3A_462 : memref<8x8x128xf32, #tpu.memory_space<vmem>>) target(%dma_start3A_457 : memref<8x8x128xf32, #tpu.memory_space<hbm>>) target_semaphore(%arg14 : memref<!tpu.dma_semaphore, #tpu.memory_space<semaphore_mem>>)
    }
    %scan3A_52 = arith.constant 200 : i32
    %rem3A = arith.constant 200 : i32
    %rem3A_53 = arith.constant 2 : i32
    %rem3A_54 = arith.remsi %rem3A, %rem3A_53 : i32
    %dma_wait3A = arith.constant 0 : i32
    %dma_wait3A_55 = arith.constant 0 : i32
    %dma_wait3A_56 = arith.constant 0 : i32
    %dma_wait3A_57 = arith.constant 0 : i32
    %dma_wait3A_58 = arith.constant 0 : i32
    %dma_wait3A_59 = tpu.memref_slice %arg12[%rem3A_54, %dma_wait3A_56, %dma_wait3A_57, %dma_wait3A_58] : memref<2x8x8x129xf32, #tpu.memory_space<vmem>> -> memref<1x8x8x128xf32, #tpu.memory_space<vmem>>
    %dma_wait3A_60 = tpu.memref_squeeze %dma_wait3A_59 : memref<1x8x8x128xf32, #tpu.memory_space<vmem>> -> memref<8x8x128xf32, #tpu.memory_space<vmem>>
    %dma_wait3A_61 = arith.constant 0 : i32
    %dma_wait3A_62 = arith.constant 0 : i32
    %dma_wait3A_63 = arith.constant 0 : i32
    %dma_wait3A_64 = tpu.memref_slice %arg6[%dma_wait3A, %dma_wait3A_61, %dma_wait3A_55, %dma_wait3A_62, %dma_wait3A_63] : memref<200x8x32x8x128xf32, #tpu.memory_space<hbm>> -> memref<1x8x1x8x128xf32, #tpu.memory_space<hbm>>
    %dma_wait3A_65 = tpu.memref_squeeze %dma_wait3A_64 : memref<1x8x1x8x128xf32, #tpu.memory_space<hbm>> -> memref<8x8x128xf32, #tpu.memory_space<hbm>>
    %dma_wait3A_66 = arith.constant 0 : i32
    %dma_wait3A_67 = arith.constant 0 : i32
    %dma_wait3A_68 = arith.constant 0 : i32
    %dma_wait3A_69 = tpu.memref_slice %arg12[%rem3A_54, %dma_wait3A_66, %dma_wait3A_67, %dma_wait3A_68] : memref<2x8x8x129xf32, #tpu.memory_space<vmem>> -> memref<1x8x8x128xf32, #tpu.memory_space<vmem>>
    %dma_wait3A_70 = tpu.memref_squeeze %dma_wait3A_69 : memref<1x8x8x128xf32, #tpu.memory_space<vmem>> -> memref<8x8x128xf32, #tpu.memory_space<vmem>>
    %dma_wait3A_71 = arith.constant 0 : i32
    %dma_wait3A_72 = arith.constant 0 : i32
    %dma_wait3A_73 = arith.constant 0 : i32
    %dma_wait3A_74 = tpu.memref_slice %arg6[%dma_wait3A, %dma_wait3A_71, %dma_wait3A_55, %dma_wait3A_72, %dma_wait3A_73] : memref<200x8x32x8x128xf32, #tpu.memory_space<hbm>> -> memref<1x8x1x8x128xf32, #tpu.memory_space<hbm>>
    %dma_wait3A_75 = tpu.memref_squeeze %dma_wait3A_74 : memref<1x8x1x8x128xf32, #tpu.memory_space<hbm>> -> memref<8x8x128xf32, #tpu.memory_space<hbm>>
    tpu.wait_dma2 semaphore(%arg14 : memref<!tpu.dma_semaphore, #tpu.memory_space<semaphore_mem>>) src(%dma_wait3A_75 : memref<8x8x128xf32, #tpu.memory_space<hbm>>) dst(%dma_wait3A_70 : memref<8x8x128xf32, #tpu.memory_space<vmem>>)
    %rem3A_76 = arith.constant 201 : i32
    %rem3A_77 = arith.constant 2 : i32
    %rem3A_78 = arith.remsi %rem3A_76, %rem3A_77 : i32
    %dma_wait3A_79 = arith.constant 0 : i32
    %dma_wait3A_80 = arith.constant 0 : i32
    %dma_wait3A_81 = arith.constant 0 : i32
    %dma_wait3A_82 = arith.constant 0 : i32
    %dma_wait3A_83 = arith.constant 0 : i32
    %dma_wait3A_84 = tpu.memref_slice %arg12[%rem3A_78, %dma_wait3A_81, %dma_wait3A_82, %dma_wait3A_83] : memref<2x8x8x129xf32, #tpu.memory_space<vmem>> -> memref<1x8x8x128xf32, #tpu.memory_space<vmem>>
    %dma_wait3A_85 = tpu.memref_squeeze %dma_wait3A_84 : memref<1x8x8x128xf32, #tpu.memory_space<vmem>> -> memref<8x8x128xf32, #tpu.memory_space<vmem>>
    %dma_wait3A_86 = arith.constant 0 : i32
    %dma_wait3A_87 = arith.constant 0 : i32
    %dma_wait3A_88 = arith.constant 0 : i32
    %dma_wait3A_89 = tpu.memref_slice %arg6[%dma_wait3A_79, %dma_wait3A_86, %dma_wait3A_80, %dma_wait3A_87, %dma_wait3A_88] : memref<200x8x32x8x128xf32, #tpu.memory_space<hbm>> -> memref<1x8x1x8x128xf32, #tpu.memory_space<hbm>>
    %dma_wait3A_90 = tpu.memref_squeeze %dma_wait3A_89 : memref<1x8x1x8x128xf32, #tpu.memory_space<hbm>> -> memref<8x8x128xf32, #tpu.memory_space<hbm>>
    %dma_wait3A_91 = arith.constant 0 : i32
    %dma_wait3A_92 = arith.constant 0 : i32
    %dma_wait3A_93 = arith.constant 0 : i32
    %dma_wait3A_94 = tpu.memref_slice %arg12[%rem3A_78, %dma_wait3A_91, %dma_wait3A_92, %dma_wait3A_93] : memref<2x8x8x129xf32, #tpu.memory_space<vmem>> -> memref<1x8x8x128xf32, #tpu.memory_space<vmem>>
    %dma_wait3A_95 = tpu.memref_squeeze %dma_wait3A_94 : memref<1x8x8x128xf32, #tpu.memory_space<vmem>> -> memref<8x8x128xf32, #tpu.memory_space<vmem>>
    %dma_wait3A_96 = arith.constant 0 : i32
    %dma_wait3A_97 = arith.constant 0 : i32
    %dma_wait3A_98 = arith.constant 0 : i32
    %dma_wait3A_99 = tpu.memref_slice %arg6[%dma_wait3A_79, %dma_wait3A_96, %dma_wait3A_80, %dma_wait3A_97, %dma_wait3A_98] : memref<200x8x32x8x128xf32, #tpu.memory_space<hbm>> -> memref<1x8x1x8x128xf32, #tpu.memory_space<hbm>>
    %dma_wait3A_100 = tpu.memref_squeeze %dma_wait3A_99 : memref<1x8x1x8x128xf32, #tpu.memory_space<hbm>> -> memref<8x8x128xf32, #tpu.memory_space<hbm>>
    tpu.wait_dma2 semaphore(%arg14 : memref<!tpu.dma_semaphore, #tpu.memory_space<semaphore_mem>>) src(%dma_wait3A_100 : memref<8x8x128xf32, #tpu.memory_space<hbm>>) dst(%dma_wait3A_95 : memref<8x8x128xf32, #tpu.memory_space<vmem>>)
    %add3A_101 = arith.constant 0 : i32
    %add3A_102 = arith.addi %add3A_101, %add3A : i32
    %jit3A = arith.constant 8 : i32
    %div3A = arith.divsi %add3A_102, %jit3A : i32
    %sign3A = arith.constant 0 : i32
    %sign3A_103 = arith.cmpi sgt, %add3A_102, %sign3A : i32
    %sign3A_104 = arith.extui %sign3A_103 : i1 to i32
    %sign3A_105 = arith.constant 0 : i32
    %sign3A_106 = arith.cmpi slt, %add3A_102, %sign3A_105 : i32
    %sign3A_107 = arith.extui %sign3A_106 : i1 to i32
    %sign3A_108 = arith.subi %sign3A_104, %sign3A_107 : i32
    %sign3A_109 = arith.constant 0 : i32
    %sign3A_110 = arith.cmpi sgt, %jit3A, %sign3A_109 : i32
    %sign3A_111 = arith.extui %sign3A_110 : i1 to i32
    %sign3A_112 = arith.constant 0 : i32
    %sign3A_113 = arith.cmpi slt, %jit3A, %sign3A_112 : i32
    %sign3A_114 = arith.extui %sign3A_113 : i1 to i32
    %sign3A_115 = arith.subi %sign3A_111, %sign3A_114 : i32
    %ne3A = arith.cmpi ne, %sign3A_108, %sign3A_115 : i32
    %rem3A_116 = arith.remsi %add3A_102, %jit3A : i32
    %ne3A_117 = arith.constant 0 : i32
    %ne3A_118 = arith.cmpi ne, %rem3A_116, %ne3A_117 : i32
    %and3A = arith.andi %ne3A, %ne3A_118 : i1
    %sub3A = arith.constant 1 : i32
    %sub3A_119 = arith.subi %div3A, %sub3A : i32
    %select_n3A = arith.select %and3A, %sub3A_119, %div3A : i32
    "tpu.region"() ({
      %run_scoped3A_374 = tpu.sem_alloc : memref<!tpu.dma_semaphore, #tpu.memory_space<semaphore_mem>>
      %dma_start3A_375 = arith.constant 0 : i32
      %dma_start3A_376 = arith.constant 0 : i32
      %dma_start3A_377 = tpu.memref_slice %arg10[%dma_start3A_375, %dma_start3A_376] : memref<200x128xi32, #tpu.memory_space<vmem>> -> memref<8x128xi32, #tpu.memory_space<vmem>>
      %dma_start3A_378 = arith.constant 0 : i32
      %dma_start3A_379 = arith.constant 0 : i32
      %dma_start3A_380 = tpu.memref_slice %arg5[%select_n3A, %dma_start3A_378, %dma_start3A_379] : memref<12x8x128xi32, #tpu.memory_space<hbm>> -> memref<1x8x128xi32, #tpu.memory_space<hbm>>
      %dma_start3A_381 = tpu.memref_squeeze %dma_start3A_380 : memref<1x8x128xi32, #tpu.memory_space<hbm>> -> memref<8x128xi32, #tpu.memory_space<hbm>>
      %dma_start3A_382 = arith.constant 0 : i32
      %dma_start3A_383 = arith.constant 0 : i32
      %dma_start3A_384 = tpu.memref_slice %arg10[%dma_start3A_382, %dma_start3A_383] : memref<200x128xi32, #tpu.memory_space<vmem>> -> memref<8x128xi32, #tpu.memory_space<vmem>>
      %dma_start3A_385 = arith.constant 0 : i32
      %dma_start3A_386 = arith.constant 0 : i32
      %dma_start3A_387 = tpu.memref_slice %arg5[%select_n3A, %dma_start3A_385, %dma_start3A_386] : memref<12x8x128xi32, #tpu.memory_space<hbm>> -> memref<1x8x128xi32, #tpu.memory_space<hbm>>
      %dma_start3A_388 = tpu.memref_squeeze %dma_start3A_387 : memref<1x8x128xi32, #tpu.memory_space<hbm>> -> memref<8x128xi32, #tpu.memory_space<hbm>>
      tpu.enqueue_dma source(%dma_start3A_388 : memref<8x128xi32, #tpu.memory_space<hbm>>) target(%dma_start3A_384 : memref<8x128xi32, #tpu.memory_space<vmem>>) target_semaphore(%run_scoped3A_374 : memref<!tpu.dma_semaphore, #tpu.memory_space<semaphore_mem>>)
      %dma_wait3A_389 = arith.constant 0 : i32
      %dma_wait3A_390 = arith.constant 0 : i32
      %dma_wait3A_391 = tpu.memref_slice %arg10[%dma_wait3A_389, %dma_wait3A_390] : memref<200x128xi32, #tpu.memory_space<vmem>> -> memref<8x128xi32, #tpu.memory_space<vmem>>
      %dma_wait3A_392 = arith.constant 0 : i32
      %dma_wait3A_393 = arith.constant 0 : i32
      %dma_wait3A_394 = tpu.memref_slice %arg5[%select_n3A, %dma_wait3A_392, %dma_wait3A_393] : memref<12x8x128xi32, #tpu.memory_space<hbm>> -> memref<1x8x128xi32, #tpu.memory_space<hbm>>
      %dma_wait3A_395 = tpu.memref_squeeze %dma_wait3A_394 : memref<1x8x128xi32, #tpu.memory_space<hbm>> -> memref<8x128xi32, #tpu.memory_space<hbm>>
      %dma_wait3A_396 = arith.constant 0 : i32
      %dma_wait3A_397 = arith.constant 0 : i32
      %dma_wait3A_398 = tpu.memref_slice %arg10[%dma_wait3A_396, %dma_wait3A_397] : memref<200x128xi32, #tpu.memory_space<vmem>> -> memref<8x128xi32, #tpu.memory_space<vmem>>
      %dma_wait3A_399 = arith.constant 0 : i32
      %dma_wait3A_400 = arith.constant 0 : i32
      %dma_wait3A_401 = tpu.memref_slice %arg5[%select_n3A, %dma_wait3A_399, %dma_wait3A_400] : memref<12x8x128xi32, #tpu.memory_space<hbm>> -> memref<1x8x128xi32, #tpu.memory_space<hbm>>
      %dma_wait3A_402 = tpu.memref_squeeze %dma_wait3A_401 : memref<1x8x128xi32, #tpu.memory_space<hbm>> -> memref<8x128xi32, #tpu.memory_space<hbm>>
      tpu.wait_dma2 semaphore(%run_scoped3A_374 : memref<!tpu.dma_semaphore, #tpu.memory_space<semaphore_mem>>) src(%dma_wait3A_402 : memref<8x128xi32, #tpu.memory_space<hbm>>) dst(%dma_wait3A_398 : memref<8x128xi32, #tpu.memory_space<vmem>>)
      tpu.yield
    }) : () -> ()
    %rem3A_120 = arith.constant 8 : i32
    %rem3A_121 = arith.remsi %add3A_102, %rem3A_120 : i32
    %dma_start3A_122 = arith.constant 0 : i32
    %dma_start3A_123 = arith.constant 0 : i32
    %dma_start3A_124 = arith.constant 0 : i32
    %dma_start3A_125 = tpu.memref_slice %arg11[%dma_start3A_122, %dma_start3A_123, %dma_start3A_124] : memref<3x128x64xf32, #tpu.memory_space<vmem>> -> memref<1x128x64xf32, #tpu.memory_space<vmem>>
    %dma_start3A_126 = tpu.memref_squeeze %dma_start3A_125 : memref<1x128x64xf32, #tpu.memory_space<vmem>> -> memref<128x64xf32, #tpu.memory_space<vmem>>
    %dma_start3A_127 = arith.constant 0 : i32
    %dma_start3A_128 = tpu.memref_slice %arg10[%rem3A_121, %dma_start3A_127] : memref<200x128xi32, #tpu.memory_space<vmem>> -> memref<1x128xi32, #tpu.memory_space<vmem>>
    %dma_start3A_129 = tpu.memref_squeeze %dma_start3A_128 : memref<1x128xi32, #tpu.memory_space<vmem>> -> memref<128xi32, #tpu.memory_space<vmem>>
    %dma_start3A_130 = arith.constant 0 : i32
    %dma_start3A_131 = arith.constant 0 : i32
    %dma_start3A_132 = tpu.memref_slice %arg2[%dma_start3A_130, %dma_start3A_131] : memref<1000000x64xf32, #tpu.memory_space<hbm>> -> memref<1000000x64xf32, #tpu.memory_space<hbm>>
    tpu.enqueue_indirect_dma source(%dma_start3A_132 : memref<1000000x64xf32, #tpu.memory_space<hbm>>) target(%dma_start3A_126 : memref<128x64xf32, #tpu.memory_space<vmem>>) offsets(%dma_start3A_129 : memref<128xi32, #tpu.memory_space<vmem>>) semaphore(%arg13 : memref<!tpu.dma_semaphore, #tpu.memory_space<semaphore_mem>>)
    %dma_wait3A_133 = arith.constant 0 : i32
    %dma_wait3A_134 = arith.constant 0 : i32
    %dma_wait3A_135 = arith.constant 0 : i32
    %dma_wait3A_136 = tpu.memref_slice %arg11[%dma_wait3A_133, %dma_wait3A_134, %dma_wait3A_135] : memref<3x128x64xf32, #tpu.memory_space<vmem>> -> memref<1x128x64xf32, #tpu.memory_space<vmem>>
    %dma_wait3A_137 = tpu.memref_squeeze %dma_wait3A_136 : memref<1x128x64xf32, #tpu.memory_space<vmem>> -> memref<128x64xf32, #tpu.memory_space<vmem>>
    %dma_wait3A_138 = arith.constant 0 : i32
    %dma_wait3A_139 = tpu.memref_slice %arg10[%rem3A_121, %dma_wait3A_138] : memref<200x128xi32, #tpu.memory_space<vmem>> -> memref<1x128xi32, #tpu.memory_space<vmem>>
    %dma_wait3A_140 = tpu.memref_squeeze %dma_wait3A_139 : memref<1x128xi32, #tpu.memory_space<vmem>> -> memref<128xi32, #tpu.memory_space<vmem>>
    %dma_wait3A_141 = arith.constant 0 : i32
    %dma_wait3A_142 = arith.constant 0 : i32
    %dma_wait3A_143 = tpu.memref_slice %arg2[%dma_wait3A_141, %dma_wait3A_142] : memref<1000000x64xf32, #tpu.memory_space<hbm>> -> memref<1000000x64xf32, #tpu.memory_space<hbm>>
    tpu.wait_indirect_dma semaphore(%arg13 : memref<!tpu.dma_semaphore, #tpu.memory_space<semaphore_mem>>) src(%dma_wait3A_143 : memref<1000000x64xf32, #tpu.memory_space<hbm>>) dst(%dma_wait3A_137 : memref<128x64xf32, #tpu.memory_space<vmem>>)
    %iota3A = tpu.iota {dimensions = array<i32: 0>} : vector<16xi32>
    %jit3A_144 = arith.constant 8 : i32
    %div3A_145 = vector.broadcast %jit3A_144 : i32 to vector<16xi32>
    %div3A_146 = arith.divsi %iota3A, %div3A_145 : vector<16xi32>
    %sign3A_147 = arith.constant 0 : i32
    %sign3A_148 = vector.broadcast %sign3A_147 : i32 to vector<16xi32>
    %sign3A_149 = arith.cmpi sgt, %iota3A, %sign3A_148 : vector<16xi32>
    %sign3A_150 = arith.extui %sign3A_149 : vector<16xi1> to vector<16xi32>
    %sign3A_151 = arith.constant 0 : i32
    %sign3A_152 = vector.broadcast %sign3A_151 : i32 to vector<16xi32>
    %sign3A_153 = arith.cmpi slt, %iota3A, %sign3A_152 : vector<16xi32>
    %sign3A_154 = arith.extui %sign3A_153 : vector<16xi1> to vector<16xi32>
    %sign3A_155 = arith.subi %sign3A_150, %sign3A_154 : vector<16xi32>
    %sign3A_156 = arith.constant 0 : i32
    %sign3A_157 = arith.cmpi sgt, %jit3A_144, %sign3A_156 : i32
    %sign3A_158 = arith.extui %sign3A_157 : i1 to i32
    %sign3A_159 = arith.constant 0 : i32
    %sign3A_160 = arith.cmpi slt, %jit3A_144, %sign3A_159 : i32
    %sign3A_161 = arith.extui %sign3A_160 : i1 to i32
    %sign3A_162 = arith.subi %sign3A_158, %sign3A_161 : i32
    %ne3A_163 = vector.broadcast %sign3A_162 : i32 to vector<16xi32>
    %ne3A_164 = arith.cmpi ne, %sign3A_155, %ne3A_163 : vector<16xi32>
    %rem3A_165 = vector.broadcast %jit3A_144 : i32 to vector<16xi32>
    %rem3A_166 = arith.remsi %iota3A, %rem3A_165 : vector<16xi32>
    %ne3A_167 = arith.constant 0 : i32
    %ne3A_168 = vector.broadcast %ne3A_167 : i32 to vector<16xi32>
    %ne3A_169 = arith.cmpi ne, %rem3A_166, %ne3A_168 : vector<16xi32>
    %and3A_170 = arith.andi %ne3A_164, %ne3A_169 : vector<16xi1>
    %sub3A_171 = arith.constant 1 : i32
    %sub3A_172 = vector.broadcast %sub3A_171 : i32 to vector<16xi32>
    %sub3A_173 = arith.subi %div3A_146, %sub3A_172 : vector<16xi32>
    %select_n3A_174 = arith.select %and3A_170, %sub3A_173, %div3A_146 : vector<16xi1>, vector<16xi32>
    %rem3A_175 = arith.constant 8 : i32
    %rem3A_176 = vector.broadcast %rem3A_175 : i32 to vector<16xi32>
    %rem3A_177 = arith.remsi %iota3A, %rem3A_176 : vector<16xi32>
    %broadcast_in_dim3A = arith.constant 0 : i32
    %broadcast_in_dim3A_178 = vector.broadcast %broadcast_in_dim3A : i32 to vector<16xi32>
    %scan3A_179 = arith.constant 0 : i32
    %scan3A_180 = arith.constant 0 : i32
    %scan3A_181 = arith.constant 32 : i32
    %scan3A_182 = arith.addi %scan3A_180, %scan3A_181 : i32
    %scan3A_183 = arith.constant 1 : i32
    scf.for %scan3A_374 = %scan3A_180 to %scan3A_182 step %scan3A_183  : i32 {
      %mul3A_375 = arith.constant 4 : i32
      %mul3A_376 = arith.muli %scan3A_374, %mul3A_375 : i32
      %add3A_377 = arith.constant 0 : i32
      %add3A_378 = arith.addi %mul3A_376, %add3A_377 : i32
      %get3A = arith.constant 0 : i32
      %get3A_379 = arith.index_cast %get3A : i32 to index
      %get3A_380 = arith.index_cast %add3A_378 : i32 to index
      %get3A_381 = arith.constant 0 : index
      %get3A_382 = tpu.vector_load %arg11[%get3A_379, %get3A_380, %get3A_381] {strides = array<i32>} : memref<3x128x64xf32, #tpu.memory_space<vmem>>, vector<16xf32>,
      %add3A_383 = arith.constant 0 : i32
      %add3A_384 = vector.broadcast %add3A_383 : i32 to vector<16xi32>
      %add3A_385 = arith.addi %select_n3A_174, %add3A_384 : vector<16xi32>
      %broadcast_in_dim3A_386 = vector.broadcast %add3A_378 : i32 to vector<16xi32>
      %get3A_387 = arith.constant 0 : i32
      %get3A_388 = arith.index_cast %get3A_387 : i32 to index
      %get3A_389 = arith.index_cast %add3A_378 : i32 to index
      %get3A_390 = arith.constant 16 : index
      %get3A_391 = tpu.vector_load %arg11[%get3A_388, %get3A_389, %get3A_390] {strides = array<i32>} : memref<3x128x64xf32, #tpu.memory_space<vmem>>, vector<16xf32>,
      %add3A_392 = arith.constant 2 : i32
      %add3A_393 = vector.broadcast %add3A_392 : i32 to vector<16xi32>
      %add3A_394 = arith.addi %select_n3A_174, %add3A_393 : vector<16xi32>
      %broadcast_in_dim3A_395 = vector.broadcast %add3A_378 : i32 to vector<16xi32>
      %get3A_396 = arith.constant 0 : i32
      %get3A_397 = arith.index_cast %get3A_396 : i32 to index
      %get3A_398 = arith.index_cast %add3A_378 : i32 to index
      %get3A_399 = arith.constant 32 : index
      %get3A_400 = tpu.vector_load %arg11[%get3A_397, %get3A_398, %get3A_399] {strides = array<i32>} : memref<3x128x64xf32, #tpu.memory_space<vmem>>, vector<16xf32>,
      %add3A_401 = arith.constant 4 : i32
      %add3A_402 = vector.broadcast %add3A_401 : i32 to vector<16xi32>
      %add3A_403 = arith.addi %select_n3A_174, %add3A_402 : vector<16xi32>
      %broadcast_in_dim3A_404 = vector.broadcast %add3A_378 : i32 to vector<16xi32>
      %get3A_405 = arith.constant 0 : i32
      %get3A_406 = arith.index_cast %get3A_405 : i32 to index
      %get3A_407 = arith.index_cast %add3A_378 : i32 to index
      %get3A_408 = arith.constant 48 : index
      %get3A_409 = tpu.vector_load %arg11[%get3A_406, %get3A_407, %get3A_408] {strides = array<i32>} : memref<3x128x64xf32, #tpu.memory_space<vmem>>, vector<16xf32>,
      %add3A_410 = arith.constant 6 : i32
      %add3A_411 = vector.broadcast %add3A_410 : i32 to vector<16xi32>
      %add3A_412 = arith.addi %select_n3A_174, %add3A_411 : vector<16xi32>
      %broadcast_in_dim3A_413 = vector.broadcast %add3A_378 : i32 to vector<16xi32>
      %mul3A_414 = arith.constant 4 : i32
      %mul3A_415 = arith.muli %scan3A_374, %mul3A_414 : i32
      %add3A_416 = arith.constant 1 : i32
      %add3A_417 = arith.addi %mul3A_415, %add3A_416 : i32
      %get3A_418 = arith.constant 0 : i32
      %get3A_419 = arith.index_cast %get3A_418 : i32 to index
      %get3A_420 = arith.index_cast %add3A_417 : i32 to index
      %get3A_421 = arith.constant 0 : index
      %get3A_422 = tpu.vector_load %arg11[%get3A_419, %get3A_420, %get3A_421] {strides = array<i32>} : memref<3x128x64xf32, #tpu.memory_space<vmem>>, vector<16xf32>,
      %add3A_423 = arith.constant 0 : i32
      %add3A_424 = vector.broadcast %add3A_423 : i32 to vector<16xi32>
      %add3A_425 = arith.addi %select_n3A_174, %add3A_424 : vector<16xi32>
      %broadcast_in_dim3A_426 = vector.broadcast %add3A_417 : i32 to vector<16xi32>
      %get3A_427 = arith.constant 0 : i32
      %get3A_428 = arith.index_cast %get3A_427 : i32 to index
      %get3A_429 = arith.index_cast %add3A_417 : i32 to index
      %get3A_430 = arith.constant 16 : index
      %get3A_431 = tpu.vector_load %arg11[%get3A_428, %get3A_429, %get3A_430] {strides = array<i32>} : memref<3x128x64xf32, #tpu.memory_space<vmem>>, vector<16xf32>,
      %add3A_432 = arith.constant 2 : i32
      %add3A_433 = vector.broadcast %add3A_432 : i32 to vector<16xi32>
      %add3A_434 = arith.addi %select_n3A_174, %add3A_433 : vector<16xi32>
      %broadcast_in_dim3A_435 = vector.broadcast %add3A_417 : i32 to vector<16xi32>
      %get3A_436 = arith.constant 0 : i32
      %get3A_437 = arith.index_cast %get3A_436 : i32 to index
      %get3A_438 = arith.index_cast %add3A_417 : i32 to index
      %get3A_439 = arith.constant 32 : index
      %get3A_440 = tpu.vector_load %arg11[%get3A_437, %get3A_438, %get3A_439] {strides = array<i32>} : memref<3x128x64xf32, #tpu.memory_space<vmem>>, vector<16xf32>,
      %add3A_441 = arith.constant 4 : i32
      %add3A_442 = vector.broadcast %add3A_441 : i32 to vector<16xi32>
      %add3A_443 = arith.addi %select_n3A_174, %add3A_442 : vector<16xi32>
      %broadcast_in_dim3A_444 = vector.broadcast %add3A_417 : i32 to vector<16xi32>
      %get3A_445 = arith.constant 0 : i32
      %get3A_446 = arith.index_cast %get3A_445 : i32 to index
      %get3A_447 = arith.index_cast %add3A_417 : i32 to index
      %get3A_448 = arith.constant 48 : index
      %get3A_449 = tpu.vector_load %arg11[%get3A_446, %get3A_447, %get3A_448] {strides = array<i32>} : memref<3x128x64xf32, #tpu.memory_space<vmem>>, vector<16xf32>,
      %add3A_450 = arith.constant 6 : i32
      %add3A_451 = vector.broadcast %add3A_450 : i32 to vector<16xi32>
      %add3A_452 = arith.addi %select_n3A_174, %add3A_451 : vector<16xi32>
      %broadcast_in_dim3A_453 = vector.broadcast %add3A_417 : i32 to vector<16xi32>
      %mul3A_454 = arith.constant 4 : i32
      %mul3A_455 = arith.muli %scan3A_374, %mul3A_454 : i32
      %add3A_456 = arith.constant 2 : i32
      %add3A_457 = arith.addi %mul3A_455, %add3A_456 : i32
      %get3A_458 = arith.constant 0 : i32
      %get3A_459 = arith.index_cast %get3A_458 : i32 to index
      %get3A_460 = arith.index_cast %add3A_457 : i32 to index
      %get3A_461 = arith.constant 0 : index
      %get3A_462 = tpu.vector_load %arg11[%get3A_459, %get3A_460, %get3A_461] {strides = array<i32>} : memref<3x128x64xf32, #tpu.memory_space<vmem>>, vector<16xf32>,
      %add3A_463 = arith.constant 0 : i32
      %add3A_464 = vector.broadcast %add3A_463 : i32 to vector<16xi32>
      %add3A_465 = arith.addi %select_n3A_174, %add3A_464 : vector<16xi32>
      %broadcast_in_dim3A_466 = vector.broadcast %add3A_457 : i32 to vector<16xi32>
      %get3A_467 = arith.constant 0 : i32
      %get3A_468 = arith.index_cast %get3A_467 : i32 to index
      %get3A_469 = arith.index_cast %add3A_457 : i32 to index
      %get3A_470 = arith.constant 16 : index
      %get3A_471 = tpu.vector_load %arg11[%get3A_468, %get3A_469, %get3A_470] {strides = array<i32>} : memref<3x128x64xf32, #tpu.memory_space<vmem>>, vector<16xf32>,
      %add3A_472 = arith.constant 2 : i32
      %add3A_473 = vector.broadcast %add3A_472 : i32 to vector<16xi32>
      %add3A_474 = arith.addi %select_n3A_174, %add3A_473 : vector<16xi32>
      %broadcast_in_dim3A_475 = vector.broadcast %add3A_457 : i32 to vector<16xi32>
      %get3A_476 = arith.constant 0 : i32
      %get3A_477 = arith.index_cast %get3A_476 : i32 to index
      %get3A_478 = arith.index_cast %add3A_457 : i32 to index
      %get3A_479 = arith.constant 32 : index
      %get3A_480 = tpu.vector_load %arg11[%get3A_477, %get3A_478, %get3A_479] {strides = array<i32>} : memref<3x128x64xf32, #tpu.memory_space<vmem>>, vector<16xf32>,
      %add3A_481 = arith.constant 4 : i32
      %add3A_482 = vector.broadcast %add3A_481 : i32 to vector<16xi32>
      %add3A_483 = arith.addi %select_n3A_174, %add3A_482 : vector<16xi32>
      %broadcast_in_dim3A_484 = vector.broadcast %add3A_457 : i32 to vector<16xi32>
      %get3A_485 = arith.constant 0 : i32
      %get3A_486 = arith.index_cast %get3A_485 : i32 to index
      %get3A_487 = arith.index_cast %add3A_457 : i32 to index
      %get3A_488 = arith.constant 48 : index
      %get3A_489 = tpu.vector_load %arg11[%get3A_486, %get3A_487, %get3A_488] {strides = array<i32>} : memref<3x128x64xf32, #tpu.memory_space<vmem>>, vector<16xf32>,
      %add3A_490 = arith.constant 6 : i32
      %add3A_491 = vector.broadcast %add3A_490 : i32 to vector<16xi32>
      %add3A_492 = arith.addi %select_n3A_174, %add3A_491 : vector<16xi32>
      %broadcast_in_dim3A_493 = vector.broadcast %add3A_457 : i32 to vector<16xi32>
      %mul3A_494 = arith.constant 4 : i32
      %mul3A_495 = arith.muli %scan3A_374, %mul3A_494 : i32
      %add3A_496 = arith.constant 3 : i32
      %add3A_497 = arith.addi %mul3A_495, %add3A_496 : i32
      %get3A_498 = arith.constant 0 : i32
      %get3A_499 = arith.index_cast %get3A_498 : i32 to index
      %get3A_500 = arith.index_cast %add3A_497 : i32 to index
      %get3A_501 = arith.constant 0 : index
      %get3A_502 = tpu.vector_load %arg11[%get3A_499, %get3A_500, %get3A_501] {strides = array<i32>} : memref<3x128x64xf32, #tpu.memory_space<vmem>>, vector<16xf32>,
      %add3A_503 = arith.constant 0 : i32
      %add3A_504 = vector.broadcast %add3A_503 : i32 to vector<16xi32>
      %add3A_505 = arith.addi %select_n3A_174, %add3A_504 : vector<16xi32>
      %broadcast_in_dim3A_506 = vector.broadcast %add3A_497 : i32 to vector<16xi32>
      %get3A_507 = arith.constant 0 : i32
      %get3A_508 = arith.index_cast %get3A_507 : i32 to index
      %get3A_509 = arith.index_cast %add3A_497 : i32 to index
      %get3A_510 = arith.constant 16 : index
      %get3A_511 = tpu.vector_load %arg11[%get3A_508, %get3A_509, %get3A_510] {strides = array<i32>} : memref<3x128x64xf32, #tpu.memory_space<vmem>>, vector<16xf32>,
      %add3A_512 = arith.constant 2 : i32
      %add3A_513 = vector.broadcast %add3A_512 : i32 to vector<16xi32>
      %add3A_514 = arith.addi %select_n3A_174, %add3A_513 : vector<16xi32>
      %broadcast_in_dim3A_515 = vector.broadcast %add3A_497 : i32 to vector<16xi32>
      %get3A_516 = arith.constant 0 : i32
      %get3A_517 = arith.index_cast %get3A_516 : i32 to index
      %get3A_518 = arith.index_cast %add3A_497 : i32 to index
      %get3A_519 = arith.constant 32 : index
      %get3A_520 = tpu.vector_load %arg11[%get3A_517, %get3A_518, %get3A_519] {strides = array<i32>} : memref<3x128x64xf32, #tpu.memory_space<vmem>>, vector<16xf32>,
      %add3A_521 = arith.constant 4 : i32
      %add3A_522 = vector.broadcast %add3A_521 : i32 to vector<16xi32>
      %add3A_523 = arith.addi %select_n3A_174, %add3A_522 : vector<16xi32>
      %broadcast_in_dim3A_524 = vector.broadcast %add3A_497 : i32 to vector<16xi32>
      %get3A_525 = arith.constant 0 : i32
      %get3A_526 = arith.index_cast %get3A_525 : i32 to index
      %get3A_527 = arith.index_cast %add3A_497 : i32 to index
      %get3A_528 = arith.constant 48 : index
      %get3A_529 = tpu.vector_load %arg11[%get3A_526, %get3A_527, %get3A_528] {strides = array<i32>} : memref<3x128x64xf32, #tpu.memory_space<vmem>>, vector<16xf32>,
      %add3A_530 = arith.constant 6 : i32
      %add3A_531 = vector.broadcast %add3A_530 : i32 to vector<16xi32>
      %add3A_532 = arith.addi %select_n3A_174, %add3A_531 : vector<16xi32>
      %broadcast_in_dim3A_533 = vector.broadcast %add3A_497 : i32 to vector<16xi32>
      tpu.vector_store_idx %arg12[%broadcast_in_dim3A_178, %add3A_385, %rem3A_177, %broadcast_in_dim3A_386], %get3A_382 : memref<2x8x8x129xf32, #tpu.memory_space<vmem>>[vector<16xi32>, vector<16xi32>, vector<16xi32>, vector<16xi32>], vector<16xf32>,
      tpu.vector_store_idx %arg12[%broadcast_in_dim3A_178, %add3A_394, %rem3A_177, %broadcast_in_dim3A_395], %get3A_391 : memref<2x8x8x129xf32, #tpu.memory_space<vmem>>[vector<16xi32>, vector<16xi32>, vector<16xi32>, vector<16xi32>], vector<16xf32>,
      tpu.vector_store_idx %arg12[%broadcast_in_dim3A_178, %add3A_403, %rem3A_177, %broadcast_in_dim3A_404], %get3A_400 : memref<2x8x8x129xf32, #tpu.memory_space<vmem>>[vector<16xi32>, vector<16xi32>, vector<16xi32>, vector<16xi32>], vector<16xf32>,
      tpu.vector_store_idx %arg12[%broadcast_in_dim3A_178, %add3A_412, %rem3A_177, %broadcast_in_dim3A_413], %get3A_409 : memref<2x8x8x129xf32, #tpu.memory_space<vmem>>[vector<16xi32>, vector<16xi32>, vector<16xi32>, vector<16xi32>], vector<16xf32>,
      tpu.vector_store_idx %arg12[%broadcast_in_dim3A_178, %add3A_425, %rem3A_177, %broadcast_in_dim3A_426], %get3A_422 : memref<2x8x8x129xf32, #tpu.memory_space<vmem>>[vector<16xi32>, vector<16xi32>, vector<16xi32>, vector<16xi32>], vector<16xf32>,
      tpu.vector_store_idx %arg12[%broadcast_in_dim3A_178, %add3A_434, %rem3A_177, %broadcast_in_dim3A_435], %get3A_431 : memref<2x8x8x129xf32, #tpu.memory_space<vmem>>[vector<16xi32>, vector<16xi32>, vector<16xi32>, vector<16xi32>], vector<16xf32>,
      tpu.vector_store_idx %arg12[%broadcast_in_dim3A_178, %add3A_443, %rem3A_177, %broadcast_in_dim3A_444], %get3A_440 : memref<2x8x8x129xf32, #tpu.memory_space<vmem>>[vector<16xi32>, vector<16xi32>, vector<16xi32>, vector<16xi32>], vector<16xf32>,
      tpu.vector_store_idx %arg12[%broadcast_in_dim3A_178, %add3A_452, %rem3A_177, %broadcast_in_dim3A_453], %get3A_449 : memref<2x8x8x129xf32, #tpu.memory_space<vmem>>[vector<16xi32>, vector<16xi32>, vector<16xi32>, vector<16xi32>], vector<16xf32>,
      tpu.vector_store_idx %arg12[%broadcast_in_dim3A_178, %add3A_465, %rem3A_177, %broadcast_in_dim3A_466], %get3A_462 : memref<2x8x8x129xf32, #tpu.memory_space<vmem>>[vector<16xi32>, vector<16xi32>, vector<16xi32>, vector<16xi32>], vector<16xf32>,
      tpu.vector_store_idx %arg12[%broadcast_in_dim3A_178, %add3A_474, %rem3A_177, %broadcast_in_dim3A_475], %get3A_471 : memref<2x8x8x129xf32, #tpu.memory_space<vmem>>[vector<16xi32>, vector<16xi32>, vector<16xi32>, vector<16xi32>], vector<16xf32>,
      tpu.vector_store_idx %arg12[%broadcast_in_dim3A_178, %add3A_483, %rem3A_177, %broadcast_in_dim3A_484], %get3A_480 : memref<2x8x8x129xf32, #tpu.memory_space<vmem>>[vector<16xi32>, vector<16xi32>, vector<16xi32>, vector<16xi32>], vector<16xf32>,
      tpu.vector_store_idx %arg12[%broadcast_in_dim3A_178, %add3A_492, %rem3A_177, %broadcast_in_dim3A_493], %get3A_489 : memref<2x8x8x129xf32, #tpu.memory_space<vmem>>[vector<16xi32>, vector<16xi32>, vector<16xi32>, vector<16xi32>], vector<16xf32>,
      tpu.vector_store_idx %arg12[%broadcast_in_dim3A_178, %add3A_505, %rem3A_177, %broadcast_in_dim3A_506], %get3A_502 : memref<2x8x8x129xf32, #tpu.memory_space<vmem>>[vector<16xi32>, vector<16xi32>, vector<16xi32>, vector<16xi32>], vector<16xf32>,
      tpu.vector_store_idx %arg12[%broadcast_in_dim3A_178, %add3A_514, %rem3A_177, %broadcast_in_dim3A_515], %get3A_511 : memref<2x8x8x129xf32, #tpu.memory_space<vmem>>[vector<16xi32>, vector<16xi32>, vector<16xi32>, vector<16xi32>], vector<16xf32>,
      tpu.vector_store_idx %arg12[%broadcast_in_dim3A_178, %add3A_523, %rem3A_177, %broadcast_in_dim3A_524], %get3A_520 : memref<2x8x8x129xf32, #tpu.memory_space<vmem>>[vector<16xi32>, vector<16xi32>, vector<16xi32>, vector<16xi32>], vector<16xf32>,
      tpu.vector_store_idx %arg12[%broadcast_in_dim3A_178, %add3A_532, %rem3A_177, %broadcast_in_dim3A_533], %get3A_529 : memref<2x8x8x129xf32, #tpu.memory_space<vmem>>[vector<16xi32>, vector<16xi32>, vector<16xi32>, vector<16xi32>], vector<16xf32>,
    }
    %scan3A_184 = arith.constant 32 : i32
    %run_scoped3A_185 = arith.constant 0 : i32
    "tpu.region"() ({
      %run_scoped3A_374 = tpu.sem_alloc : memref<!tpu.dma_semaphore, #tpu.memory_space<semaphore_mem>>
      %dma_start3A_375 = arith.constant 0 : i32
      %dma_start3A_376 = arith.constant 0 : i32
      %dma_start3A_377 = arith.constant 0 : i32
      %dma_start3A_378 = tpu.memref_slice %arg12[%run_scoped3A_185, %dma_start3A_375, %dma_start3A_376, %dma_start3A_377] : memref<2x8x8x129xf32, #tpu.memory_space<vmem>> -> memref<1x8x8x128xf32, #tpu.memory_space<vmem>>
      %dma_start3A_379 = tpu.memref_squeeze %dma_start3A_378 : memref<1x8x8x128xf32, #tpu.memory_space<vmem>> -> memref<8x8x128xf32, #tpu.memory_space<vmem>>
      %dma_start3A_380 = arith.constant 0 : i32
      %dma_start3A_381 = arith.constant 0 : i32
      %dma_start3A_382 = arith.constant 0 : i32
      %dma_start3A_383 = tpu.memref_slice %arg7[%dma_start3A_380, %add3A, %dma_start3A_381, %dma_start3A_382] : memref<8x32x8x128xf32, #tpu.memory_space<hbm>> -> memref<8x1x8x128xf32, #tpu.memory_space<hbm>>
      %dma_start3A_384 = tpu.memref_squeeze %dma_start3A_383 : memref<8x1x8x128xf32, #tpu.memory_space<hbm>> -> memref<8x8x128xf32, #tpu.memory_space<hbm>>
      %dma_start3A_385 = arith.constant 0 : i32
      %dma_start3A_386 = arith.constant 0 : i32
      %dma_start3A_387 = arith.constant 0 : i32
      %dma_start3A_388 = tpu.memref_slice %arg7[%dma_start3A_385, %add3A, %dma_start3A_386, %dma_start3A_387] : memref<8x32x8x128xf32, #tpu.memory_space<hbm>> -> memref<8x1x8x128xf32, #tpu.memory_space<hbm>>
      %dma_start3A_389 = tpu.memref_squeeze %dma_start3A_388 : memref<8x1x8x128xf32, #tpu.memory_space<hbm>> -> memref<8x8x128xf32, #tpu.memory_space<hbm>>
      %dma_start3A_390 = arith.constant 0 : i32
      %dma_start3A_391 = arith.constant 0 : i32
      %dma_start3A_392 = arith.constant 0 : i32
      %dma_start3A_393 = tpu.memref_slice %arg12[%run_scoped3A_185, %dma_start3A_390, %dma_start3A_391, %dma_start3A_392] : memref<2x8x8x129xf32, #tpu.memory_space<vmem>> -> memref<1x8x8x128xf32, #tpu.memory_space<vmem>>
      %dma_start3A_394 = tpu.memref_squeeze %dma_start3A_393 : memref<1x8x8x128xf32, #tpu.memory_space<vmem>> -> memref<8x8x128xf32, #tpu.memory_space<vmem>>
      tpu.enqueue_dma source(%dma_start3A_394 : memref<8x8x128xf32, #tpu.memory_space<vmem>>) target(%dma_start3A_389 : memref<8x8x128xf32, #tpu.memory_space<hbm>>) target_semaphore(%run_scoped3A_374 : memref<!tpu.dma_semaphore, #tpu.memory_space<semaphore_mem>>)
      %dma_wait3A_395 = arith.constant 0 : i32
      %dma_wait3A_396 = arith.constant 0 : i32
      %dma_wait3A_397 = arith.constant 0 : i32
      %dma_wait3A_398 = tpu.memref_slice %arg12[%run_scoped3A_185, %dma_wait3A_395, %dma_wait3A_396, %dma_wait3A_397] : memref<2x8x8x129xf32, #tpu.memory_space<vmem>> -> memref<1x8x8x128xf32, #tpu.memory_space<vmem>>
      %dma_wait3A_399 = tpu.memref_squeeze %dma_wait3A_398 : memref<1x8x8x128xf32, #tpu.memory_space<vmem>> -> memref<8x8x128xf32, #tpu.memory_space<vmem>>
      %dma_wait3A_400 = arith.constant 0 : i32
      %dma_wait3A_401 = arith.constant 0 : i32
      %dma_wait3A_402 = arith.constant 0 : i32
      %dma_wait3A_403 = tpu.memref_slice %arg7[%dma_wait3A_400, %add3A, %dma_wait3A_401, %dma_wait3A_402] : memref<8x32x8x128xf32, #tpu.memory_space<hbm>> -> memref<8x1x8x128xf32, #tpu.memory_space<hbm>>
      %dma_wait3A_404 = tpu.memref_squeeze %dma_wait3A_403 : memref<8x1x8x128xf32, #tpu.memory_space<hbm>> -> memref<8x8x128xf32, #tpu.memory_space<hbm>>
      %dma_wait3A_405 = arith.constant 0 : i32
      %dma_wait3A_406 = arith.constant 0 : i32
      %dma_wait3A_407 = arith.constant 0 : i32
      %dma_wait3A_408 = tpu.memref_slice %arg7[%dma_wait3A_405, %add3A, %dma_wait3A_406, %dma_wait3A_407] : memref<8x32x8x128xf32, #tpu.memory_space<hbm>> -> memref<8x1x8x128xf32, #tpu.memory_space<hbm>>
      %dma_wait3A_409 = tpu.memref_squeeze %dma_wait3A_408 : memref<8x1x8x128xf32, #tpu.memory_space<hbm>> -> memref<8x8x128xf32, #tpu.memory_space<hbm>>
      %dma_wait3A_410 = arith.constant 0 : i32
      %dma_wait3A_411 = arith.constant 0 : i32
      %dma_wait3A_412 = arith.constant 0 : i32
      %dma_wait3A_413 = tpu.memref_slice %arg12[%run_scoped3A_185, %dma_wait3A_410, %dma_wait3A_411, %dma_wait3A_412] : memref<2x8x8x129xf32, #tpu.memory_space<vmem>> -> memref<1x8x8x128xf32, #tpu.memory_space<vmem>>
      %dma_wait3A_414 = tpu.memref_squeeze %dma_wait3A_413 : memref<1x8x8x128xf32, #tpu.memory_space<vmem>> -> memref<8x8x128xf32, #tpu.memory_space<vmem>>
      tpu.wait_dma2 semaphore(%run_scoped3A_374 : memref<!tpu.dma_semaphore, #tpu.memory_space<semaphore_mem>>) src(%dma_wait3A_414 : memref<8x8x128xf32, #tpu.memory_space<vmem>>) dst(%dma_wait3A_409 : memref<8x8x128xf32, #tpu.memory_space<hbm>>)
      tpu.yield
    }) : () -> ()
    %add3A_186 = arith.constant 32 : i32
    %add3A_187 = arith.addi %add3A_186, %add3A : i32
    %jit3A_188 = arith.constant 8 : i32
    %div3A_189 = arith.divsi %add3A_187, %jit3A_188 : i32
    %sign3A_190 = arith.constant 0 : i32
    %sign3A_191 = arith.cmpi sgt, %add3A_187, %sign3A_190 : i32
    %sign3A_192 = arith.extui %sign3A_191 : i1 to i32
    %sign3A_193 = arith.constant 0 : i32
    %sign3A_194 = arith.cmpi slt, %add3A_187, %sign3A_193 : i32
    %sign3A_195 = arith.extui %sign3A_194 : i1 to i32
    %sign3A_196 = arith.subi %sign3A_192, %sign3A_195 : i32
    %sign3A_197 = arith.constant 0 : i32
    %sign3A_198 = arith.cmpi sgt, %jit3A_188, %sign3A_197 : i32
    %sign3A_199 = arith.extui %sign3A_198 : i1 to i32
    %sign3A_200 = arith.constant 0 : i32
    %sign3A_201 = arith.cmpi slt, %jit3A_188, %sign3A_200 : i32
    %sign3A_202 = arith.extui %sign3A_201 : i1 to i32
    %sign3A_203 = arith.subi %sign3A_199, %sign3A_202 : i32
    %ne3A_204 = arith.cmpi ne, %sign3A_196, %sign3A_203 : i32
    %rem3A_205 = arith.remsi %add3A_187, %jit3A_188 : i32
    %ne3A_206 = arith.constant 0 : i32
    %ne3A_207 = arith.cmpi ne, %rem3A_205, %ne3A_206 : i32
    %and3A_208 = arith.andi %ne3A_204, %ne3A_207 : i1
    %sub3A_209 = arith.constant 1 : i32
    %sub3A_210 = arith.subi %div3A_189, %sub3A_209 : i32
    %select_n3A_211 = arith.select %and3A_208, %sub3A_210, %div3A_189 : i32
    "tpu.region"() ({
      %run_scoped3A_374 = tpu.sem_alloc : memref<!tpu.dma_semaphore, #tpu.memory_space<semaphore_mem>>
      %dma_start3A_375 = arith.constant 0 : i32
      %dma_start3A_376 = arith.constant 0 : i32
      %dma_start3A_377 = tpu.memref_slice %arg10[%dma_start3A_375, %dma_start3A_376] : memref<200x128xi32, #tpu.memory_space<vmem>> -> memref<8x128xi32, #tpu.memory_space<vmem>>
      %dma_start3A_378 = arith.constant 0 : i32
      %dma_start3A_379 = arith.constant 0 : i32
      %dma_start3A_380 = tpu.memref_slice %arg5[%select_n3A_211, %dma_start3A_378, %dma_start3A_379] : memref<12x8x128xi32, #tpu.memory_space<hbm>> -> memref<1x8x128xi32, #tpu.memory_space<hbm>>
      %dma_start3A_381 = tpu.memref_squeeze %dma_start3A_380 : memref<1x8x128xi32, #tpu.memory_space<hbm>> -> memref<8x128xi32, #tpu.memory_space<hbm>>
      %dma_start3A_382 = arith.constant 0 : i32
      %dma_start3A_383 = arith.constant 0 : i32
      %dma_start3A_384 = tpu.memref_slice %arg10[%dma_start3A_382, %dma_start3A_383] : memref<200x128xi32, #tpu.memory_space<vmem>> -> memref<8x128xi32, #tpu.memory_space<vmem>>
      %dma_start3A_385 = arith.constant 0 : i32
      %dma_start3A_386 = arith.constant 0 : i32
      %dma_start3A_387 = tpu.memref_slice %arg5[%select_n3A_211, %dma_start3A_385, %dma_start3A_386] : memref<12x8x128xi32, #tpu.memory_space<hbm>> -> memref<1x8x128xi32, #tpu.memory_space<hbm>>
      %dma_start3A_388 = tpu.memref_squeeze %dma_start3A_387 : memref<1x8x128xi32, #tpu.memory_space<hbm>> -> memref<8x128xi32, #tpu.memory_space<hbm>>
      tpu.enqueue_dma source(%dma_start3A_388 : memref<8x128xi32, #tpu.memory_space<hbm>>) target(%dma_start3A_384 : memref<8x128xi32, #tpu.memory_space<vmem>>) target_semaphore(%run_scoped3A_374 : memref<!tpu.dma_semaphore, #tpu.memory_space<semaphore_mem>>)
      %dma_wait3A_389 = arith.constant 0 : i32
      %dma_wait3A_390 = arith.constant 0 : i32
      %dma_wait3A_391 = tpu.memref_slice %arg10[%dma_wait3A_389, %dma_wait3A_390] : memref<200x128xi32, #tpu.memory_space<vmem>> -> memref<8x128xi32, #tpu.memory_space<vmem>>
      %dma_wait3A_392 = arith.constant 0 : i32
      %dma_wait3A_393 = arith.constant 0 : i32
      %dma_wait3A_394 = tpu.memref_slice %arg5[%select_n3A_211, %dma_wait3A_392, %dma_wait3A_393] : memref<12x8x128xi32, #tpu.memory_space<hbm>> -> memref<1x8x128xi32, #tpu.memory_space<hbm>>
      %dma_wait3A_395 = tpu.memref_squeeze %dma_wait3A_394 : memref<1x8x128xi32, #tpu.memory_space<hbm>> -> memref<8x128xi32, #tpu.memory_space<hbm>>
      %dma_wait3A_396 = arith.constant 0 : i32
      %dma_wait3A_397 = arith.constant 0 : i32
      %dma_wait3A_398 = tpu.memref_slice %arg10[%dma_wait3A_396, %dma_wait3A_397] : memref<200x128xi32, #tpu.memory_space<vmem>> -> memref<8x128xi32, #tpu.memory_space<vmem>>
      %dma_wait3A_399 = arith.constant 0 : i32
      %dma_wait3A_400 = arith.constant 0 : i32
      %dma_wait3A_401 = tpu.memref_slice %arg5[%select_n3A_211, %dma_wait3A_399, %dma_wait3A_400] : memref<12x8x128xi32, #tpu.memory_space<hbm>> -> memref<1x8x128xi32, #tpu.memory_space<hbm>>
      %dma_wait3A_402 = tpu.memref_squeeze %dma_wait3A_401 : memref<1x8x128xi32, #tpu.memory_space<hbm>> -> memref<8x128xi32, #tpu.memory_space<hbm>>
      tpu.wait_dma2 semaphore(%run_scoped3A_374 : memref<!tpu.dma_semaphore, #tpu.memory_space<semaphore_mem>>) src(%dma_wait3A_402 : memref<8x128xi32, #tpu.memory_space<hbm>>) dst(%dma_wait3A_398 : memref<8x128xi32, #tpu.memory_space<vmem>>)
      tpu.yield
    }) : () -> ()
    %rem3A_212 = arith.constant 8 : i32
    %rem3A_213 = arith.remsi %add3A_187, %rem3A_212 : i32
    %dma_start3A_214 = arith.constant 0 : i32
    %dma_start3A_215 = arith.constant 0 : i32
    %dma_start3A_216 = arith.constant 0 : i32
    %dma_start3A_217 = tpu.memref_slice %arg11[%dma_start3A_214, %dma_start3A_215, %dma_start3A_216] : memref<3x128x64xf32, #tpu.memory_space<vmem>> -> memref<1x128x64xf32, #tpu.memory_space<vmem>>
    %dma_start3A_218 = tpu.memref_squeeze %dma_start3A_217 : memref<1x128x64xf32, #tpu.memory_space<vmem>> -> memref<128x64xf32, #tpu.memory_space<vmem>>
    %dma_start3A_219 = arith.constant 0 : i32
    %dma_start3A_220 = tpu.memref_slice %arg10[%rem3A_213, %dma_start3A_219] : memref<200x128xi32, #tpu.memory_space<vmem>> -> memref<1x128xi32, #tpu.memory_space<vmem>>
    %dma_start3A_221 = tpu.memref_squeeze %dma_start3A_220 : memref<1x128xi32, #tpu.memory_space<vmem>> -> memref<128xi32, #tpu.memory_space<vmem>>
    %dma_start3A_222 = arith.constant 0 : i32
    %dma_start3A_223 = arith.constant 0 : i32
    %dma_start3A_224 = tpu.memref_slice %arg3[%dma_start3A_222, %dma_start3A_223] : memref<1000x64xf32, #tpu.memory_space<hbm>> -> memref<1000x64xf32, #tpu.memory_space<hbm>>
    tpu.enqueue_indirect_dma source(%dma_start3A_224 : memref<1000x64xf32, #tpu.memory_space<hbm>>) target(%dma_start3A_218 : memref<128x64xf32, #tpu.memory_space<vmem>>) offsets(%dma_start3A_221 : memref<128xi32, #tpu.memory_space<vmem>>) semaphore(%arg13 : memref<!tpu.dma_semaphore, #tpu.memory_space<semaphore_mem>>)
    %dma_wait3A_225 = arith.constant 0 : i32
    %dma_wait3A_226 = arith.constant 0 : i32
    %dma_wait3A_227 = arith.constant 0 : i32
    %dma_wait3A_228 = tpu.memref_slice %arg11[%dma_wait3A_225, %dma_wait3A_226, %dma_wait3A_227] : memref<3x128x64xf32, #tpu.memory_space<vmem>> -> memref<1x128x64xf32, #tpu.memory_space<vmem>>
    %dma_wait3A_229 = tpu.memref_squeeze %dma_wait3A_228 : memref<1x128x64xf32, #tpu.memory_space<vmem>> -> memref<128x64xf32, #tpu.memory_space<vmem>>
    %dma_wait3A_230 = arith.constant 0 : i32
    %dma_wait3A_231 = tpu.memref_slice %arg10[%rem3A_213, %dma_wait3A_230] : memref<200x128xi32, #tpu.memory_space<vmem>> -> memref<1x128xi32, #tpu.memory_space<vmem>>
    %dma_wait3A_232 = tpu.memref_squeeze %dma_wait3A_231 : memref<1x128xi32, #tpu.memory_space<vmem>> -> memref<128xi32, #tpu.memory_space<vmem>>
    %dma_wait3A_233 = arith.constant 0 : i32
    %dma_wait3A_234 = arith.constant 0 : i32
    %dma_wait3A_235 = tpu.memref_slice %arg3[%dma_wait3A_233, %dma_wait3A_234] : memref<1000x64xf32, #tpu.memory_space<hbm>> -> memref<1000x64xf32, #tpu.memory_space<hbm>>
    tpu.wait_indirect_dma semaphore(%arg13 : memref<!tpu.dma_semaphore, #tpu.memory_space<semaphore_mem>>) src(%dma_wait3A_235 : memref<1000x64xf32, #tpu.memory_space<hbm>>) dst(%dma_wait3A_229 : memref<128x64xf32, #tpu.memory_space<vmem>>)
    %iota3A_236 = tpu.iota {dimensions = array<i32: 0>} : vector<16xi32>
    %jit3A_237 = arith.constant 8 : i32
    %div3A_238 = vector.broadcast %jit3A_237 : i32 to vector<16xi32>
    %div3A_239 = arith.divsi %iota3A_236, %div3A_238 : vector<16xi32>
    %sign3A_240 = arith.constant 0 : i32
    %sign3A_241 = vector.broadcast %sign3A_240 : i32 to vector<16xi32>
    %sign3A_242 = arith.cmpi sgt, %iota3A_236, %sign3A_241 : vector<16xi32>
    %sign3A_243 = arith.extui %sign3A_242 : vector<16xi1> to vector<16xi32>
    %sign3A_244 = arith.constant 0 : i32
    %sign3A_245 = vector.broadcast %sign3A_244 : i32 to vector<16xi32>
    %sign3A_246 = arith.cmpi slt, %iota3A_236, %sign3A_245 : vector<16xi32>
    %sign3A_247 = arith.extui %sign3A_246 : vector<16xi1> to vector<16xi32>
    %sign3A_248 = arith.subi %sign3A_243, %sign3A_247 : vector<16xi32>
    %sign3A_249 = arith.constant 0 : i32
    %sign3A_250 = arith.cmpi sgt, %jit3A_237, %sign3A_249 : i32
    %sign3A_251 = arith.extui %sign3A_250 : i1 to i32
    %sign3A_252 = arith.constant 0 : i32
    %sign3A_253 = arith.cmpi slt, %jit3A_237, %sign3A_252 : i32
    %sign3A_254 = arith.extui %sign3A_253 : i1 to i32
    %sign3A_255 = arith.subi %sign3A_251, %sign3A_254 : i32
    %ne3A_256 = vector.broadcast %sign3A_255 : i32 to vector<16xi32>
    %ne3A_257 = arith.cmpi ne, %sign3A_248, %ne3A_256 : vector<16xi32>
    %rem3A_258 = vector.broadcast %jit3A_237 : i32 to vector<16xi32>
    %rem3A_259 = arith.remsi %iota3A_236, %rem3A_258 : vector<16xi32>
    %ne3A_260 = arith.constant 0 : i32
    %ne3A_261 = vector.broadcast %ne3A_260 : i32 to vector<16xi32>
    %ne3A_262 = arith.cmpi ne, %rem3A_259, %ne3A_261 : vector<16xi32>
    %and3A_263 = arith.andi %ne3A_257, %ne3A_262 : vector<16xi1>
    %sub3A_264 = arith.constant 1 : i32
    %sub3A_265 = vector.broadcast %sub3A_264 : i32 to vector<16xi32>
    %sub3A_266 = arith.subi %div3A_239, %sub3A_265 : vector<16xi32>
    %select_n3A_267 = arith.select %and3A_263, %sub3A_266, %div3A_239 : vector<16xi1>, vector<16xi32>
    %rem3A_268 = arith.constant 8 : i32
    %rem3A_269 = vector.broadcast %rem3A_268 : i32 to vector<16xi32>
    %rem3A_270 = arith.remsi %iota3A_236, %rem3A_269 : vector<16xi32>
    %broadcast_in_dim3A_271 = arith.constant 0 : i32
    %broadcast_in_dim3A_272 = vector.broadcast %broadcast_in_dim3A_271 : i32 to vector<16xi32>
    %scan3A_273 = arith.constant 0 : i32
    %scan3A_274 = arith.constant 0 : i32
    %scan3A_275 = arith.constant 32 : i32
    %scan3A_276 = arith.addi %scan3A_274, %scan3A_275 : i32
    %scan3A_277 = arith.constant 1 : i32
    scf.for %scan3A_374 = %scan3A_274 to %scan3A_276 step %scan3A_277  : i32 {
      %mul3A_375 = arith.constant 4 : i32
      %mul3A_376 = arith.muli %scan3A_374, %mul3A_375 : i32
      %add3A_377 = arith.constant 0 : i32
      %add3A_378 = arith.addi %mul3A_376, %add3A_377 : i32
      %get3A = arith.constant 0 : i32
      %get3A_379 = arith.index_cast %get3A : i32 to index
      %get3A_380 = arith.index_cast %add3A_378 : i32 to index
      %get3A_381 = arith.constant 0 : index
      %get3A_382 = tpu.vector_load %arg11[%get3A_379, %get3A_380, %get3A_381] {strides = array<i32>} : memref<3x128x64xf32, #tpu.memory_space<vmem>>, vector<16xf32>,
      %add3A_383 = arith.constant 0 : i32
      %add3A_384 = vector.broadcast %add3A_383 : i32 to vector<16xi32>
      %add3A_385 = arith.addi %select_n3A_267, %add3A_384 : vector<16xi32>
      %broadcast_in_dim3A_386 = vector.broadcast %add3A_378 : i32 to vector<16xi32>
      %get3A_387 = arith.constant 0 : i32
      %get3A_388 = arith.index_cast %get3A_387 : i32 to index
      %get3A_389 = arith.index_cast %add3A_378 : i32 to index
      %get3A_390 = arith.constant 16 : index
      %get3A_391 = tpu.vector_load %arg11[%get3A_388, %get3A_389, %get3A_390] {strides = array<i32>} : memref<3x128x64xf32, #tpu.memory_space<vmem>>, vector<16xf32>,
      %add3A_392 = arith.constant 2 : i32
      %add3A_393 = vector.broadcast %add3A_392 : i32 to vector<16xi32>
      %add3A_394 = arith.addi %select_n3A_267, %add3A_393 : vector<16xi32>
      %broadcast_in_dim3A_395 = vector.broadcast %add3A_378 : i32 to vector<16xi32>
      %get3A_396 = arith.constant 0 : i32
      %get3A_397 = arith.index_cast %get3A_396 : i32 to index
      %get3A_398 = arith.index_cast %add3A_378 : i32 to index
      %get3A_399 = arith.constant 32 : index
      %get3A_400 = tpu.vector_load %arg11[%get3A_397, %get3A_398, %get3A_399] {strides = array<i32>} : memref<3x128x64xf32, #tpu.memory_space<vmem>>, vector<16xf32>,
      %add3A_401 = arith.constant 4 : i32
      %add3A_402 = vector.broadcast %add3A_401 : i32 to vector<16xi32>
      %add3A_403 = arith.addi %select_n3A_267, %add3A_402 : vector<16xi32>
      %broadcast_in_dim3A_404 = vector.broadcast %add3A_378 : i32 to vector<16xi32>
      %get3A_405 = arith.constant 0 : i32
      %get3A_406 = arith.index_cast %get3A_405 : i32 to index
      %get3A_407 = arith.index_cast %add3A_378 : i32 to index
      %get3A_408 = arith.constant 48 : index
      %get3A_409 = tpu.vector_load %arg11[%get3A_406, %get3A_407, %get3A_408] {strides = array<i32>} : memref<3x128x64xf32, #tpu.memory_space<vmem>>, vector<16xf32>,
      %add3A_410 = arith.constant 6 : i32
      %add3A_411 = vector.broadcast %add3A_410 : i32 to vector<16xi32>
      %add3A_412 = arith.addi %select_n3A_267, %add3A_411 : vector<16xi32>
      %broadcast_in_dim3A_413 = vector.broadcast %add3A_378 : i32 to vector<16xi32>
      %mul3A_414 = arith.constant 4 : i32
      %mul3A_415 = arith.muli %scan3A_374, %mul3A_414 : i32
      %add3A_416 = arith.constant 1 : i32
      %add3A_417 = arith.addi %mul3A_415, %add3A_416 : i32
      %get3A_418 = arith.constant 0 : i32
      %get3A_419 = arith.index_cast %get3A_418 : i32 to index
      %get3A_420 = arith.index_cast %add3A_417 : i32 to index
      %get3A_421 = arith.constant 0 : index
      %get3A_422 = tpu.vector_load %arg11[%get3A_419, %get3A_420, %get3A_421] {strides = array<i32>} : memref<3x128x64xf32, #tpu.memory_space<vmem>>, vector<16xf32>,
      %add3A_423 = arith.constant 0 : i32
      %add3A_424 = vector.broadcast %add3A_423 : i32 to vector<16xi32>
      %add3A_425 = arith.addi %select_n3A_267, %add3A_424 : vector<16xi32>
      %broadcast_in_dim3A_426 = vector.broadcast %add3A_417 : i32 to vector<16xi32>
      %get3A_427 = arith.constant 0 : i32
      %get3A_428 = arith.index_cast %get3A_427 : i32 to index
      %get3A_429 = arith.index_cast %add3A_417 : i32 to index
      %get3A_430 = arith.constant 16 : index
      %get3A_431 = tpu.vector_load %arg11[%get3A_428, %get3A_429, %get3A_430] {strides = array<i32>} : memref<3x128x64xf32, #tpu.memory_space<vmem>>, vector<16xf32>,
      %add3A_432 = arith.constant 2 : i32
      %add3A_433 = vector.broadcast %add3A_432 : i32 to vector<16xi32>
      %add3A_434 = arith.addi %select_n3A_267, %add3A_433 : vector<16xi32>
      %broadcast_in_dim3A_435 = vector.broadcast %add3A_417 : i32 to vector<16xi32>
      %get3A_436 = arith.constant 0 : i32
      %get3A_437 = arith.index_cast %get3A_436 : i32 to index
      %get3A_438 = arith.index_cast %add3A_417 : i32 to index
      %get3A_439 = arith.constant 32 : index
      %get3A_440 = tpu.vector_load %arg11[%get3A_437, %get3A_438, %get3A_439] {strides = array<i32>} : memref<3x128x64xf32, #tpu.memory_space<vmem>>, vector<16xf32>,
      %add3A_441 = arith.constant 4 : i32
      %add3A_442 = vector.broadcast %add3A_441 : i32 to vector<16xi32>
      %add3A_443 = arith.addi %select_n3A_267, %add3A_442 : vector<16xi32>
      %broadcast_in_dim3A_444 = vector.broadcast %add3A_417 : i32 to vector<16xi32>
      %get3A_445 = arith.constant 0 : i32
      %get3A_446 = arith.index_cast %get3A_445 : i32 to index
      %get3A_447 = arith.index_cast %add3A_417 : i32 to index
      %get3A_448 = arith.constant 48 : index
      %get3A_449 = tpu.vector_load %arg11[%get3A_446, %get3A_447, %get3A_448] {strides = array<i32>} : memref<3x128x64xf32, #tpu.memory_space<vmem>>, vector<16xf32>,
      %add3A_450 = arith.constant 6 : i32
      %add3A_451 = vector.broadcast %add3A_450 : i32 to vector<16xi32>
      %add3A_452 = arith.addi %select_n3A_267, %add3A_451 : vector<16xi32>
      %broadcast_in_dim3A_453 = vector.broadcast %add3A_417 : i32 to vector<16xi32>
      %mul3A_454 = arith.constant 4 : i32
      %mul3A_455 = arith.muli %scan3A_374, %mul3A_454 : i32
      %add3A_456 = arith.constant 2 : i32
      %add3A_457 = arith.addi %mul3A_455, %add3A_456 : i32
      %get3A_458 = arith.constant 0 : i32
      %get3A_459 = arith.index_cast %get3A_458 : i32 to index
      %get3A_460 = arith.index_cast %add3A_457 : i32 to index
      %get3A_461 = arith.constant 0 : index
      %get3A_462 = tpu.vector_load %arg11[%get3A_459, %get3A_460, %get3A_461] {strides = array<i32>} : memref<3x128x64xf32, #tpu.memory_space<vmem>>, vector<16xf32>,
      %add3A_463 = arith.constant 0 : i32
      %add3A_464 = vector.broadcast %add3A_463 : i32 to vector<16xi32>
      %add3A_465 = arith.addi %select_n3A_267, %add3A_464 : vector<16xi32>
      %broadcast_in_dim3A_466 = vector.broadcast %add3A_457 : i32 to vector<16xi32>
      %get3A_467 = arith.constant 0 : i32
      %get3A_468 = arith.index_cast %get3A_467 : i32 to index
      %get3A_469 = arith.index_cast %add3A_457 : i32 to index
      %get3A_470 = arith.constant 16 : index
      %get3A_471 = tpu.vector_load %arg11[%get3A_468, %get3A_469, %get3A_470] {strides = array<i32>} : memref<3x128x64xf32, #tpu.memory_space<vmem>>, vector<16xf32>,
      %add3A_472 = arith.constant 2 : i32
      %add3A_473 = vector.broadcast %add3A_472 : i32 to vector<16xi32>
      %add3A_474 = arith.addi %select_n3A_267, %add3A_473 : vector<16xi32>
      %broadcast_in_dim3A_475 = vector.broadcast %add3A_457 : i32 to vector<16xi32>
      %get3A_476 = arith.constant 0 : i32
      %get3A_477 = arith.index_cast %get3A_476 : i32 to index
      %get3A_478 = arith.index_cast %add3A_457 : i32 to index
      %get3A_479 = arith.constant 32 : index
      %get3A_480 = tpu.vector_load %arg11[%get3A_477, %get3A_478, %get3A_479] {strides = array<i32>} : memref<3x128x64xf32, #tpu.memory_space<vmem>>, vector<16xf32>,
      %add3A_481 = arith.constant 4 : i32
      %add3A_482 = vector.broadcast %add3A_481 : i32 to vector<16xi32>
      %add3A_483 = arith.addi %select_n3A_267, %add3A_482 : vector<16xi32>
      %broadcast_in_dim3A_484 = vector.broadcast %add3A_457 : i32 to vector<16xi32>
      %get3A_485 = arith.constant 0 : i32
      %get3A_486 = arith.index_cast %get3A_485 : i32 to index
      %get3A_487 = arith.index_cast %add3A_457 : i32 to index
      %get3A_488 = arith.constant 48 : index
      %get3A_489 = tpu.vector_load %arg11[%get3A_486, %get3A_487, %get3A_488] {strides = array<i32>} : memref<3x128x64xf32, #tpu.memory_space<vmem>>, vector<16xf32>,
      %add3A_490 = arith.constant 6 : i32
      %add3A_491 = vector.broadcast %add3A_490 : i32 to vector<16xi32>
      %add3A_492 = arith.addi %select_n3A_267, %add3A_491 : vector<16xi32>
      %broadcast_in_dim3A_493 = vector.broadcast %add3A_457 : i32 to vector<16xi32>
      %mul3A_494 = arith.constant 4 : i32
      %mul3A_495 = arith.muli %scan3A_374, %mul3A_494 : i32
      %add3A_496 = arith.constant 3 : i32
      %add3A_497 = arith.addi %mul3A_495, %add3A_496 : i32
      %get3A_498 = arith.constant 0 : i32
      %get3A_499 = arith.index_cast %get3A_498 : i32 to index
      %get3A_500 = arith.index_cast %add3A_497 : i32 to index
      %get3A_501 = arith.constant 0 : index
      %get3A_502 = tpu.vector_load %arg11[%get3A_499, %get3A_500, %get3A_501] {strides = array<i32>} : memref<3x128x64xf32, #tpu.memory_space<vmem>>, vector<16xf32>,
      %add3A_503 = arith.constant 0 : i32
      %add3A_504 = vector.broadcast %add3A_503 : i32 to vector<16xi32>
      %add3A_505 = arith.addi %select_n3A_267, %add3A_504 : vector<16xi32>
      %broadcast_in_dim3A_506 = vector.broadcast %add3A_497 : i32 to vector<16xi32>
      %get3A_507 = arith.constant 0 : i32
      %get3A_508 = arith.index_cast %get3A_507 : i32 to index
      %get3A_509 = arith.index_cast %add3A_497 : i32 to index
      %get3A_510 = arith.constant 16 : index
      %get3A_511 = tpu.vector_load %arg11[%get3A_508, %get3A_509, %get3A_510] {strides = array<i32>} : memref<3x128x64xf32, #tpu.memory_space<vmem>>, vector<16xf32>,
      %add3A_512 = arith.constant 2 : i32
      %add3A_513 = vector.broadcast %add3A_512 : i32 to vector<16xi32>
      %add3A_514 = arith.addi %select_n3A_267, %add3A_513 : vector<16xi32>
      %broadcast_in_dim3A_515 = vector.broadcast %add3A_497 : i32 to vector<16xi32>
      %get3A_516 = arith.constant 0 : i32
      %get3A_517 = arith.index_cast %get3A_516 : i32 to index
      %get3A_518 = arith.index_cast %add3A_497 : i32 to index
      %get3A_519 = arith.constant 32 : index
      %get3A_520 = tpu.vector_load %arg11[%get3A_517, %get3A_518, %get3A_519] {strides = array<i32>} : memref<3x128x64xf32, #tpu.memory_space<vmem>>, vector<16xf32>,
      %add3A_521 = arith.constant 4 : i32
      %add3A_522 = vector.broadcast %add3A_521 : i32 to vector<16xi32>
      %add3A_523 = arith.addi %select_n3A_267, %add3A_522 : vector<16xi32>
      %broadcast_in_dim3A_524 = vector.broadcast %add3A_497 : i32 to vector<16xi32>
      %get3A_525 = arith.constant 0 : i32
      %get3A_526 = arith.index_cast %get3A_525 : i32 to index
      %get3A_527 = arith.index_cast %add3A_497 : i32 to index
      %get3A_528 = arith.constant 48 : index
      %get3A_529 = tpu.vector_load %arg11[%get3A_526, %get3A_527, %get3A_528] {strides = array<i32>} : memref<3x128x64xf32, #tpu.memory_space<vmem>>, vector<16xf32>,
      %add3A_530 = arith.constant 6 : i32
      %add3A_531 = vector.broadcast %add3A_530 : i32 to vector<16xi32>
      %add3A_532 = arith.addi %select_n3A_267, %add3A_531 : vector<16xi32>
      %broadcast_in_dim3A_533 = vector.broadcast %add3A_497 : i32 to vector<16xi32>
      tpu.vector_store_idx %arg12[%broadcast_in_dim3A_272, %add3A_385, %rem3A_270, %broadcast_in_dim3A_386], %get3A_382 : memref<2x8x8x129xf32, #tpu.memory_space<vmem>>[vector<16xi32>, vector<16xi32>, vector<16xi32>, vector<16xi32>], vector<16xf32>,
      tpu.vector_store_idx %arg12[%broadcast_in_dim3A_272, %add3A_394, %rem3A_270, %broadcast_in_dim3A_395], %get3A_391 : memref<2x8x8x129xf32, #tpu.memory_space<vmem>>[vector<16xi32>, vector<16xi32>, vector<16xi32>, vector<16xi32>], vector<16xf32>,
      tpu.vector_store_idx %arg12[%broadcast_in_dim3A_272, %add3A_403, %rem3A_270, %broadcast_in_dim3A_404], %get3A_400 : memref<2x8x8x129xf32, #tpu.memory_space<vmem>>[vector<16xi32>, vector<16xi32>, vector<16xi32>, vector<16xi32>], vector<16xf32>,
      tpu.vector_store_idx %arg12[%broadcast_in_dim3A_272, %add3A_412, %rem3A_270, %broadcast_in_dim3A_413], %get3A_409 : memref<2x8x8x129xf32, #tpu.memory_space<vmem>>[vector<16xi32>, vector<16xi32>, vector<16xi32>, vector<16xi32>], vector<16xf32>,
      tpu.vector_store_idx %arg12[%broadcast_in_dim3A_272, %add3A_425, %rem3A_270, %broadcast_in_dim3A_426], %get3A_422 : memref<2x8x8x129xf32, #tpu.memory_space<vmem>>[vector<16xi32>, vector<16xi32>, vector<16xi32>, vector<16xi32>], vector<16xf32>,
      tpu.vector_store_idx %arg12[%broadcast_in_dim3A_272, %add3A_434, %rem3A_270, %broadcast_in_dim3A_435], %get3A_431 : memref<2x8x8x129xf32, #tpu.memory_space<vmem>>[vector<16xi32>, vector<16xi32>, vector<16xi32>, vector<16xi32>], vector<16xf32>,
      tpu.vector_store_idx %arg12[%broadcast_in_dim3A_272, %add3A_443, %rem3A_270, %broadcast_in_dim3A_444], %get3A_440 : memref<2x8x8x129xf32, #tpu.memory_space<vmem>>[vector<16xi32>, vector<16xi32>, vector<16xi32>, vector<16xi32>], vector<16xf32>,
      tpu.vector_store_idx %arg12[%broadcast_in_dim3A_272, %add3A_452, %rem3A_270, %broadcast_in_dim3A_453], %get3A_449 : memref<2x8x8x129xf32, #tpu.memory_space<vmem>>[vector<16xi32>, vector<16xi32>, vector<16xi32>, vector<16xi32>], vector<16xf32>,
      tpu.vector_store_idx %arg12[%broadcast_in_dim3A_272, %add3A_465, %rem3A_270, %broadcast_in_dim3A_466], %get3A_462 : memref<2x8x8x129xf32, #tpu.memory_space<vmem>>[vector<16xi32>, vector<16xi32>, vector<16xi32>, vector<16xi32>], vector<16xf32>,
      tpu.vector_store_idx %arg12[%broadcast_in_dim3A_272, %add3A_474, %rem3A_270, %broadcast_in_dim3A_475], %get3A_471 : memref<2x8x8x129xf32, #tpu.memory_space<vmem>>[vector<16xi32>, vector<16xi32>, vector<16xi32>, vector<16xi32>], vector<16xf32>,
      tpu.vector_store_idx %arg12[%broadcast_in_dim3A_272, %add3A_483, %rem3A_270, %broadcast_in_dim3A_484], %get3A_480 : memref<2x8x8x129xf32, #tpu.memory_space<vmem>>[vector<16xi32>, vector<16xi32>, vector<16xi32>, vector<16xi32>], vector<16xf32>,
      tpu.vector_store_idx %arg12[%broadcast_in_dim3A_272, %add3A_492, %rem3A_270, %broadcast_in_dim3A_493], %get3A_489 : memref<2x8x8x129xf32, #tpu.memory_space<vmem>>[vector<16xi32>, vector<16xi32>, vector<16xi32>, vector<16xi32>], vector<16xf32>,
      tpu.vector_store_idx %arg12[%broadcast_in_dim3A_272, %add3A_505, %rem3A_270, %broadcast_in_dim3A_506], %get3A_502 : memref<2x8x8x129xf32, #tpu.memory_space<vmem>>[vector<16xi32>, vector<16xi32>, vector<16xi32>, vector<16xi32>], vector<16xf32>,
      tpu.vector_store_idx %arg12[%broadcast_in_dim3A_272, %add3A_514, %rem3A_270, %broadcast_in_dim3A_515], %get3A_511 : memref<2x8x8x129xf32, #tpu.memory_space<vmem>>[vector<16xi32>, vector<16xi32>, vector<16xi32>, vector<16xi32>], vector<16xf32>,
      tpu.vector_store_idx %arg12[%broadcast_in_dim3A_272, %add3A_523, %rem3A_270, %broadcast_in_dim3A_524], %get3A_520 : memref<2x8x8x129xf32, #tpu.memory_space<vmem>>[vector<16xi32>, vector<16xi32>, vector<16xi32>, vector<16xi32>], vector<16xf32>,
      tpu.vector_store_idx %arg12[%broadcast_in_dim3A_272, %add3A_532, %rem3A_270, %broadcast_in_dim3A_533], %get3A_529 : memref<2x8x8x129xf32, #tpu.memory_space<vmem>>[vector<16xi32>, vector<16xi32>, vector<16xi32>, vector<16xi32>], vector<16xf32>,
    }
    %scan3A_278 = arith.constant 32 : i32
    %run_scoped3A_279 = arith.constant 0 : i32
    "tpu.region"() ({
      %run_scoped3A_374 = tpu.sem_alloc : memref<!tpu.dma_semaphore, #tpu.memory_space<semaphore_mem>>
      %dma_start3A_375 = arith.constant 0 : i32
      %dma_start3A_376 = arith.constant 0 : i32
      %dma_start3A_377 = arith.constant 0 : i32
      %dma_start3A_378 = tpu.memref_slice %arg12[%run_scoped3A_279, %dma_start3A_375, %dma_start3A_376, %dma_start3A_377] : memref<2x8x8x129xf32, #tpu.memory_space<vmem>> -> memref<1x8x8x128xf32, #tpu.memory_space<vmem>>
      %dma_start3A_379 = tpu.memref_squeeze %dma_start3A_378 : memref<1x8x8x128xf32, #tpu.memory_space<vmem>> -> memref<8x8x128xf32, #tpu.memory_space<vmem>>
      %dma_start3A_380 = arith.constant 0 : i32
      %dma_start3A_381 = arith.constant 0 : i32
      %dma_start3A_382 = arith.constant 0 : i32
      %dma_start3A_383 = tpu.memref_slice %arg8[%dma_start3A_380, %add3A, %dma_start3A_381, %dma_start3A_382] : memref<8x32x8x128xf32, #tpu.memory_space<hbm>> -> memref<8x1x8x128xf32, #tpu.memory_space<hbm>>
      %dma_start3A_384 = tpu.memref_squeeze %dma_start3A_383 : memref<8x1x8x128xf32, #tpu.memory_space<hbm>> -> memref<8x8x128xf32, #tpu.memory_space<hbm>>
      %dma_start3A_385 = arith.constant 0 : i32
      %dma_start3A_386 = arith.constant 0 : i32
      %dma_start3A_387 = arith.constant 0 : i32
      %dma_start3A_388 = tpu.memref_slice %arg8[%dma_start3A_385, %add3A, %dma_start3A_386, %dma_start3A_387] : memref<8x32x8x128xf32, #tpu.memory_space<hbm>> -> memref<8x1x8x128xf32, #tpu.memory_space<hbm>>
      %dma_start3A_389 = tpu.memref_squeeze %dma_start3A_388 : memref<8x1x8x128xf32, #tpu.memory_space<hbm>> -> memref<8x8x128xf32, #tpu.memory_space<hbm>>
      %dma_start3A_390 = arith.constant 0 : i32
      %dma_start3A_391 = arith.constant 0 : i32
      %dma_start3A_392 = arith.constant 0 : i32
      %dma_start3A_393 = tpu.memref_slice %arg12[%run_scoped3A_279, %dma_start3A_390, %dma_start3A_391, %dma_start3A_392] : memref<2x8x8x129xf32, #tpu.memory_space<vmem>> -> memref<1x8x8x128xf32, #tpu.memory_space<vmem>>
      %dma_start3A_394 = tpu.memref_squeeze %dma_start3A_393 : memref<1x8x8x128xf32, #tpu.memory_space<vmem>> -> memref<8x8x128xf32, #tpu.memory_space<vmem>>
      tpu.enqueue_dma source(%dma_start3A_394 : memref<8x8x128xf32, #tpu.memory_space<vmem>>) target(%dma_start3A_389 : memref<8x8x128xf32, #tpu.memory_space<hbm>>) target_semaphore(%run_scoped3A_374 : memref<!tpu.dma_semaphore, #tpu.memory_space<semaphore_mem>>)
      %dma_wait3A_395 = arith.constant 0 : i32
      %dma_wait3A_396 = arith.constant 0 : i32
      %dma_wait3A_397 = arith.constant 0 : i32
      %dma_wait3A_398 = tpu.memref_slice %arg12[%run_scoped3A_279, %dma_wait3A_395, %dma_wait3A_396, %dma_wait3A_397] : memref<2x8x8x129xf32, #tpu.memory_space<vmem>> -> memref<1x8x8x128xf32, #tpu.memory_space<vmem>>
      %dma_wait3A_399 = tpu.memref_squeeze %dma_wait3A_398 : memref<1x8x8x128xf32, #tpu.memory_space<vmem>> -> memref<8x8x128xf32, #tpu.memory_space<vmem>>
      %dma_wait3A_400 = arith.constant 0 : i32
      %dma_wait3A_401 = arith.constant 0 : i32
      %dma_wait3A_402 = arith.constant 0 : i32
      %dma_wait3A_403 = tpu.memref_slice %arg8[%dma_wait3A_400, %add3A, %dma_wait3A_401, %dma_wait3A_402] : memref<8x32x8x128xf32, #tpu.memory_space<hbm>> -> memref<8x1x8x128xf32, #tpu.memory_space<hbm>>
      %dma_wait3A_404 = tpu.memref_squeeze %dma_wait3A_403 : memref<8x1x8x128xf32, #tpu.memory_space<hbm>> -> memref<8x8x128xf32, #tpu.memory_space<hbm>>
      %dma_wait3A_405 = arith.constant 0 : i32
      %dma_wait3A_406 = arith.constant 0 : i32
      %dma_wait3A_407 = arith.constant 0 : i32
      %dma_wait3A_408 = tpu.memref_slice %arg8[%dma_wait3A_405, %add3A, %dma_wait3A_406, %dma_wait3A_407] : memref<8x32x8x128xf32, #tpu.memory_space<hbm>> -> memref<8x1x8x128xf32, #tpu.memory_space<hbm>>
      %dma_wait3A_409 = tpu.memref_squeeze %dma_wait3A_408 : memref<8x1x8x128xf32, #tpu.memory_space<hbm>> -> memref<8x8x128xf32, #tpu.memory_space<hbm>>
      %dma_wait3A_410 = arith.constant 0 : i32
      %dma_wait3A_411 = arith.constant 0 : i32
      %dma_wait3A_412 = arith.constant 0 : i32
      %dma_wait3A_413 = tpu.memref_slice %arg12[%run_scoped3A_279, %dma_wait3A_410, %dma_wait3A_411, %dma_wait3A_412] : memref<2x8x8x129xf32, #tpu.memory_space<vmem>> -> memref<1x8x8x128xf32, #tpu.memory_space<vmem>>
      %dma_wait3A_414 = tpu.memref_squeeze %dma_wait3A_413 : memref<1x8x8x128xf32, #tpu.memory_space<vmem>> -> memref<8x8x128xf32, #tpu.memory_space<vmem>>
      tpu.wait_dma2 semaphore(%run_scoped3A_374 : memref<!tpu.dma_semaphore, #tpu.memory_space<semaphore_mem>>) src(%dma_wait3A_414 : memref<8x8x128xf32, #tpu.memory_space<vmem>>) dst(%dma_wait3A_409 : memref<8x8x128xf32, #tpu.memory_space<hbm>>)
      tpu.yield
    }) : () -> ()
    %add3A_280 = arith.constant 64 : i32
    %add3A_281 = arith.addi %add3A_280, %add3A : i32
    %jit3A_282 = arith.constant 8 : i32
    %div3A_283 = arith.divsi %add3A_281, %jit3A_282 : i32
    %sign3A_284 = arith.constant 0 : i32
    %sign3A_285 = arith.cmpi sgt, %add3A_281, %sign3A_284 : i32
    %sign3A_286 = arith.extui %sign3A_285 : i1 to i32
    %sign3A_287 = arith.constant 0 : i32
    %sign3A_288 = arith.cmpi slt, %add3A_281, %sign3A_287 : i32
    %sign3A_289 = arith.extui %sign3A_288 : i1 to i32
    %sign3A_290 = arith.subi %sign3A_286, %sign3A_289 : i32
    %sign3A_291 = arith.constant 0 : i32
    %sign3A_292 = arith.cmpi sgt, %jit3A_282, %sign3A_291 : i32
    %sign3A_293 = arith.extui %sign3A_292 : i1 to i32
    %sign3A_294 = arith.constant 0 : i32
    %sign3A_295 = arith.cmpi slt, %jit3A_282, %sign3A_294 : i32
    %sign3A_296 = arith.extui %sign3A_295 : i1 to i32
    %sign3A_297 = arith.subi %sign3A_293, %sign3A_296 : i32
    %ne3A_298 = arith.cmpi ne, %sign3A_290, %sign3A_297 : i32
    %rem3A_299 = arith.remsi %add3A_281, %jit3A_282 : i32
    %ne3A_300 = arith.constant 0 : i32
    %ne3A_301 = arith.cmpi ne, %rem3A_299, %ne3A_300 : i32
    %and3A_302 = arith.andi %ne3A_298, %ne3A_301 : i1
    %sub3A_303 = arith.constant 1 : i32
    %sub3A_304 = arith.subi %div3A_283, %sub3A_303 : i32
    %select_n3A_305 = arith.select %and3A_302, %sub3A_304, %div3A_283 : i32
    "tpu.region"() ({
      %run_scoped3A_374 = tpu.sem_alloc : memref<!tpu.dma_semaphore, #tpu.memory_space<semaphore_mem>>
      %dma_start3A_375 = arith.constant 0 : i32
      %dma_start3A_376 = arith.constant 0 : i32
      %dma_start3A_377 = tpu.memref_slice %arg10[%dma_start3A_375, %dma_start3A_376] : memref<200x128xi32, #tpu.memory_space<vmem>> -> memref<8x128xi32, #tpu.memory_space<vmem>>
      %dma_start3A_378 = arith.constant 0 : i32
      %dma_start3A_379 = arith.constant 0 : i32
      %dma_start3A_380 = tpu.memref_slice %arg5[%select_n3A_305, %dma_start3A_378, %dma_start3A_379] : memref<12x8x128xi32, #tpu.memory_space<hbm>> -> memref<1x8x128xi32, #tpu.memory_space<hbm>>
      %dma_start3A_381 = tpu.memref_squeeze %dma_start3A_380 : memref<1x8x128xi32, #tpu.memory_space<hbm>> -> memref<8x128xi32, #tpu.memory_space<hbm>>
      %dma_start3A_382 = arith.constant 0 : i32
      %dma_start3A_383 = arith.constant 0 : i32
      %dma_start3A_384 = tpu.memref_slice %arg10[%dma_start3A_382, %dma_start3A_383] : memref<200x128xi32, #tpu.memory_space<vmem>> -> memref<8x128xi32, #tpu.memory_space<vmem>>
      %dma_start3A_385 = arith.constant 0 : i32
      %dma_start3A_386 = arith.constant 0 : i32
      %dma_start3A_387 = tpu.memref_slice %arg5[%select_n3A_305, %dma_start3A_385, %dma_start3A_386] : memref<12x8x128xi32, #tpu.memory_space<hbm>> -> memref<1x8x128xi32, #tpu.memory_space<hbm>>
      %dma_start3A_388 = tpu.memref_squeeze %dma_start3A_387 : memref<1x8x128xi32, #tpu.memory_space<hbm>> -> memref<8x128xi32, #tpu.memory_space<hbm>>
      tpu.enqueue_dma source(%dma_start3A_388 : memref<8x128xi32, #tpu.memory_space<hbm>>) target(%dma_start3A_384 : memref<8x128xi32, #tpu.memory_space<vmem>>) target_semaphore(%run_scoped3A_374 : memref<!tpu.dma_semaphore, #tpu.memory_space<semaphore_mem>>)
      %dma_wait3A_389 = arith.constant 0 : i32
      %dma_wait3A_390 = arith.constant 0 : i32
      %dma_wait3A_391 = tpu.memref_slice %arg10[%dma_wait3A_389, %dma_wait3A_390] : memref<200x128xi32, #tpu.memory_space<vmem>> -> memref<8x128xi32, #tpu.memory_space<vmem>>
      %dma_wait3A_392 = arith.constant 0 : i32
      %dma_wait3A_393 = arith.constant 0 : i32
      %dma_wait3A_394 = tpu.memref_slice %arg5[%select_n3A_305, %dma_wait3A_392, %dma_wait3A_393] : memref<12x8x128xi32, #tpu.memory_space<hbm>> -> memref<1x8x128xi32, #tpu.memory_space<hbm>>
      %dma_wait3A_395 = tpu.memref_squeeze %dma_wait3A_394 : memref<1x8x128xi32, #tpu.memory_space<hbm>> -> memref<8x128xi32, #tpu.memory_space<hbm>>
      %dma_wait3A_396 = arith.constant 0 : i32
      %dma_wait3A_397 = arith.constant 0 : i32
      %dma_wait3A_398 = tpu.memref_slice %arg10[%dma_wait3A_396, %dma_wait3A_397] : memref<200x128xi32, #tpu.memory_space<vmem>> -> memref<8x128xi32, #tpu.memory_space<vmem>>
      %dma_wait3A_399 = arith.constant 0 : i32
      %dma_wait3A_400 = arith.constant 0 : i32
      %dma_wait3A_401 = tpu.memref_slice %arg5[%select_n3A_305, %dma_wait3A_399, %dma_wait3A_400] : memref<12x8x128xi32, #tpu.memory_space<hbm>> -> memref<1x8x128xi32, #tpu.memory_space<hbm>>
      %dma_wait3A_402 = tpu.memref_squeeze %dma_wait3A_401 : memref<1x8x128xi32, #tpu.memory_space<hbm>> -> memref<8x128xi32, #tpu.memory_space<hbm>>
      tpu.wait_dma2 semaphore(%run_scoped3A_374 : memref<!tpu.dma_semaphore, #tpu.memory_space<semaphore_mem>>) src(%dma_wait3A_402 : memref<8x128xi32, #tpu.memory_space<hbm>>) dst(%dma_wait3A_398 : memref<8x128xi32, #tpu.memory_space<vmem>>)
      tpu.yield
    }) : () -> ()
    %rem3A_306 = arith.constant 8 : i32
    %rem3A_307 = arith.remsi %add3A_281, %rem3A_306 : i32
    %dma_start3A_308 = arith.constant 0 : i32
    %dma_start3A_309 = arith.constant 0 : i32
    %dma_start3A_310 = arith.constant 0 : i32
    %dma_start3A_311 = tpu.memref_slice %arg11[%dma_start3A_308, %dma_start3A_309, %dma_start3A_310] : memref<3x128x64xf32, #tpu.memory_space<vmem>> -> memref<1x128x64xf32, #tpu.memory_space<vmem>>
    %dma_start3A_312 = tpu.memref_squeeze %dma_start3A_311 : memref<1x128x64xf32, #tpu.memory_space<vmem>> -> memref<128x64xf32, #tpu.memory_space<vmem>>
    %dma_start3A_313 = arith.constant 0 : i32
    %dma_start3A_314 = tpu.memref_slice %arg10[%rem3A_307, %dma_start3A_313] : memref<200x128xi32, #tpu.memory_space<vmem>> -> memref<1x128xi32, #tpu.memory_space<vmem>>
    %dma_start3A_315 = tpu.memref_squeeze %dma_start3A_314 : memref<1x128xi32, #tpu.memory_space<vmem>> -> memref<128xi32, #tpu.memory_space<vmem>>
    %dma_start3A_316 = arith.constant 0 : i32
    %dma_start3A_317 = arith.constant 0 : i32
    %dma_start3A_318 = tpu.memref_slice %arg2[%dma_start3A_316, %dma_start3A_317] : memref<1000000x64xf32, #tpu.memory_space<hbm>> -> memref<1000000x64xf32, #tpu.memory_space<hbm>>
    tpu.enqueue_indirect_dma source(%dma_start3A_318 : memref<1000000x64xf32, #tpu.memory_space<hbm>>) target(%dma_start3A_312 : memref<128x64xf32, #tpu.memory_space<vmem>>) offsets(%dma_start3A_315 : memref<128xi32, #tpu.memory_space<vmem>>) semaphore(%arg13 : memref<!tpu.dma_semaphore, #tpu.memory_space<semaphore_mem>>)
    %dma_wait3A_319 = arith.constant 0 : i32
    %dma_wait3A_320 = arith.constant 0 : i32
    %dma_wait3A_321 = arith.constant 0 : i32
    %dma_wait3A_322 = tpu.memref_slice %arg11[%dma_wait3A_319, %dma_wait3A_320, %dma_wait3A_321] : memref<3x128x64xf32, #tpu.memory_space<vmem>> -> memref<1x128x64xf32, #tpu.memory_space<vmem>>
    %dma_wait3A_323 = tpu.memref_squeeze %dma_wait3A_322 : memref<1x128x64xf32, #tpu.memory_space<vmem>> -> memref<128x64xf32, #tpu.memory_space<vmem>>
    %dma_wait3A_324 = arith.constant 0 : i32
    %dma_wait3A_325 = tpu.memref_slice %arg10[%rem3A_307, %dma_wait3A_324] : memref<200x128xi32, #tpu.memory_space<vmem>> -> memref<1x128xi32, #tpu.memory_space<vmem>>
    %dma_wait3A_326 = tpu.memref_squeeze %dma_wait3A_325 : memref<1x128xi32, #tpu.memory_space<vmem>> -> memref<128xi32, #tpu.memory_space<vmem>>
    %dma_wait3A_327 = arith.constant 0 : i32
    %dma_wait3A_328 = arith.constant 0 : i32
    %dma_wait3A_329 = tpu.memref_slice %arg2[%dma_wait3A_327, %dma_wait3A_328] : memref<1000000x64xf32, #tpu.memory_space<hbm>> -> memref<1000000x64xf32, #tpu.memory_space<hbm>>
    tpu.wait_indirect_dma semaphore(%arg13 : memref<!tpu.dma_semaphore, #tpu.memory_space<semaphore_mem>>) src(%dma_wait3A_329 : memref<1000000x64xf32, #tpu.memory_space<hbm>>) dst(%dma_wait3A_323 : memref<128x64xf32, #tpu.memory_space<vmem>>)
    %iota3A_330 = tpu.iota {dimensions = array<i32: 0>} : vector<16xi32>
    %jit3A_331 = arith.constant 8 : i32
    %div3A_332 = vector.broadcast %jit3A_331 : i32 to vector<16xi32>
    %div3A_333 = arith.divsi %iota3A_330, %div3A_332 : vector<16xi32>
    %sign3A_334 = arith.constant 0 : i32
    %sign3A_335 = vector.broadcast %sign3A_334 : i32 to vector<16xi32>
    %sign3A_336 = arith.cmpi sgt, %iota3A_330, %sign3A_335 : vector<16xi32>
    %sign3A_337 = arith.extui %sign3A_336 : vector<16xi1> to vector<16xi32>
    %sign3A_338 = arith.constant 0 : i32
    %sign3A_339 = vector.broadcast %sign3A_338 : i32 to vector<16xi32>
    %sign3A_340 = arith.cmpi slt, %iota3A_330, %sign3A_339 : vector<16xi32>
    %sign3A_341 = arith.extui %sign3A_340 : vector<16xi1> to vector<16xi32>
    %sign3A_342 = arith.subi %sign3A_337, %sign3A_341 : vector<16xi32>
    %sign3A_343 = arith.constant 0 : i32
    %sign3A_344 = arith.cmpi sgt, %jit3A_331, %sign3A_343 : i32
    %sign3A_345 = arith.extui %sign3A_344 : i1 to i32
    %sign3A_346 = arith.constant 0 : i32
    %sign3A_347 = arith.cmpi slt, %jit3A_331, %sign3A_346 : i32
    %sign3A_348 = arith.extui %sign3A_347 : i1 to i32
    %sign3A_349 = arith.subi %sign3A_345, %sign3A_348 : i32
    %ne3A_350 = vector.broadcast %sign3A_349 : i32 to vector<16xi32>
    %ne3A_351 = arith.cmpi ne, %sign3A_342, %ne3A_350 : vector<16xi32>
    %rem3A_352 = vector.broadcast %jit3A_331 : i32 to vector<16xi32>
    %rem3A_353 = arith.remsi %iota3A_330, %rem3A_352 : vector<16xi32>
    %ne3A_354 = arith.constant 0 : i32
    %ne3A_355 = vector.broadcast %ne3A_354 : i32 to vector<16xi32>
    %ne3A_356 = arith.cmpi ne, %rem3A_353, %ne3A_355 : vector<16xi32>
    %and3A_357 = arith.andi %ne3A_351, %ne3A_356 : vector<16xi1>
    %sub3A_358 = arith.constant 1 : i32
    %sub3A_359 = vector.broadcast %sub3A_358 : i32 to vector<16xi32>
    %sub3A_360 = arith.subi %div3A_333, %sub3A_359 : vector<16xi32>
    %select_n3A_361 = arith.select %and3A_357, %sub3A_360, %div3A_333 : vector<16xi1>, vector<16xi32>
    %rem3A_362 = arith.constant 8 : i32
    %rem3A_363 = vector.broadcast %rem3A_362 : i32 to vector<16xi32>
    %rem3A_364 = arith.remsi %iota3A_330, %rem3A_363 : vector<16xi32>
    %broadcast_in_dim3A_365 = arith.constant 0 : i32
    %broadcast_in_dim3A_366 = vector.broadcast %broadcast_in_dim3A_365 : i32 to vector<16xi32>
    %scan3A_367 = arith.constant 0 : i32
    %scan3A_368 = arith.constant 0 : i32
    %scan3A_369 = arith.constant 32 : i32
    %scan3A_370 = arith.addi %scan3A_368, %scan3A_369 : i32
    %scan3A_371 = arith.constant 1 : i32
    scf.for %scan3A_374 = %scan3A_368 to %scan3A_370 step %scan3A_371  : i32 {
      %mul3A_375 = arith.constant 4 : i32
      %mul3A_376 = arith.muli %scan3A_374, %mul3A_375 : i32
      %add3A_377 = arith.constant 0 : i32
      %add3A_378 = arith.addi %mul3A_376, %add3A_377 : i32
      %get3A = arith.constant 0 : i32
      %get3A_379 = arith.index_cast %get3A : i32 to index
      %get3A_380 = arith.index_cast %add3A_378 : i32 to index
      %get3A_381 = arith.constant 0 : index
      %get3A_382 = tpu.vector_load %arg11[%get3A_379, %get3A_380, %get3A_381] {strides = array<i32>} : memref<3x128x64xf32, #tpu.memory_space<vmem>>, vector<16xf32>,
      %add3A_383 = arith.constant 0 : i32
      %add3A_384 = vector.broadcast %add3A_383 : i32 to vector<16xi32>
      %add3A_385 = arith.addi %select_n3A_361, %add3A_384 : vector<16xi32>
      %broadcast_in_dim3A_386 = vector.broadcast %add3A_378 : i32 to vector<16xi32>
      %get3A_387 = arith.constant 0 : i32
      %get3A_388 = arith.index_cast %get3A_387 : i32 to index
      %get3A_389 = arith.index_cast %add3A_378 : i32 to index
      %get3A_390 = arith.constant 16 : index
      %get3A_391 = tpu.vector_load %arg11[%get3A_388, %get3A_389, %get3A_390] {strides = array<i32>} : memref<3x128x64xf32, #tpu.memory_space<vmem>>, vector<16xf32>,
      %add3A_392 = arith.constant 2 : i32
      %add3A_393 = vector.broadcast %add3A_392 : i32 to vector<16xi32>
      %add3A_394 = arith.addi %select_n3A_361, %add3A_393 : vector<16xi32>
      %broadcast_in_dim3A_395 = vector.broadcast %add3A_378 : i32 to vector<16xi32>
      %get3A_396 = arith.constant 0 : i32
      %get3A_397 = arith.index_cast %get3A_396 : i32 to index
      %get3A_398 = arith.index_cast %add3A_378 : i32 to index
      %get3A_399 = arith.constant 32 : index
      %get3A_400 = tpu.vector_load %arg11[%get3A_397, %get3A_398, %get3A_399] {strides = array<i32>} : memref<3x128x64xf32, #tpu.memory_space<vmem>>, vector<16xf32>,
      %add3A_401 = arith.constant 4 : i32
      %add3A_402 = vector.broadcast %add3A_401 : i32 to vector<16xi32>
      %add3A_403 = arith.addi %select_n3A_361, %add3A_402 : vector<16xi32>
      %broadcast_in_dim3A_404 = vector.broadcast %add3A_378 : i32 to vector<16xi32>
      %get3A_405 = arith.constant 0 : i32
      %get3A_406 = arith.index_cast %get3A_405 : i32 to index
      %get3A_407 = arith.index_cast %add3A_378 : i32 to index
      %get3A_408 = arith.constant 48 : index
      %get3A_409 = tpu.vector_load %arg11[%get3A_406, %get3A_407, %get3A_408] {strides = array<i32>} : memref<3x128x64xf32, #tpu.memory_space<vmem>>, vector<16xf32>,
      %add3A_410 = arith.constant 6 : i32
      %add3A_411 = vector.broadcast %add3A_410 : i32 to vector<16xi32>
      %add3A_412 = arith.addi %select_n3A_361, %add3A_411 : vector<16xi32>
      %broadcast_in_dim3A_413 = vector.broadcast %add3A_378 : i32 to vector<16xi32>
      %mul3A_414 = arith.constant 4 : i32
      %mul3A_415 = arith.muli %scan3A_374, %mul3A_414 : i32
      %add3A_416 = arith.constant 1 : i32
      %add3A_417 = arith.addi %mul3A_415, %add3A_416 : i32
      %get3A_418 = arith.constant 0 : i32
      %get3A_419 = arith.index_cast %get3A_418 : i32 to index
      %get3A_420 = arith.index_cast %add3A_417 : i32 to index
      %get3A_421 = arith.constant 0 : index
      %get3A_422 = tpu.vector_load %arg11[%get3A_419, %get3A_420, %get3A_421] {strides = array<i32>} : memref<3x128x64xf32, #tpu.memory_space<vmem>>, vector<16xf32>,
      %add3A_423 = arith.constant 0 : i32
      %add3A_424 = vector.broadcast %add3A_423 : i32 to vector<16xi32>
      %add3A_425 = arith.addi %select_n3A_361, %add3A_424 : vector<16xi32>
      %broadcast_in_dim3A_426 = vector.broadcast %add3A_417 : i32 to vector<16xi32>
      %get3A_427 = arith.constant 0 : i32
      %get3A_428 = arith.index_cast %get3A_427 : i32 to index
      %get3A_429 = arith.index_cast %add3A_417 : i32 to index
      %get3A_430 = arith.constant 16 : index
      %get3A_431 = tpu.vector_load %arg11[%get3A_428, %get3A_429, %get3A_430] {strides = array<i32>} : memref<3x128x64xf32, #tpu.memory_space<vmem>>, vector<16xf32>,
      %add3A_432 = arith.constant 2 : i32
      %add3A_433 = vector.broadcast %add3A_432 : i32 to vector<16xi32>
      %add3A_434 = arith.addi %select_n3A_361, %add3A_433 : vector<16xi32>
      %broadcast_in_dim3A_435 = vector.broadcast %add3A_417 : i32 to vector<16xi32>
      %get3A_436 = arith.constant 0 : i32
      %get3A_437 = arith.index_cast %get3A_436 : i32 to index
      %get3A_438 = arith.index_cast %add3A_417 : i32 to index
      %get3A_439 = arith.constant 32 : index
      %get3A_440 = tpu.vector_load %arg11[%get3A_437, %get3A_438, %get3A_439] {strides = array<i32>} : memref<3x128x64xf32, #tpu.memory_space<vmem>>, vector<16xf32>,
      %add3A_441 = arith.constant 4 : i32
      %add3A_442 = vector.broadcast %add3A_441 : i32 to vector<16xi32>
      %add3A_443 = arith.addi %select_n3A_361, %add3A_442 : vector<16xi32>
      %broadcast_in_dim3A_444 = vector.broadcast %add3A_417 : i32 to vector<16xi32>
      %get3A_445 = arith.constant 0 : i32
      %get3A_446 = arith.index_cast %get3A_445 : i32 to index
      %get3A_447 = arith.index_cast %add3A_417 : i32 to index
      %get3A_448 = arith.constant 48 : index
      %get3A_449 = tpu.vector_load %arg11[%get3A_446, %get3A_447, %get3A_448] {strides = array<i32>} : memref<3x128x64xf32, #tpu.memory_space<vmem>>, vector<16xf32>,
      %add3A_450 = arith.constant 6 : i32
      %add3A_451 = vector.broadcast %add3A_450 : i32 to vector<16xi32>
      %add3A_452 = arith.addi %select_n3A_361, %add3A_451 : vector<16xi32>
      %broadcast_in_dim3A_453 = vector.broadcast %add3A_417 : i32 to vector<16xi32>
      %mul3A_454 = arith.constant 4 : i32
      %mul3A_455 = arith.muli %scan3A_374, %mul3A_454 : i32
      %add3A_456 = arith.constant 2 : i32
      %add3A_457 = arith.addi %mul3A_455, %add3A_456 : i32
      %get3A_458 = arith.constant 0 : i32
      %get3A_459 = arith.index_cast %get3A_458 : i32 to index
      %get3A_460 = arith.index_cast %add3A_457 : i32 to index
      %get3A_461 = arith.constant 0 : index
      %get3A_462 = tpu.vector_load %arg11[%get3A_459, %get3A_460, %get3A_461] {strides = array<i32>} : memref<3x128x64xf32, #tpu.memory_space<vmem>>, vector<16xf32>,
      %add3A_463 = arith.constant 0 : i32
      %add3A_464 = vector.broadcast %add3A_463 : i32 to vector<16xi32>
      %add3A_465 = arith.addi %select_n3A_361, %add3A_464 : vector<16xi32>
      %broadcast_in_dim3A_466 = vector.broadcast %add3A_457 : i32 to vector<16xi32>
      %get3A_467 = arith.constant 0 : i32
      %get3A_468 = arith.index_cast %get3A_467 : i32 to index
      %get3A_469 = arith.index_cast %add3A_457 : i32 to index
      %get3A_470 = arith.constant 16 : index
      %get3A_471 = tpu.vector_load %arg11[%get3A_468, %get3A_469, %get3A_470] {strides = array<i32>} : memref<3x128x64xf32, #tpu.memory_space<vmem>>, vector<16xf32>,
      %add3A_472 = arith.constant 2 : i32
      %add3A_473 = vector.broadcast %add3A_472 : i32 to vector<16xi32>
      %add3A_474 = arith.addi %select_n3A_361, %add3A_473 : vector<16xi32>
      %broadcast_in_dim3A_475 = vector.broadcast %add3A_457 : i32 to vector<16xi32>
      %get3A_476 = arith.constant 0 : i32
      %get3A_477 = arith.index_cast %get3A_476 : i32 to index
      %get3A_478 = arith.index_cast %add3A_457 : i32 to index
      %get3A_479 = arith.constant 32 : index
      %get3A_480 = tpu.vector_load %arg11[%get3A_477, %get3A_478, %get3A_479] {strides = array<i32>} : memref<3x128x64xf32, #tpu.memory_space<vmem>>, vector<16xf32>,
      %add3A_481 = arith.constant 4 : i32
      %add3A_482 = vector.broadcast %add3A_481 : i32 to vector<16xi32>
      %add3A_483 = arith.addi %select_n3A_361, %add3A_482 : vector<16xi32>
      %broadcast_in_dim3A_484 = vector.broadcast %add3A_457 : i32 to vector<16xi32>
      %get3A_485 = arith.constant 0 : i32
      %get3A_486 = arith.index_cast %get3A_485 : i32 to index
      %get3A_487 = arith.index_cast %add3A_457 : i32 to index
      %get3A_488 = arith.constant 48 : index
      %get3A_489 = tpu.vector_load %arg11[%get3A_486, %get3A_487, %get3A_488] {strides = array<i32>} : memref<3x128x64xf32, #tpu.memory_space<vmem>>, vector<16xf32>,
      %add3A_490 = arith.constant 6 : i32
      %add3A_491 = vector.broadcast %add3A_490 : i32 to vector<16xi32>
      %add3A_492 = arith.addi %select_n3A_361, %add3A_491 : vector<16xi32>
      %broadcast_in_dim3A_493 = vector.broadcast %add3A_457 : i32 to vector<16xi32>
      %mul3A_494 = arith.constant 4 : i32
      %mul3A_495 = arith.muli %scan3A_374, %mul3A_494 : i32
      %add3A_496 = arith.constant 3 : i32
      %add3A_497 = arith.addi %mul3A_495, %add3A_496 : i32
      %get3A_498 = arith.constant 0 : i32
      %get3A_499 = arith.index_cast %get3A_498 : i32 to index
      %get3A_500 = arith.index_cast %add3A_497 : i32 to index
      %get3A_501 = arith.constant 0 : index
      %get3A_502 = tpu.vector_load %arg11[%get3A_499, %get3A_500, %get3A_501] {strides = array<i32>} : memref<3x128x64xf32, #tpu.memory_space<vmem>>, vector<16xf32>,
      %add3A_503 = arith.constant 0 : i32
      %add3A_504 = vector.broadcast %add3A_503 : i32 to vector<16xi32>
      %add3A_505 = arith.addi %select_n3A_361, %add3A_504 : vector<16xi32>
      %broadcast_in_dim3A_506 = vector.broadcast %add3A_497 : i32 to vector<16xi32>
      %get3A_507 = arith.constant 0 : i32
      %get3A_508 = arith.index_cast %get3A_507 : i32 to index
      %get3A_509 = arith.index_cast %add3A_497 : i32 to index
      %get3A_510 = arith.constant 16 : index
      %get3A_511 = tpu.vector_load %arg11[%get3A_508, %get3A_509, %get3A_510] {strides = array<i32>} : memref<3x128x64xf32, #tpu.memory_space<vmem>>, vector<16xf32>,
      %add3A_512 = arith.constant 2 : i32
      %add3A_513 = vector.broadcast %add3A_512 : i32 to vector<16xi32>
      %add3A_514 = arith.addi %select_n3A_361, %add3A_513 : vector<16xi32>
      %broadcast_in_dim3A_515 = vector.broadcast %add3A_497 : i32 to vector<16xi32>
      %get3A_516 = arith.constant 0 : i32
      %get3A_517 = arith.index_cast %get3A_516 : i32 to index
      %get3A_518 = arith.index_cast %add3A_497 : i32 to index
      %get3A_519 = arith.constant 32 : index
      %get3A_520 = tpu.vector_load %arg11[%get3A_517, %get3A_518, %get3A_519] {strides = array<i32>} : memref<3x128x64xf32, #tpu.memory_space<vmem>>, vector<16xf32>,
      %add3A_521 = arith.constant 4 : i32
      %add3A_522 = vector.broadcast %add3A_521 : i32 to vector<16xi32>
      %add3A_523 = arith.addi %select_n3A_361, %add3A_522 : vector<16xi32>
      %broadcast_in_dim3A_524 = vector.broadcast %add3A_497 : i32 to vector<16xi32>
      %get3A_525 = arith.constant 0 : i32
      %get3A_526 = arith.index_cast %get3A_525 : i32 to index
      %get3A_527 = arith.index_cast %add3A_497 : i32 to index
      %get3A_528 = arith.constant 48 : index
      %get3A_529 = tpu.vector_load %arg11[%get3A_526, %get3A_527, %get3A_528] {strides = array<i32>} : memref<3x128x64xf32, #tpu.memory_space<vmem>>, vector<16xf32>,
      %add3A_530 = arith.constant 6 : i32
      %add3A_531 = vector.broadcast %add3A_530 : i32 to vector<16xi32>
      %add3A_532 = arith.addi %select_n3A_361, %add3A_531 : vector<16xi32>
      %broadcast_in_dim3A_533 = vector.broadcast %add3A_497 : i32 to vector<16xi32>
      tpu.vector_store_idx %arg12[%broadcast_in_dim3A_366, %add3A_385, %rem3A_364, %broadcast_in_dim3A_386], %get3A_382 : memref<2x8x8x129xf32, #tpu.memory_space<vmem>>[vector<16xi32>, vector<16xi32>, vector<16xi32>, vector<16xi32>], vector<16xf32>,
      tpu.vector_store_idx %arg12[%broadcast_in_dim3A_366, %add3A_394, %rem3A_364, %broadcast_in_dim3A_395], %get3A_391 : memref<2x8x8x129xf32, #tpu.memory_space<vmem>>[vector<16xi32>, vector<16xi32>, vector<16xi32>, vector<16xi32>], vector<16xf32>,
      tpu.vector_store_idx %arg12[%broadcast_in_dim3A_366, %add3A_403, %rem3A_364, %broadcast_in_dim3A_404], %get3A_400 : memref<2x8x8x129xf32, #tpu.memory_space<vmem>>[vector<16xi32>, vector<16xi32>, vector<16xi32>, vector<16xi32>], vector<16xf32>,
      tpu.vector_store_idx %arg12[%broadcast_in_dim3A_366, %add3A_412, %rem3A_364, %broadcast_in_dim3A_413], %get3A_409 : memref<2x8x8x129xf32, #tpu.memory_space<vmem>>[vector<16xi32>, vector<16xi32>, vector<16xi32>, vector<16xi32>], vector<16xf32>,
      tpu.vector_store_idx %arg12[%broadcast_in_dim3A_366, %add3A_425, %rem3A_364, %broadcast_in_dim3A_426], %get3A_422 : memref<2x8x8x129xf32, #tpu.memory_space<vmem>>[vector<16xi32>, vector<16xi32>, vector<16xi32>, vector<16xi32>], vector<16xf32>,
      tpu.vector_store_idx %arg12[%broadcast_in_dim3A_366, %add3A_434, %rem3A_364, %broadcast_in_dim3A_435], %get3A_431 : memref<2x8x8x129xf32, #tpu.memory_space<vmem>>[vector<16xi32>, vector<16xi32>, vector<16xi32>, vector<16xi32>], vector<16xf32>,
      tpu.vector_store_idx %arg12[%broadcast_in_dim3A_366, %add3A_443, %rem3A_364, %broadcast_in_dim3A_444], %get3A_440 : memref<2x8x8x129xf32, #tpu.memory_space<vmem>>[vector<16xi32>, vector<16xi32>, vector<16xi32>, vector<16xi32>], vector<16xf32>,
      tpu.vector_store_idx %arg12[%broadcast_in_dim3A_366, %add3A_452, %rem3A_364, %broadcast_in_dim3A_453], %get3A_449 : memref<2x8x8x129xf32, #tpu.memory_space<vmem>>[vector<16xi32>, vector<16xi32>, vector<16xi32>, vector<16xi32>], vector<16xf32>,
      tpu.vector_store_idx %arg12[%broadcast_in_dim3A_366, %add3A_465, %rem3A_364, %broadcast_in_dim3A_466], %get3A_462 : memref<2x8x8x129xf32, #tpu.memory_space<vmem>>[vector<16xi32>, vector<16xi32>, vector<16xi32>, vector<16xi32>], vector<16xf32>,
      tpu.vector_store_idx %arg12[%broadcast_in_dim3A_366, %add3A_474, %rem3A_364, %broadcast_in_dim3A_475], %get3A_471 : memref<2x8x8x129xf32, #tpu.memory_space<vmem>>[vector<16xi32>, vector<16xi32>, vector<16xi32>, vector<16xi32>], vector<16xf32>,
      tpu.vector_store_idx %arg12[%broadcast_in_dim3A_366, %add3A_483, %rem3A_364, %broadcast_in_dim3A_484], %get3A_480 : memref<2x8x8x129xf32, #tpu.memory_space<vmem>>[vector<16xi32>, vector<16xi32>, vector<16xi32>, vector<16xi32>], vector<16xf32>,
      tpu.vector_store_idx %arg12[%broadcast_in_dim3A_366, %add3A_492, %rem3A_364, %broadcast_in_dim3A_493], %get3A_489 : memref<2x8x8x129xf32, #tpu.memory_space<vmem>>[vector<16xi32>, vector<16xi32>, vector<16xi32>, vector<16xi32>], vector<16xf32>,
      tpu.vector_store_idx %arg12[%broadcast_in_dim3A_366, %add3A_505, %rem3A_364, %broadcast_in_dim3A_506], %get3A_502 : memref<2x8x8x129xf32, #tpu.memory_space<vmem>>[vector<16xi32>, vector<16xi32>, vector<16xi32>, vector<16xi32>], vector<16xf32>,
      tpu.vector_store_idx %arg12[%broadcast_in_dim3A_366, %add3A_514, %rem3A_364, %broadcast_in_dim3A_515], %get3A_511 : memref<2x8x8x129xf32, #tpu.memory_space<vmem>>[vector<16xi32>, vector<16xi32>, vector<16xi32>, vector<16xi32>], vector<16xf32>,
      tpu.vector_store_idx %arg12[%broadcast_in_dim3A_366, %add3A_523, %rem3A_364, %broadcast_in_dim3A_524], %get3A_520 : memref<2x8x8x129xf32, #tpu.memory_space<vmem>>[vector<16xi32>, vector<16xi32>, vector<16xi32>, vector<16xi32>], vector<16xf32>,
      tpu.vector_store_idx %arg12[%broadcast_in_dim3A_366, %add3A_532, %rem3A_364, %broadcast_in_dim3A_533], %get3A_529 : memref<2x8x8x129xf32, #tpu.memory_space<vmem>>[vector<16xi32>, vector<16xi32>, vector<16xi32>, vector<16xi32>], vector<16xf32>,
    }
    %scan3A_372 = arith.constant 32 : i32
    %run_scoped3A_373 = arith.constant 0 : i32
    "tpu.region"() ({
      %run_scoped3A_374 = tpu.sem_alloc : memref<!tpu.dma_semaphore, #tpu.memory_space<semaphore_mem>>
      %dma_start3A_375 = arith.constant 0 : i32
      %dma_start3A_376 = arith.constant 0 : i32
      %dma_start3A_377 = arith.constant 0 : i32
      %dma_start3A_378 = tpu.memref_slice %arg12[%run_scoped3A_373, %dma_start3A_375, %dma_start3A_376, %dma_start3A_377] : memref<2x8x8x129xf32, #tpu.memory_space<vmem>> -> memref<1x8x8x128xf32, #tpu.memory_space<vmem>>
      %dma_start3A_379 = tpu.memref_squeeze %dma_start3A_378 : memref<1x8x8x128xf32, #tpu.memory_space<vmem>> -> memref<8x8x128xf32, #tpu.memory_space<vmem>>
      %dma_start3A_380 = arith.constant 0 : i32
      %dma_start3A_381 = arith.constant 0 : i32
      %dma_start3A_382 = arith.constant 0 : i32
      %dma_start3A_383 = tpu.memref_slice %arg9[%dma_start3A_380, %add3A, %dma_start3A_381, %dma_start3A_382] : memref<8x32x8x128xf32, #tpu.memory_space<hbm>> -> memref<8x1x8x128xf32, #tpu.memory_space<hbm>>
      %dma_start3A_384 = tpu.memref_squeeze %dma_start3A_383 : memref<8x1x8x128xf32, #tpu.memory_space<hbm>> -> memref<8x8x128xf32, #tpu.memory_space<hbm>>
      %dma_start3A_385 = arith.constant 0 : i32
      %dma_start3A_386 = arith.constant 0 : i32
      %dma_start3A_387 = arith.constant 0 : i32
      %dma_start3A_388 = tpu.memref_slice %arg9[%dma_start3A_385, %add3A, %dma_start3A_386, %dma_start3A_387] : memref<8x32x8x128xf32, #tpu.memory_space<hbm>> -> memref<8x1x8x128xf32, #tpu.memory_space<hbm>>
      %dma_start3A_389 = tpu.memref_squeeze %dma_start3A_388 : memref<8x1x8x128xf32, #tpu.memory_space<hbm>> -> memref<8x8x128xf32, #tpu.memory_space<hbm>>
      %dma_start3A_390 = arith.constant 0 : i32
      %dma_start3A_391 = arith.constant 0 : i32
      %dma_start3A_392 = arith.constant 0 : i32
      %dma_start3A_393 = tpu.memref_slice %arg12[%run_scoped3A_373, %dma_start3A_390, %dma_start3A_391, %dma_start3A_392] : memref<2x8x8x129xf32, #tpu.memory_space<vmem>> -> memref<1x8x8x128xf32, #tpu.memory_space<vmem>>
      %dma_start3A_394 = tpu.memref_squeeze %dma_start3A_393 : memref<1x8x8x128xf32, #tpu.memory_space<vmem>> -> memref<8x8x128xf32, #tpu.memory_space<vmem>>
      tpu.enqueue_dma source(%dma_start3A_394 : memref<8x8x128xf32, #tpu.memory_space<vmem>>) target(%dma_start3A_389 : memref<8x8x128xf32, #tpu.memory_space<hbm>>) target_semaphore(%run_scoped3A_374 : memref<!tpu.dma_semaphore, #tpu.memory_space<semaphore_mem>>)
      %dma_wait3A_395 = arith.constant 0 : i32
      %dma_wait3A_396 = arith.constant 0 : i32
      %dma_wait3A_397 = arith.constant 0 : i32
      %dma_wait3A_398 = tpu.memref_slice %arg12[%run_scoped3A_373, %dma_wait3A_395, %dma_wait3A_396, %dma_wait3A_397] : memref<2x8x8x129xf32, #tpu.memory_space<vmem>> -> memref<1x8x8x128xf32, #tpu.memory_space<vmem>>
      %dma_wait3A_399 = tpu.memref_squeeze %dma_wait3A_398 : memref<1x8x8x128xf32, #tpu.memory_space<vmem>> -> memref<8x8x128xf32, #tpu.memory_space<vmem>>
      %dma_wait3A_400 = arith.constant 0 : i32
      %dma_wait3A_401 = arith.constant 0 : i32
      %dma_wait3A_402 = arith.constant 0 : i32
      %dma_wait3A_403 = tpu.memref_slice %arg9[%dma_wait3A_400, %add3A, %dma_wait3A_401, %dma_wait3A_402] : memref<8x32x8x128xf32, #tpu.memory_space<hbm>> -> memref<8x1x8x128xf32, #tpu.memory_space<hbm>>
      %dma_wait3A_404 = tpu.memref_squeeze %dma_wait3A_403 : memref<8x1x8x128xf32, #tpu.memory_space<hbm>> -> memref<8x8x128xf32, #tpu.memory_space<hbm>>
      %dma_wait3A_405 = arith.constant 0 : i32
      %dma_wait3A_406 = arith.constant 0 : i32
      %dma_wait3A_407 = arith.constant 0 : i32
      %dma_wait3A_408 = tpu.memref_slice %arg9[%dma_wait3A_405, %add3A, %dma_wait3A_406, %dma_wait3A_407] : memref<8x32x8x128xf32, #tpu.memory_space<hbm>> -> memref<8x1x8x128xf32, #tpu.memory_space<hbm>>
      %dma_wait3A_409 = tpu.memref_squeeze %dma_wait3A_408 : memref<8x1x8x128xf32, #tpu.memory_space<hbm>> -> memref<8x8x128xf32, #tpu.memory_space<hbm>>
      %dma_wait3A_410 = arith.constant 0 : i32
      %dma_wait3A_411 = arith.constant 0 : i32
      %dma_wait3A_412 = arith.constant 0 : i32
      %dma_wait3A_413 = tpu.memref_slice %arg12[%run_scoped3A_373, %dma_wait3A_410, %dma_wait3A_411, %dma_wait3A_412] : memref<2x8x8x129xf32, #tpu.memory_space<vmem>> -> memref<1x8x8x128xf32, #tpu.memory_space<vmem>>
      %dma_wait3A_414 = tpu.memref_squeeze %dma_wait3A_413 : memref<1x8x8x128xf32, #tpu.memory_space<vmem>> -> memref<8x8x128xf32, #tpu.memory_space<vmem>>
      tpu.wait_dma2 semaphore(%run_scoped3A_374 : memref<!tpu.dma_semaphore, #tpu.memory_space<semaphore_mem>>) src(%dma_wait3A_414 : memref<8x8x128xf32, #tpu.memory_space<vmem>>) dst(%dma_wait3A_409 : memref<8x8x128xf32, #tpu.memory_space<hbm>>)
      tpu.yield
    }) : () -> ()
    return
  }
}

</mosaic_0001>

<sc_bundles>
// kernel: kge_embed_gather.3.cloned.1.call-start
scs
__scs_entry_jumppad:
0x0: {  	(pc) =	sbr.rel $0x88, $3  }
0x1: {  	(tag) =	ssettag $0x0;
	lr =	simm.s32 $0x1  }
0x2: {  	[smem:$0x3F9D] =	sst lr;
	_ =	strace $0xD0000000  }
0x3: {  	_ = 	snop  }
0x4: {  	_ = 	snop  }
0x5: {  	_ = 	snop  }
0x6: {  	_ = 	snop  }
0x7: {  	_ = 	snop  }
__scs_overlays_trampoline_lowered:
0x8: {  	[smem:$0x3FAC] =	sst s0  }
0x9: {  	[smem:$0x3FAD] =	sst s1  }
0xa: {  	[smem:$0x3FAE] =	sst s2  }
0xb: {  	[smem:$0x3FAF] =	sst s3  }
0xc: {  	[smem:$0x3FB0] =	sst s4  }
0xd: {  	[smem:$0x3FB1] =	sst s5  }
0xe: {  	[smem:$0x3FB2] =	sst s6  }
0xf: {  	[smem:$0x3FB3] =	sst s7  }
0x10: {  	[smem:$0x3FB4] =	sst s8  }
0x11: {  	[smem:$0x3FB5] =	sst s9;
	s0 =	simm.s32 @!p0 $0x0  }
0x12: {  	s1 =	sld [smem:$0x3F9B];
	s0 =	simm.s32 @p0 $0x1  }
0x13: {  	[smem:$0x3FB6] =	sst s0;
	s0 =	simm.s32 @!p1 $0x0  }
0x14: {  	s2 =	sld [smem:$0x3F9A];
	s0 =	simm.s32 @p1 $0x1  }
0x15: {  	[smem:$0x3FB7] =	sst s0;
	s0 =	simm.s32 @!p2 $0x0  }
0x16: {  	s3 =	sld [smem:$0x3FDB];
	s0 =	simm.s32 @p2 $0x1  }
0x17: {  	s4 =	simm.s32 $0x1BF5;
	[smem:$0x3FB9] =	sst s0  }
0x18: {  	s0 =	sld [smem:$0x3F9C];
	_ =	swait.ge [sflag:s4], $0x0  }
0x19: {  	s7 =	sld [smem:$0x3F9D]  }
0x1a: {  	s8 =	sadd.s32 $0xFFFFE003, lr  }
0x1b: {  	s9 =	sadd.s32 $0xFFFFFEF7, lr;
	s5 =	simm.s32 $0xFFFFFFFF;
	p2 =	slt.u32 s8, $0xFFFFF086  }
0x1c: {  	p1 =	slt.u32 s9, $0xF7A;
	s5 =	simm.s32 @!p2 $0x0  }
0x1d: {  	s5 =	simm.s32 @p1 $0x1;
	p0 =	seq.s32 s7, s2  }
0x1e: {  	s7 =	smul.u32 @!p0 $0xF7A, s2;
	p2 =	seq.s32 @!p0 s5, $0x0  }
0x1f: {  	s9 =	smul.u32 $0xF7A, s1;
	s8 =	simm.s32 @!p0 $0x1BF5;
	p2 =	por !p2, p0  }
0x20: {  	[sflag:s8] =	ssyncset.s32 @!p0 $0xFFFFF086;
	s6 =	sadd.s32 @!p0 s3, s7;
	s7 =	simm.s32 @!p0 $0x108  }
0x21: {  	s3 =	sadd.s32 s3, s9;
	s6 =	sadd.s32 @!p0 $0x88, s6;
	s7 =	simm.s32 @p2 $0x1082  }
0x22: {  	[simem:s7], [sflag:s8] =	dma.local @!p0 [hbm:s6], $0xF7A  }
0x23: {  	s9 =	sor.u32 $0xD0000000, s2;
	s6 =	simm.s32 $0x108;
	_ =	swait.ge @!p0 [sflag:s8], $0x0  }
0x24: {  	s3 =	sadd.s32 $0x88, s3;
	s6 =	simm.s32 @!p1 $0x1082;
	[sflag:s4] =	ssyncset.s32 $0xFFFFF086  }
0x25: {  	[simem:s6], [sflag:s4] =	dma.local [hbm:s3], $0xF7A  }
0x26: {  	[smem:$0x3F9D] =	sst s1;
	(tag) =	ssettag s2;
	_ =	strace s9  }
0x27: {  	s1 =	sld [smem:$0x3FAD]  }
0x28: {  	s2 =	sld [smem:$0x3FAE]  }
0x29: {  	s4 =	sld [smem:$0x3FB0]  }
0x2a: {  	p0 =	seq.s32 s5, $0x0;
	s5 =	sld [smem:$0x3FB1]  }
0x2b: {  	s6 =	sld [smem:$0x3FB2]  }
0x2c: {  	s7 =	sld [smem:$0x3FB3]  }
0x2d: {  	s3 =	simm.s32 $0x108;
	s8 =	sld [smem:$0x3FB4]  }
0x2e: {  	s3 =	simm.s32 @!p0 $0x1082;
	s9 =	sld [smem:$0x3FB5]  }
0x2f: {  	lr =	sadd.s32 s0, s3;
	s0 =	sld [smem:$0x3FAC]  }
0x30: {  	s3 =	sld [smem:$0x3FAF]  }
0x31: {  	[smem:$0x3FB8] =	sst s10  }
0x32: {  	s10 =	sld [smem:$0x3FB6];
	_ =	sdelay $0x3  }
0x33: {  	p0 =	seq.s32 s10, $0x1;
	s10 =	sld [smem:$0x3FB8];
	_ =	sdelay $0x3  }
0x34: {  	[smem:$0x3FB8] =	sst s10  }
0x35: {  	s10 =	sld [smem:$0x3FB7];
	_ =	sdelay $0x3  }
0x36: {  	p1 =	seq.s32 s10, $0x1;
	s10 =	sld [smem:$0x3FB8];
	_ =	sdelay $0x3  }
0x37: {  	[smem:$0x3FB8] =	sst s10  }
0x38: {  	s10 =	sld [smem:$0x3FB9]  }
0x39: {  	_ = 	snop;
	(pc) =	sbr.ind lr, $3  }
0x3a: {  	_ = 	snop  }
0x3b: {  	_ = 	snop  }
0x3c: {  	p2 =	seq.s32 s10, $0x1;
	s10 =	sld [smem:$0x3FB8]  }
0x3d: {  	_ =	shalt  }
0x3e: {  	_ =	shalt  }
0x3f: {  	_ =	shalt  }
0x40: {  	_ =	shalt  }
0x41: {  	_ =	shalt  }
0x42: {  	_ =	shalt  }
0x43: {  	_ =	shalt  }
0x44: {  	_ =	shalt  }
0x45: {  	_ =	shalt  }
0x46: {  	_ =	shalt  }
0x47: {  	_ =	shalt  }
0x48: {  	_ =	shalt  }
0x49: {  	_ =	shalt  }
0x4a: {  	_ =	shalt  }
0x4b: {  	_ =	shalt  }
0x4c: {  	_ =	shalt  }
0x4d: {  	_ =	shalt  }
0x4e: {  	_ =	shalt  }
0x4f: {  	_ =	shalt  }
0x50: {  	_ =	shalt  }
0x51: {  	_ =	shalt  }
0x52: {  	_ =	shalt  }
0x53: {  	_ =	shalt  }
0x54: {  	_ =	shalt  }
0x55: {  	_ =	shalt  }
0x56: {  	_ =	shalt  }
0x57: {  	_ =	shalt  }
0x58: {  	_ =	shalt  }
0x59: {  	_ =	shalt  }
0x5a: {  	_ =	shalt  }
0x5b: {  	_ =	shalt  }
0x5c: {  	_ =	shalt  }
0x5d: {  	_ =	shalt  }
0x5e: {  	_ =	shalt  }
0x5f: {  	_ =	shalt  }
0x60: {  	_ =	shalt  }
0x61: {  	_ =	shalt  }
0x62: {  	_ =	shalt  }
0x63: {  	_ =	shalt  }
0x64: {  	_ =	shalt  }
0x65: {  	_ =	shalt  }
0x66: {  	_ =	shalt  }
0x67: {  	_ =	shalt  }
0x68: {  	_ =	shalt  }
0x69: {  	_ =	shalt  }
0x6a: {  	_ =	shalt  }
0x6b: {  	_ =	shalt  }
0x6c: {  	_ =	shalt  }
0x6d: {  	_ =	shalt  }
0x6e: {  	_ =	shalt  }
0x6f: {  	_ =	shalt  }
0x70: {  	_ =	shalt  }
0x71: {  	_ =	shalt  }
0x72: {  	_ =	shalt  }
0x73: {  	_ =	shalt  }
0x74: {  	_ =	shalt  }
0x75: {  	_ =	shalt  }
0x76: {  	_ =	shalt  }
0x77: {  	_ =	shalt  }
0x78: {  	_ =	shalt  }
0x79: {  	_ =	shalt  }
0x7a: {  	_ =	shalt  }
0x7b: {  	_ =	shalt  }
0x7c: {  	_ =	shalt  }
0x7d: {  	_ =	shalt  }
0x7e: {  	_ =	shalt  }
0x7f: {  	_ =	shalt  }
0x80: {  	_ =	shalt  }
0x81: {  	_ =	shalt  }
0x82: {  	_ =	shalt  }
0x83: {  	_ =	shalt  }
0x84: {  	_ =	shalt  }
0x85: {  	_ =	shalt  }
0x86: {  	_ =	shalt  }
0x87: {  	_ =	shalt  }
.Lfunc_end0:
.L_simem_size_0:
called_computation_lowered:
.L_overlay_start_0:
0x88: {  	s2 =	sld [smem:$0x3FD9]  }
0x89: {  	s3 =	sld [smem:$0x3FFE];
	_ =	sdelay $0x1  }
0x8a: {  	s1 =	srdreg.scid  }
0x8b: {  	s0 =	sand.u32 $0x1, s1  }
0x8c: {  	s14 =	sshll.u32 s0, $0xA;
	s2 =	sadd.s32 s3, s2  }
0x8d: {  	s2 =	sadd.s32 s2, s14  }
0x8e: {  	[smem:$0x3FC4] =	sst s2  }
0x8f: {  	_ = 	snop  }
0x90: {  	s2 =	sld [smem:$0x3FD0];
	_ =	sdelay $0x2  }
0x91: {  	s4 =	simm.s32 $0xA;
	s5 =	simm.s32 $0x10;
	s15 =	sld [smem:$0x3FC8]  }
0x92: {  	[smem:s5], [sflag:s4] =	dma.local [hbm:s2], $0x1  }
0x93: {  	_ =	swait.eq [sflag:s4], $0x1  }
0x94: {  	s16 =	sld [smem:$0x10]  }
0x95: {  	s17 =	sld [smem:$0x11];
	[sflag:s4] =	ssyncset.done $0x0  }
0x96: {  	s6 =	sld [smem:$0x12];
	[sflag:s4] =	ssyncadd.s32 $0xFFFFFFFF  }
0x97: {  	s18 =	sld [smem:$0x13];
	(tm) =	ssettm $0x1  }
0x98: {  	s7 =	sld [smem:$0x3FFB];
	_ =	sdelay $0x3  }
0x99: {  	_ =	strace s7  }
0x9a: {  	s7 =	sld [smem:$0x3FFC];
	_ =	sdelay $0x3  }
0x9b: {  	_ =	strace s7  }
0x9c: {  	s7 =	sld [smem:$0x3FFD];
	_ =	sdelay $0x3  }
0x9d: {  	_ =	strace s7  }
0x9e: {  	_ =	strace $0x8FFFFFFF  }
0x9f: {  	s19 =	sld [smem:$0x3FDB];
	_ =	sdelay $0x1  }
0xa0: {  	s8 =	simm.s32 $_scs_section_size  }
0xa1: {  	s9 =	simm.s32 $_size__tile_overlayer_lowered;
	s10 =	simm.s32 $_tile_overlayer_lowered  }
0xa2: {  	s22 =	simm.s32 $0x1BFF;
	s21 =	sshll.u32 s10, $0x1;
	s7 =	sadd.s32 s8, s19  }
0xa3: {  	s11 =	simm.s32 $0x0;
	s20 =	sshll.u32 s9, $0x1;
	s9 =	sadd.s32 s21, s7  }
0xa4: {  	[timem:s11], [sflag:s22] =	dma.local [hbm:s9], s20  }
0xa5: {  	_ =	swait.ge [sflag:s22], s20  }
0xa6: {  	s8 =	ssub.s32 $0x0, s20;
	[sflag:s22] =	ssyncset.done $0x0  }
0xa7: {  	[sflag:s22] =	ssyncadd.s32 s8;
	_ =	sdelay $0x1  }
0xa8: {  	s23 =	simm.s32 $0x1B8B  }
0xa9: {  	_ =	swait.ge [sflag:s23], $0x1  }
0xaa: {  	[sflag:s23] =	ssyncset.done $0x0  }
0xab: {  	s25 =	simm.s32 $0x1B8E;
	s24 =	sld [smem:$0x3FFE];
	[sflag:s23] =	ssyncadd.s32 $0xFFFFFFFF  }
0xac: {  	s26 =	simm.s32 $execute0_lowered;
	[smem:$0x3FD2] =	sst s25  }
0xad: {  	s9 =	sshll.u32 s26, $0x1;
	_ =	strace $0x80000046;
	[dreg:$0x1] =	wrdreg $0xFFFFFFFF  }
0xae: {  	s28 =	simm.s32 $_size_execute0_lowered;
	s7 =	sadd.s32 s7, s9;
	[dreg:$0x0] =	wrdreg $0x0  }
0xaf: {  	s9 =	sshll.u32 s28, $0x1;
	[dreg:$0x2] =	wrdreg s7  }
0xb0: {  	[dreg:$0x3] =	wrdreg s9  }
0xb1: {  	[dreg:$0x4] =	wrdreg $0xC0  }
0xb2: {  	_ =	task [dreg:s11], $0x5FFFF  }
0xb3: {  	[dreg:$0x1] =	wrdreg $0xFFFFFFFF  }
0xb4: {  	[dreg:$0x0] =	wrdreg $0x60  }
0xb5: {  	[dreg:$0x2] =	wrdreg s24  }
0xb6: {  	[dreg:$0x3] =	wrdreg s15  }
0xb7: {  	[dreg:$0x4] =	wrdreg s18  }
0xb8: {  	[dreg:$0x5] =	wrdreg s16  }
0xb9: {  	[dreg:$0x6] =	wrdreg s17  }
0xba: {  	[dreg:$0x7] =	wrdreg s6  }
0xbb: {  	[dreg:$0x8] =	wrdreg $0x9  }
0xbc: {  	_ =	task.clear_ibuf [dreg:s11], $0x9FFFF;
	_ =	strace $0x90000046  }
0xbd: {  	s29 =	simm.s32 $0x9;
	_ =	strace $0x80000048  }
0xbe: {  	_ =	swait.ge [sflag:s29], $0x1  }
0xbf: {  	[sflag:s29] =	ssyncadd.s32 $0xFFFFFFFF  }
0xc0: {  	_ =	strace $0x90000048  }
0xc1: {  	_ =	sfence  }
0xc2: {  	s30 =	sld [smem:$0x0];
	_ =	sdelay $0x2  }
0xc3: {  	s31 =	sshll.u32 s1, $0xD;
	s1 =	sshrl.u32 s1, $0x2  }
0xc4: {  	s3 =	sand.u32 $0x4000, s31;
	s1 =	sadd.s32 s1, s30  }
0xc5: {  	s0 =	sor.u32 s3, s0;
	s1 =	sshll.u32 s1, $0x11  }
0xc6: {  	s0 =	sor.u32 s1, s0  }
0xc7: {  	s0 =	sadd.s32 $0x8F2B, s0  }
0xc8: {  	[sflag:s0] =	ssyncadd.remote.s32 $0x1  }
0xc9: {  	_ =	sfence.sel $0xFFFF  }
0xca: {  	[dreg:$0x0] =	wrdreg $0xFFFFFFFF;
	(pc) =	sbr.abs _section_cstart, $3  }
0xcb: {  	[dreg:$0x1] =	wrdreg $0xFFFFFFFF  }
0xcc: {  	_ =	task.clear_ibuf [dreg:s11], $0x2FFFF;
	_ =	strace $0x9FFFFFFF  }
0xcd: {  	(tm) =	ssettm $0x7FFFFFFF  }
tec
execute0_lowered:
.L_overlay_start_1:
0x0: {  	(tag) =	ssettag $0x1  }
0x1: {  	s0 =	rddreg [dreg:$0x0]  }
0x2: {  	s2 =	rddreg [dreg:$0x1]  }
0x3: {  	s4 =	rddreg [dreg:$0x2]  }
0x4: {  	s6 =	rddreg [dreg:$0x3]  }
0x5: {  	s7 =	rddreg [dreg:$0x4]  }
0x6: {  	s8 =	rddreg [dreg:$0x5];
	s1 =	simm.s32 $0x0;
	s5 =	srdreg.scid  }
0x7: {  	s10 =	stileid.u32;
	[smem:$0x7FF] =	sst s1  }
0x8: {  	s3 =	sadd.s32 $0xF43000, s0;
	s9 =	sadd.s32 $0xC00, s0;
	s29 =	sshll.u32 s10, $0x5  }
0x9: {  	_ =	strace $0x80000047;
	[dreg:$0x7] =	wrdreg s9;
	s9 =	sand.u32 $0x180, s29  }
0xa: {  	s5 =	sand.u32 $0x1, s5;
	s10 =	sshll.u32 s10, $0x8;
	s0 =	sadd.s32 s9, s0  }
0xb: {  	s11 =	sshll.u32 s5, $0x7;
	s12 =	ssub.s32 $0x2, s5;
	s22 =	sadd.s32 $0x2C00, s0  }
0xc: {  	s10 =	sor.u32 s11, s10;
	s23 =	sadd.s32 $0x2E00, s0;
	[dreg:$0x13] =	wrdreg s22  }
0xd: {  	s5 =	sadd.s32 s2, s10;
	s0 =	sadd.s32 $0x3000, s0;
	[dreg:$0x14] =	wrdreg s23  }
0xe: {  	s30 =	sshrl.u32 s12, $0x1;
	s11 =	sadd.s32 $0x1000, s5;
	[dreg:$0x15] =	wrdreg s0  }
0xf: {  	s31 =	ssub.s32 s12, s30;
	s12 =	sadd.s32 $0x2000, s5;
	[dreg:$0x8] =	wrdreg s11  }
0x10: {  	s13 =	sadd.s32 $0x3000, s5;
	[dreg:$0x9] =	wrdreg s12  }
0x11: {  	s14 =	sadd.s32 $0x4000, s5;
	[dreg:$0xa] =	wrdreg s13  }
0x12: {  	s15 =	sadd.s32 $0x5000, s5;
	[dreg:$0xb] =	wrdreg s14  }
0x13: {  	s16 =	sadd.s32 $0x6000, s5;
	[dreg:$0xc] =	wrdreg s15  }
0x14: {  	s17 =	sadd.s32 $0x7000, s5;
	[dreg:$0xd] =	wrdreg s16  }
0x15: {  	s18 =	sadd.s32 $0x8000, s5;
	[dreg:$0xe] =	wrdreg s17  }
0x16: {  	s19 =	sadd.s32 $0x9000, s5;
	[dreg:$0xf] =	wrdreg s18  }
0x17: {  	s20 =	sadd.s32 $0xA000, s5;
	[dreg:$0x10] =	wrdreg s19  }
0x18: {  	s21 =	sadd.s32 $0xB000, s5;
	s22 =	sadd.s32 s8, s10;
	[dreg:$0x11] =	wrdreg s20  }
0x19: {  	s24 =	smax.u32 s31, $0x1;
	s25 =	sadd.s32 $0xC000, s5;
	[dreg:$0x12] =	wrdreg s21  }
0x1a: {  	s26 =	sadd.s32 $0xD000, s5;
	s28 =	sadd.s32 $0xE000, s5;
	[dreg:$0x16] =	wrdreg s24  }
0x1b: {  	s29 =	sadd.s32 $0xF000, s5;
	s30 =	sadd.s32 $0x10000, s5;
	[dreg:$0x17] =	wrdreg s25  }
0x1c: {  	s31 =	sadd.s32 $0x11000, s5;
	s2 =	sadd.s32 $0x12000, s5;
	[dreg:$0x18] =	wrdreg s26  }
0x1d: {  	s8 =	sadd.s32 $0x16000, s5;
	s9 =	sadd.s32 $0x17000, s5;
	[dreg:$0x19] =	wrdreg s28  }
0x1e: {  	s17 =	sadd.s32 s4, s10;
	s19 =	sand.u32 $0x380, s10;
	[dreg:$0x1a] =	wrdreg s29  }
0x1f: {  	s20 =	sadd.s32 s6, s10;
	s21 =	sadd.s32 s7, s10;
	[dreg:$0x1b] =	wrdreg s30  }
0x20: {  	v0 =	vlaneseq.u32;
	[dreg:$0x1c] =	wrdreg s31;
	s4 =	sadd.s32 $0x13000, s5;
	s6 =	sadd.s32 $0x14000, s5  }
0x21: {  	v0 =	vmul.u32 $0x88, v0;
	s7 =	sadd.s32 $0x15000, s5;
	s10 =	sadd.s32 $0x18000, s5;
	s11 =	simm.s32 $0x3  }
0x22: {  	s12 =	simm.s32 $0x80;
	s13 =	simm.s32 $0x1;
	s14 =	simm.s32 $0x2  }
0x23: {  	v1 =	vadd.s32 $0x880, v0;
	v2 =	vadd.s32 $0x1100, v0;
	v3 =	vadd.s32 $0x1980, v0;
	s15 =	simm.s32 $0xC400;
	s16 =	simm.s32 $0x6400;
	s18 =	simm.s32 $0x0  }
.LBB2_1:
0x24: {  	[tilespmem:s1], [sflag:$0x3] =	stream.linear.gather [hbm4b:s5+s1], $0x400, $0x38;
	[tilespmem:$0x10800] =	vst v63  }
0x25: {  	_ =	swait.ge [sflag:s11], $0x400  }
0x26: {  	[sflag:s11] =	ssyncset.done $0x0  }
0x27: {  	s23 =	simm.s32 $0x400;
	s0 =	rddreg [dreg:$0x8];
	[sflag:s11] =	ssyncadd.s32 $0xFFFFFC00  }
0x28: {  	[tilespmem:s23], [sflag:$0x3] =	stream.linear.gather [hbm4b:s0+s1], $0x400, $0x38;
	[tilespmem:$0x10800] =	vst v63  }
0x29: {  	_ =	swait.ge [sflag:s11], $0x400  }
0x2a: {  	[sflag:s11] =	ssyncset.done $0x0  }
0x2b: {  	s24 =	simm.s32 $0x800;
	s23 =	rddreg [dreg:$0x9];
	[sflag:s11] =	ssyncadd.s32 $0xFFFFFC00  }
0x2c: {  	[tilespmem:s24], [sflag:$0x3] =	stream.linear.gather [hbm4b:s23+s1], $0x400, $0x38;
	[tilespmem:$0x10800] =	vst v63  }
0x2d: {  	_ =	swait.ge [sflag:s11], $0x400  }
0x2e: {  	[sflag:s11] =	ssyncset.done $0x0  }
0x2f: {  	s26 =	simm.s32 $0xC00;
	s25 =	rddreg [dreg:$0xa];
	[sflag:s11] =	ssyncadd.s32 $0xFFFFFC00  }
0x30: {  	[tilespmem:s26], [sflag:$0x3] =	stream.linear.gather [hbm4b:s25+s1], $0x400, $0x38;
	[tilespmem:$0x10800] =	vst v63  }
0x31: {  	_ =	swait.ge [sflag:s11], $0x400  }
0x32: {  	[sflag:s11] =	ssyncset.done $0x0  }
0x33: {  	s29 =	simm.s32 $0x1000;
	s28 =	rddreg [dreg:$0xb];
	[sflag:s11] =	ssyncadd.s32 $0xFFFFFC00  }
0x34: {  	[tilespmem:s29], [sflag:$0x3] =	stream.linear.gather [hbm4b:s28+s1], $0x400, $0x38;
	[tilespmem:$0x10800] =	vst v63  }
0x35: {  	_ =	swait.ge [sflag:s11], $0x400  }
0x36: {  	[sflag:s11] =	ssyncset.done $0x0  }
0x37: {  	s31 =	simm.s32 $0x1400;
	s30 =	rddreg [dreg:$0xc];
	[sflag:s11] =	ssyncadd.s32 $0xFFFFFC00  }
0x38: {  	[tilespmem:s31], [sflag:$0x3] =	stream.linear.gather [hbm4b:s30+s1], $0x400, $0x38;
	[tilespmem:$0x10800] =	vst v63  }
0x39: {  	_ =	swait.ge [sflag:s11], $0x400  }
0x3a: {  	[sflag:s11] =	ssyncset.done $0x0  }
0x3b: {  	s24 =	simm.s32 $0x1800;
	s23 =	rddreg [dreg:$0xd];
	[sflag:s11] =	ssyncadd.s32 $0xFFFFFC00  }
0x3c: {  	[tilespmem:s24], [sflag:$0x3] =	stream.linear.gather [hbm4b:s23+s1], $0x400, $0x38;
	[tilespmem:$0x10800] =	vst v63  }
0x3d: {  	_ =	swait.ge [sflag:s11], $0x400  }
0x3e: {  	[sflag:s11] =	ssyncset.done $0x0  }
0x3f: {  	s26 =	simm.s32 $0x1C00;
	s25 =	rddreg [dreg:$0xe];
	[sflag:s11] =	ssyncadd.s32 $0xFFFFFC00  }
0x40: {  	[tilespmem:s26], [sflag:$0x3] =	stream.linear.gather [hbm4b:s25+s1], $0x400, $0x38;
	[tilespmem:$0x10800] =	vst v63  }
0x41: {  	_ =	swait.ge [sflag:s11], $0x400  }
0x42: {  	[sflag:s11] =	ssyncset.done $0x0  }
0x43: {  	s29 =	simm.s32 $0x2000;
	s28 =	rddreg [dreg:$0xf];
	[sflag:s11] =	ssyncadd.s32 $0xFFFFFC00  }
0x44: {  	[tilespmem:s29], [sflag:$0x3] =	stream.linear.gather [hbm4b:s28+s1], $0x400, $0x38;
	[tilespmem:$0x10800] =	vst v63  }
0x45: {  	_ =	swait.ge [sflag:s11], $0x400  }
0x46: {  	[sflag:s11] =	ssyncset.done $0x0  }
0x47: {  	s31 =	simm.s32 $0x2400;
	s30 =	rddreg [dreg:$0x10];
	[sflag:s11] =	ssyncadd.s32 $0xFFFFFC00  }
0x48: {  	[tilespmem:s31], [sflag:$0x3] =	stream.linear.gather [hbm4b:s30+s1], $0x400, $0x38;
	[tilespmem:$0x10800] =	vst v63  }
0x49: {  	_ =	swait.ge [sflag:s11], $0x400  }
0x4a: {  	[sflag:s11] =	ssyncset.done $0x0  }
0x4b: {  	s24 =	simm.s32 $0x2800;
	s23 =	rddreg [dreg:$0x11];
	[sflag:s11] =	ssyncadd.s32 $0xFFFFFC00  }
0x4c: {  	[tilespmem:s24], [sflag:$0x3] =	stream.linear.gather [hbm4b:s23+s1], $0x400, $0x38;
	[tilespmem:$0x10800] =	vst v63  }
0x4d: {  	_ =	swait.ge [sflag:s11], $0x400  }
0x4e: {  	[sflag:s11] =	ssyncset.done $0x0  }
0x4f: {  	s26 =	simm.s32 $0x2C00;
	s25 =	rddreg [dreg:$0x12];
	[sflag:s11] =	ssyncadd.s32 $0xFFFFFC00  }
0x50: {  	[tilespmem:s26], [sflag:$0x3] =	stream.linear.gather [hbm4b:s25+s1], $0x400, $0x38;
	[tilespmem:$0x10800] =	vst v63  }
0x51: {  	_ =	swait.ge [sflag:s11], $0x400  }
0x52: {  	[sflag:s11] =	ssyncset.done $0x0  }
0x53: {  	s29 =	simm.s32 $0x3000;
	s28 =	rddreg [dreg:$0x17];
	[sflag:s11] =	ssyncadd.s32 $0xFFFFFC00  }
0x54: {  	[tilespmem:s29], [sflag:$0x3] =	stream.linear.gather [hbm4b:s28+s1], $0x400, $0x38;
	[tilespmem:$0x10800] =	vst v63  }
0x55: {  	_ =	swait.ge [sflag:s11], $0x400  }
0x56: {  	[sflag:s11] =	ssyncset.done $0x0  }
0x57: {  	s31 =	simm.s32 $0x3400;
	s30 =	rddreg [dreg:$0x18];
	[sflag:s11] =	ssyncadd.s32 $0xFFFFFC00  }
0x58: {  	[tilespmem:s31], [sflag:$0x3] =	stream.linear.gather [hbm4b:s30+s1], $0x400, $0x38;
	[tilespmem:$0x10800] =	vst v63  }
0x59: {  	_ =	swait.ge [sflag:s11], $0x400  }
0x5a: {  	[sflag:s11] =	ssyncset.done $0x0  }
0x5b: {  	s24 =	simm.s32 $0x3800;
	s23 =	rddreg [dreg:$0x19];
	[sflag:s11] =	ssyncadd.s32 $0xFFFFFC00  }
0x5c: {  	[tilespmem:s24], [sflag:$0x3] =	stream.linear.gather [hbm4b:s23+s1], $0x400, $0x38;
	[tilespmem:$0x10800] =	vst v63  }
0x5d: {  	_ =	swait.ge [sflag:s11], $0x400  }
0x5e: {  	[sflag:s11] =	ssyncset.done $0x0  }
0x5f: {  	s26 =	simm.s32 $0x3C00;
	s25 =	rddreg [dreg:$0x1a];
	[sflag:s11] =	ssyncadd.s32 $0xFFFFFC00  }
0x60: {  	[tilespmem:s26], [sflag:$0x3] =	stream.linear.gather [hbm4b:s25+s1], $0x400, $0x38;
	[tilespmem:$0x10800] =	vst v63  }
0x61: {  	_ =	swait.ge [sflag:s11], $0x400  }
0x62: {  	[sflag:s11] =	ssyncset.done $0x0  }
0x63: {  	s29 =	simm.s32 $0x4000;
	s28 =	rddreg [dreg:$0x1b];
	[sflag:s11] =	ssyncadd.s32 $0xFFFFFC00  }
0x64: {  	[tilespmem:s29], [sflag:$0x3] =	stream.linear.gather [hbm4b:s28+s1], $0x400, $0x38;
	[tilespmem:$0x10800] =	vst v63  }
0x65: {  	_ =	swait.ge [sflag:s11], $0x400  }
0x66: {  	[sflag:s11] =	ssyncset.done $0x0  }
0x67: {  	s31 =	simm.s32 $0x4400;
	s30 =	rddreg [dreg:$0x1c];
	[sflag:s11] =	ssyncadd.s32 $0xFFFFFC00  }
0x68: {  	[tilespmem:s31], [sflag:$0x3] =	stream.linear.gather [hbm4b:s30+s1], $0x400, $0x38;
	[tilespmem:$0x10800] =	vst v63  }
0x69: {  	_ =	swait.ge [sflag:s11], $0x400  }
0x6a: {  	[sflag:s11] =	ssyncset.done $0x0  }
0x6b: {  	s23 =	simm.s32 $0x4800;
	[sflag:s11] =	ssyncadd.s32 $0xFFFFFC00  }
0x6c: {  	[tilespmem:s23], [sflag:$0x3] =	stream.linear.gather [hbm4b:s2+s1], $0x400, $0x38;
	[tilespmem:$0x10800] =	vst v63  }
0x6d: {  	_ =	swait.ge [sflag:s11], $0x400  }
0x6e: {  	[sflag:s11] =	ssyncset.done $0x0  }
0x6f: {  	s24 =	simm.s32 $0x4C00;
	[sflag:s11] =	ssyncadd.s32 $0xFFFFFC00  }
0x70: {  	[tilespmem:s24], [sflag:$0x3] =	stream.linear.gather [hbm4b:s4+s1], $0x400, $0x38;
	[tilespmem:$0x10800] =	vst v63  }
0x71: {  	_ =	swait.ge [sflag:s11], $0x400  }
0x72: {  	[sflag:s11] =	ssyncset.done $0x0  }
0x73: {  	s25 =	simm.s32 $0x5000;
	[sflag:s11] =	ssyncadd.s32 $0xFFFFFC00  }
0x74: {  	[tilespmem:s25], [sflag:$0x3] =	stream.linear.gather [hbm4b:s6+s1], $0x400, $0x38;
	[tilespmem:$0x10800] =	vst v63  }
0x75: {  	_ =	swait.ge [sflag:s11], $0x400  }
0x76: {  	[sflag:s11] =	ssyncset.done $0x0  }
0x77: {  	s26 =	simm.s32 $0x5400;
	[sflag:s11] =	ssyncadd.s32 $0xFFFFFC00  }
0x78: {  	[tilespmem:s26], [sflag:$0x3] =	stream.linear.gather [hbm4b:s7+s1], $0x400, $0x38;
	[tilespmem:$0x10800] =	vst v63  }
0x79: {  	_ =	swait.ge [sflag:s11], $0x400  }
0x7a: {  	[sflag:s11] =	ssyncset.done $0x0  }
0x7b: {  	s28 =	simm.s32 $0x5800;
	[sflag:s11] =	ssyncadd.s32 $0xFFFFFC00  }
0x7c: {  	[tilespmem:s28], [sflag:$0x3] =	stream.linear.gather [hbm4b:s8+s1], $0x400, $0x38;
	[tilespmem:$0x10800] =	vst v63  }
0x7d: {  	_ =	swait.ge [sflag:s11], $0x400  }
0x7e: {  	[sflag:s11] =	ssyncset.done $0x0  }
0x7f: {  	s29 =	simm.s32 $0x5C00;
	[sflag:s11] =	ssyncadd.s32 $0xFFFFFC00  }
0x80: {  	[tilespmem:s29], [sflag:$0x3] =	stream.linear.gather [hbm4b:s9+s1], $0x400, $0x38;
	[tilespmem:$0x10800] =	vst v63  }
0x81: {  	_ =	swait.ge [sflag:s11], $0x400  }
0x82: {  	[sflag:s11] =	ssyncset.done $0x0  }
0x83: {  	s30 =	simm.s32 $0x6000;
	[sflag:s11] =	ssyncadd.s32 $0xFFFFFC00  }
0x84: {  	[tilespmem:s30], [sflag:$0x3] =	stream.linear.gather [hbm4b:s10+s1], $0x400, $0x38;
	[tilespmem:$0x10800] =	vst v63  }
0x85: {  	_ =	swait.ge [sflag:s11], $0x400  }
0x86: {  	[sflag:s11] =	ssyncset.done $0x0  }
0x87: {  	p0 =	por $0x0, $0x0;
	[sflag:s11] =	ssyncadd.s32 $0xFFFFFC00  }
0x88: {  	[tilespmem:s16], [sflag:$0x1] =	stream.indirect.gather [hbm4b:s3+s12], $0x40, s1, s12, $0xb8;
	[tilespmem:$0x10800] =	vst v63  }
0x89: {  	s31 =	simm.s32 $0x8400;
	s23 =	simm.s32 $0x6400;
	s24 =	simm.s32 $0x0  }
0x8a: {  	[tilespmem:s31], [sflag:$0x1] =	stream.indirect.gather [hbm4b:s3+s12], $0x40, s12, s12, $0xb8;
	[tilespmem:$0x10800] =	vst v63  }
.LBB2_2:
0x8b: {  	p1 =	sgt.u32 s24, $0xC5  }
0x8c: {  	s25 =	sadd.s32 @!p1 $0x2, s24  }
0x8d: {  	s26 =	smul.u32 @!p1 $0xAB, s25;
	_ =	sdelay $0x1  }
0x8e: {  	s26 =	sshrl.u32 @!p1 s26, $0x9  }
0x8f: {  	s26 =	sand.u32 @!p1 $0x7F, s26  }
0x90: {  	s26 =	smul.u32 @!p1 $0x3, s26;
	_ =	sdelay $0x1  }
0x91: {  	_ =	swait.ge [sflag:s13], $0x2000;
	s26 =	ssub.s32 @!p1 s25, s26  }
0x92: {  	s30 =	smulhi.u32 $0xAAAAAAAB, s24;
	[sflag:s13] =	ssyncset.done $0x0;
	s26 =	sand.u32 @!p1 $0xFF, s26  }
0x93: {  	s28 =	simm.s32 @!p1 $0x80;
	s25 =	sshll.u32 @!p1 s25, $0x7;
	s26 =	sshll.u32 @!p1 s26, $0xD  }
0x94: {  	[sflag:s13] =	ssyncadd.s32 $0xFFFFE000;
	s25 =	sand.u32 @!p1 $0x3FFFFF80, s25;
	s26 =	sadd.s32 @!p1 $0x6400, s26  }
0x95: {  	[tilespmem:s26], [sflag:$0x1] =	stream.indirect.gather @!p1 [hbm4b:s3+s28], $0x40, s25, s28, $0xb8;
	[tilespmem:$0x10800] =	vst v63  }
0x96: {  	s25 =	sshrl.u32 s30, $0x1  }
0x97: {  	s25 =	smul.u32 $0xFFFE8000, s25;
	_ =	sdelay $0x1  }
0x98: {  	s25 =	sshra.s32 s25, $0x2  }
0x99: {  	s25 =	sadd.s32 s25, s23  }
0x9a: {  	p2 =	slt.u32 @!p1 s24, $0x2;
	v5 =	vmov s25  }
0x9b: {  	p1 =	por p1, !p2  }
0x9c: {  	_ =	swait.ge @p1 [sflag:s14], $0x2000  }
0x9d: {  	[sflag:s14] =	ssyncset.done @p1 $0x0  }
0x9e: {  	[sflag:s14] =	ssyncadd.s32 @p1 $0xFFFFE000;
	s25 =	simm.s32 $0x0  }
0x9f: {  	v11 =	vld.idx.msk [tilespmem:v5+s25+$0x70 ss:$0x1], $0xffff  }
0xa0: {  	v4 =	vld.idx.msk [tilespmem:v5+s25+$0xF0 ss:$0x1], $0xffff  }
0xa1: {  	s31 =	sand.u32 $0x1, s24;
	v13 =	vld.idx.msk [tilespmem:v5+s25+$0x80 ss:$0x1], $0xffff  }
0xa2: {  	v6 =	vmov s31;
	v9 =	vld.idx.msk [tilespmem:v5+s25+$0xD0 ss:$0x1], $0xffff  }
0xa3: {  	v6 =	vmul.u32 $0x2200, v6;
	v12 =	vld.idx.msk [tilespmem:v5+s25+$0xB0 ss:$0x1], $0xffff  }
0xa4: {  	s0 =	simm.s32 $0x0;
	s29 =	simm.s32 $0x1;
	v14 =	vld.idx.msk [tilespmem:v5+s25+$0x90 ss:$0x1], $0xffff  }
0xa5: {  	v15 =	vmov s0;
	v20 =	vmov s29;
	v8 =	vbroadcast v6, $0x0;
	v25 =	vld.idx.msk [tilespmem:v5+s25+$0x40 ss:$0x1], $0xffff  }
0xa6: {  	v16 =	vand.u32 $0x78, v15;
	v17 =	vand.u32 $0x4, v15;
	v22 =	vand.u32 $0x78, v20;
	v26 =	vld.idx.msk [tilespmem:v5+s25+$0x30 ss:$0x1], $0xffff  }
0xa7: {  	v30 =	vand.u32 $0x5, v20;
	v10 =	vadd.s32 v0, v8;
	v6 =	vadd.s32 v1, v8;
	v23 =	vld.idx.msk [tilespmem:v5+s25+$0x20 ss:$0x1], $0xffff  }
0xa8: {  	v7 =	vadd.s32 v2, v8;
	v8 =	vadd.s32 v3, v8;
	v15 =	vadd.s32 v10, v16;
	v24 =	vld.idx.msk [tilespmem:v5+s25+$0x10 ss:$0x1], $0xffff  }
0xa9: {  	v18 =	vadd.s32 v6, v16;
	v20 =	vadd.s32 v10, v22;
	v21 =	vor.u32 v17, v15;
	v27 =	vld.idx.msk [tilespmem:v5+s25+$0x0 ss:$0x1], $0xffff  }
0xaa: {  	v31 =	vadd.s32 v6, v22;
	v28 =	vor.u32 v17, v18;
	v15 =	vadd.s32 v7, v16;
	v18 =	vld.idx.msk [tilespmem:v5+s25+$0x60 ss:$0x1], $0xffff  }
0xab: {  	v16 =	vadd.s32 v8, v16;
	v33 =	vor.u32 v30, v20;
	v29 =	vor.u32 v17, v15;
	v19 =	vld.idx.msk [tilespmem:v5+s25+$0x50 ss:$0x1], $0xffff  }
0xac: {  	v20 =	vor.u32 v30, v31;
	v31 =	vadd.s32 v7, v22;
	v32 =	vor.u32 v17, v16;
	s30 =	simm.s32 $0x2;
	v15 =	vld.idx.msk [tilespmem:v5+s25+$0xA0 ss:$0x1], $0xffff  }
0xad: {  	v35 =	vadd.s32 v8, v22;
	v22 =	vor.u32 v30, v31;
	s28 =	simm.s32 $0x1;
	v34 =	vmov s30;
	v16 =	vld.idx.msk [tilespmem:v5+s25+$0xC0 ss:$0x1], $0xffff  }
0xae: {  	s28 =	simm.s32 @!p0 $0x0;
	v17 =	vld.idx.msk [tilespmem:v5+s25+$0xE0 ss:$0x1], $0xffff;
	[tilespmem:v21+s15+$0x0] =	vst.idx.msk $0xffff, v27;
	v21 =	vor.u32 v30, v35;
	v27 =	vand.u32 $0x78, v34  }
0xaf: {  	s31 =	smul.u32 $0x8800, s28;
	v30 =	vand.u32 $0x6, v34;
	[tilespmem:v28+s15+$0x0] =	vst.idx.msk $0xffff, v24;
	v24 =	vadd.s32 v10, v27;
	v28 =	vadd.s32 v6, v27  }
0xb0: {  	s26 =	simm.s32 $0x3;
	[tilespmem:v29+s15+$0x0] =	vst.idx.msk $0xffff, v23;
	v24 =	vor.u32 v30, v24;
	v23 =	vor.u32 v30, v28  }
0xb1: {  	s25 =	sshrl.u32 s31, $0x2;
	v28 =	vmov s26;
	[tilespmem:v32+s15+$0x0] =	vst.idx.msk $0xffff, v26;
	v26 =	vadd.s32 v7, v27;
	v27 =	vadd.s32 v8, v27  }
0xb2: {  	s28 =	simm.s32 $0x400;
	s25 =	sadd.s32 $0xC400, s25;
	[tilespmem:v33+s15+$0x0] =	vst.idx.msk $0xffff, v25;
	v26 =	vor.u32 v30, v26;
	v25 =	vor.u32 v30, v27;
	v27 =	vand.u32 $0x78, v28  }
.LBB2_3:
0xb3: {  	p1 =	sne.s32 s28, $0x7C00  }
0xb4: {  	[tilespmem:v20+s15+$0x0] =	vst.idx.msk $0xffff, v19;
	v19 =	vand.u32 $0x7, v28;
	v20 =	vadd.s32 v10, v27;
	s26 =	sadd.s32 $0x4, s26;
	s29 =	smov.u32 s28;
	s28 =	sadd.s32 $0x400, s28  }
0xb5: {  	[tilespmem:v22+s15+$0x0] =	vst.idx.msk $0xffff, v18;
	v18 =	vor.u32 v19, v20;
	v20 =	vadd.s32 v6, v27  }
0xb6: {  	[tilespmem:v21+s15+$0x0] =	vst.idx.msk $0xffff, v11;
	v11 =	vor.u32 v19, v20;
	v20 =	vadd.s32 v7, v27  }
0xb7: {  	[tilespmem:v24+s15+$0x0] =	vst.idx.msk $0xffff, v13;
	v13 =	vor.u32 v19, v20;
	v20 =	vadd.s32 v8, v27  }
0xb8: {  	[tilespmem:v23+s15+$0x0] =	vst.idx.msk $0xffff, v14;
	v14 =	vor.u32 v19, v20  }
0xb9: {  	[tilespmem:v26+s15+$0x0] =	vst.idx.msk $0xffff, v15  }
0xba: {  	[tilespmem:v25+s15+$0x0] =	vst.idx.msk $0xffff, v12  }
0xbb: {  	[tilespmem:v18+s15+$0x0] =	vst.idx.msk $0xffff, v16  }
0xbc: {  	s30 =	sadd.s32 $0xFFFFFFFD, s26;
	[tilespmem:v11+s15+$0x0] =	vst.idx.msk $0xffff, v9  }
0xbd: {  	v9 =	vmov s30;
	[tilespmem:v13+s15+$0x0] =	vst.idx.msk $0xffff, v17  }
0xbe: {  	s29 =	sshra.s32 s29, $0x2;
	v12 =	vand.u32 $0x78, v9;
	[tilespmem:v14+s15+$0x0] =	vst.idx.msk $0xffff, v4  }
0xbf: {  	v14 =	vand.u32 $0x4, v9;
	v9 =	vadd.s32 v10, v12;
	v13 =	vadd.s32 v6, v12;
	v11 =	vld.idx.msk [tilespmem:v5+s29+$0x70 ss:$0x1], $0xffff  }
0xc0: {  	v21 =	vor.u32 v14, v9;
	v23 =	vor.u32 v14, v13;
	v9 =	vadd.s32 v7, v12;
	v4 =	vld.idx.msk [tilespmem:v5+s29+$0xF0 ss:$0x1], $0xffff  }
0xc1: {  	v12 =	vadd.s32 v8, v12;
	v24 =	vor.u32 v14, v9;
	v13 =	vld.idx.msk [tilespmem:v5+s29+$0x80 ss:$0x1], $0xffff  }
0xc2: {  	v25 =	vor.u32 v14, v12;
	v9 =	vld.idx.msk [tilespmem:v5+s29+$0xD0 ss:$0x1], $0xffff  }
0xc3: {  	v12 =	vld.idx.msk [tilespmem:v5+s29+$0xB0 ss:$0x1], $0xffff  }
0xc4: {  	v14 =	vld.idx.msk [tilespmem:v5+s29+$0x90 ss:$0x1], $0xffff  }
0xc5: {  	v26 =	vld.idx.msk [tilespmem:v5+s29+$0x40 ss:$0x1], $0xffff  }
0xc6: {  	v27 =	vld.idx.msk [tilespmem:v5+s29+$0x30 ss:$0x1], $0xffff  }
0xc7: {  	v28 =	vld.idx.msk [tilespmem:v5+s29+$0x20 ss:$0x1], $0xffff  }
0xc8: {  	v29 =	vld.idx.msk [tilespmem:v5+s29+$0x10 ss:$0x1], $0xffff  }
0xc9: {  	s30 =	sadd.s32 $0xFFFFFFFE, s26;
	v30 =	vld.idx.msk [tilespmem:v5+s29+$0x0 ss:$0x1], $0xffff  }
0xca: {  	v16 =	vmov s30;
	v18 =	vld.idx.msk [tilespmem:v5+s29+$0x60 ss:$0x1], $0xffff  }
0xcb: {  	v31 =	vand.u32 $0x78, v16;
	v19 =	vld.idx.msk [tilespmem:v5+s29+$0x50 ss:$0x1], $0xffff  }
0xcc: {  	v32 =	vand.u32 $0x5, v16;
	v17 =	vadd.s32 v10, v31;
	v20 =	vadd.s32 v6, v31;
	v15 =	vld.idx.msk [tilespmem:v5+s29+$0xA0 ss:$0x1], $0xffff  }
0xcd: {  	s30 =	sadd.s32 $0xFFFFFFFF, s26;
	v22 =	vadd.s32 v7, v31;
	v33 =	vor.u32 v32, v17;
	v20 =	vor.u32 v32, v20;
	v16 =	vld.idx.msk [tilespmem:v5+s29+$0xC0 ss:$0x1], $0xffff  }
0xce: {  	v34 =	vmov s30;
	v31 =	vadd.s32 v8, v31;
	v22 =	vor.u32 v32, v22;
	v17 =	vld.idx.msk [tilespmem:v5+s29+$0xE0 ss:$0x1], $0xffff  }
.Ltmp0:
0xcf: {  	[tilespmem:v21+s15+$0x0] =	vst.idx.msk $0xffff, v30;
	v21 =	vor.u32 v32, v31;
	v30 =	vand.u32 $0x78, v34;
	(pc) =	sbr.rel @p1 .LBB2_3-.Ltmp0, $4  }
0xd0: {  	[tilespmem:v23+s15+$0x0] =	vst.idx.msk $0xffff, v29;
	v29 =	vand.u32 $0x6, v34;
	v23 =	vadd.s32 v10, v30;
	v31 =	vadd.s32 v6, v30  }
0xd1: {  	[tilespmem:v24+s15+$0x0] =	vst.idx.msk $0xffff, v28;
	v24 =	vor.u32 v29, v23;
	v23 =	vor.u32 v29, v31  }
0xd2: {  	v28 =	vmov s26;
	[tilespmem:v25+s15+$0x0] =	vst.idx.msk $0xffff, v27;
	v25 =	vadd.s32 v7, v30;
	v27 =	vadd.s32 v8, v30  }
0xd3: {  	[tilespmem:v33+s15+$0x0] =	vst.idx.msk $0xffff, v26;
	v26 =	vor.u32 v29, v25;
	v25 =	vor.u32 v29, v27;
	v27 =	vand.u32 $0x78, v28  }
0xd4: {  	_ =	sdelay $0x3  }
0xd5: {  	[tilespmem:v20+s15+$0x0] =	vst.idx.msk $0xffff, v19  }
0xd6: {  	v5 =	vand.u32 $0x7, v28;
	v10 =	vadd.s32 v10, v27;
	[tilespmem:v22+s15+$0x0] =	vst.idx.msk $0xffff, v18  }
0xd7: {  	v6 =	vadd.s32 v6, v27;
	v10 =	vor.u32 v5, v10;
	[tilespmem:v21+s15+$0x0] =	vst.idx.msk $0xffff, v11  }
0xd8: {  	v7 =	vadd.s32 v7, v27;
	v6 =	vor.u32 v5, v6;
	[tilespmem:v24+s15+$0x0] =	vst.idx.msk $0xffff, v13  }
0xd9: {  	v8 =	vadd.s32 v8, v27;
	v7 =	vor.u32 v5, v7;
	[tilespmem:v23+s15+$0x0] =	vst.idx.msk $0xffff, v14  }
0xda: {  	v5 =	vor.u32 v5, v8;
	[tilespmem:v26+s15+$0x0] =	vst.idx.msk $0xffff, v15  }
0xdb: {  	[tilespmem:v25+s15+$0x0] =	vst.idx.msk $0xffff, v12  }
0xdc: {  	[tilespmem:v10+s15+$0x0] =	vst.idx.msk $0xffff, v16  }
0xdd: {  	[tilespmem:v6+s15+$0x0] =	vst.idx.msk $0xffff, v9  }
0xde: {  	s26 =	sshll.u32 s24, $0xF;
	[tilespmem:v7+s15+$0x0] =	vst.idx.msk $0xffff, v17  }
0xdf: {  	s30 =	sadd.s32 $0x0, s25;
	s26 =	sadd.s32 s26, s17;
	[tilespmem:v5+s15+$0x0] =	vst.idx.msk $0xffff, v4  }
0xe0: {  	[hbm4b:s26+s1] =	stream.linear.scatter [tilespmem:s30], [sflag:$0x2], $0x80, $0x38;
	[tilespmem:$0x10800] =	vst v63  }
0xe1: {  	s28 =	sadd.s32 $0x88, s30;
	s29 =	sadd.s32 $0x10, s26  }
0xe2: {  	[hbm4b:s29+s1] =	stream.linear.scatter [tilespmem:s28], [sflag:$0x2], $0x80, $0x38;
	[tilespmem:$0x10800] =	vst v63  }
0xe3: {  	s28 =	sadd.s32 $0x110, s30;
	s29 =	sadd.s32 $0x20, s26  }
0xe4: {  	[hbm4b:s29+s1] =	stream.linear.scatter [tilespmem:s28], [sflag:$0x2], $0x80, $0x38;
	[tilespmem:$0x10800] =	vst v63  }
0xe5: {  	s28 =	sadd.s32 $0x198, s30;
	s29 =	sadd.s32 $0x30, s26  }
0xe6: {  	[hbm4b:s29+s1] =	stream.linear.scatter [tilespmem:s28], [sflag:$0x2], $0x80, $0x38;
	[tilespmem:$0x10800] =	vst v63  }
0xe7: {  	s28 =	sadd.s32 $0x220, s30;
	s29 =	sadd.s32 $0x40, s26  }
0xe8: {  	[hbm4b:s29+s1] =	stream.linear.scatter [tilespmem:s28], [sflag:$0x2], $0x80, $0x38;
	[tilespmem:$0x10800] =	vst v63  }
0xe9: {  	s31 =	sadd.s32 $0x70, s26;
	s28 =	sadd.s32 $0x2A8, s30;
	s29 =	sadd.s32 $0x50, s26  }
0xea: {  	[hbm4b:s29+s1] =	stream.linear.scatter [tilespmem:s28], [sflag:$0x2], $0x80, $0x38;
	[tilespmem:$0x10800] =	vst v63  }
0xeb: {  	s28 =	sadd.s32 $0x330, s30;
	s29 =	sadd.s32 $0x60, s26;
	s30 =	sadd.s32 $0x3B8, s30  }
0xec: {  	[hbm4b:s29+s1] =	stream.linear.scatter [tilespmem:s28], [sflag:$0x2], $0x80, $0x38;
	[tilespmem:$0x10800] =	vst v63  }
0xed: {  	s26 =	sadd.s32 $0x1000, s26;
	s28 =	simm.s32 $0x440;
	s29 =	simm.s32 $0x2200  }
.LBB2_5:
0xee: {  	[hbm4b:s31+s1] =	stream.linear.scatter [tilespmem:s30], [sflag:$0x2], $0x80, $0x38;
	[tilespmem:$0x10800] =	vst v63  }
0xef: {  	s30 =	smov.u32 s29  }
0xf0: {  	s0 =	sadd.s32 $0x1100, s29;
	s31 =	sadd.s32 s28, s25;
	s28 =	sshra.s32 s30, $0x2  }
0xf1: {  	[hbm4b:s26+s1] =	stream.linear.scatter [tilespmem:s31], [sflag:$0x2], $0x80, $0x38;
	[tilespmem:$0x10800] =	vst v63  }
0xf2: {  	p1 =	sne.s32 s29, $0x7700;
	s29 =	sadd.s32 $0x88, s31;
	s30 =	sadd.s32 $0x10, s26  }
0xf3: {  	[hbm4b:s30+s1] =	stream.linear.scatter [tilespmem:s29], [sflag:$0x2], $0x80, $0x38;
	[tilespmem:$0x10800] =	vst v63  }
0xf4: {  	s29 =	sadd.s32 $0x110, s31;
	s30 =	sadd.s32 $0x20, s26  }
0xf5: {  	[hbm4b:s30+s1] =	stream.linear.scatter [tilespmem:s29], [sflag:$0x2], $0x80, $0x38;
	[tilespmem:$0x10800] =	vst v63  }
0xf6: {  	s29 =	sadd.s32 $0x198, s31;
	s30 =	sadd.s32 $0x30, s26  }
0xf7: {  	[hbm4b:s30+s1] =	stream.linear.scatter [tilespmem:s29], [sflag:$0x2], $0x80, $0x38;
	[tilespmem:$0x10800] =	vst v63  }
0xf8: {  	s29 =	sadd.s32 $0x220, s31;
	s30 =	sadd.s32 $0x40, s26  }
0xf9: {  	[hbm4b:s30+s1] =	stream.linear.scatter [tilespmem:s29], [sflag:$0x2], $0x80, $0x38;
	[tilespmem:$0x10800] =	vst v63  }
0xfa: {  	s29 =	sadd.s32 $0x2A8, s31;
	s30 =	sadd.s32 $0x50, s26  }
0xfb: {  	[hbm4b:s30+s1] =	stream.linear.scatter [tilespmem:s29], [sflag:$0x2], $0x80, $0x38;
	[tilespmem:$0x10800] =	vst v63  }
.Ltmp1:
0xfc: {  	_ = 	snop;
	(pc) =	sbr.rel @p1 .LBB2_5-.Ltmp1, $4  }
0xfd: {  	s29 =	sadd.s32 $0x330, s31;
	s30 =	sadd.s32 $0x60, s26  }
0xfe: {  	[hbm4b:s30+s1] =	stream.linear.scatter [tilespmem:s29], [sflag:$0x2], $0x80, $0x38;
	[tilespmem:$0x10800] =	vst v63  }
0xff: {  	s30 =	sadd.s32 $0x3B8, s31  }
0x100: {  	s31 =	sadd.s32 $0x70, s26;
	s26 =	sadd.s32 $0x1000, s26;
	s29 =	smov.u32 s0  }
0x101: {  	[hbm4b:s31+s1] =	stream.linear.scatter [tilespmem:s30], [sflag:$0x2], $0x80, $0x38;
	[tilespmem:$0x10800] =	vst v63  }
0x102: {  	s0 =	sadd.s32 s28, s25  }
0x103: {  	[hbm4b:s26+s1] =	stream.linear.scatter [tilespmem:s0], [sflag:$0x2], $0x80, $0x38;
	[tilespmem:$0x10800] =	vst v63  }
0x104: {  	s29 =	sadd.s32 $0x10, s26;
	s25 =	sadd.s32 $0x88, s0  }
0x105: {  	[hbm4b:s29+s1] =	stream.linear.scatter [tilespmem:s25], [sflag:$0x2], $0x80, $0x38;
	[tilespmem:$0x10800] =	vst v63  }
0x106: {  	s31 =	sadd.s32 $0x20, s26;
	s30 =	sadd.s32 $0x110, s0  }
0x107: {  	[hbm4b:s31+s1] =	stream.linear.scatter [tilespmem:s30], [sflag:$0x2], $0x80, $0x38;
	[tilespmem:$0x10800] =	vst v63  }
0x108: {  	s29 =	sadd.s32 $0x198, s0;
	s30 =	sadd.s32 $0x30, s26  }
0x109: {  	[hbm4b:s30+s1] =	stream.linear.scatter [tilespmem:s29], [sflag:$0x2], $0x80, $0x38;
	[tilespmem:$0x10800] =	vst v63  }
0x10a: {  	s24 =	sadd.s32 $0x1, s24;
	s31 =	sadd.s32 $0x220, s0;
	s29 =	sadd.s32 $0x40, s26  }
0x10b: {  	[hbm4b:s29+s1] =	stream.linear.scatter [tilespmem:s31], [sflag:$0x2], $0x80, $0x38;
	[tilespmem:$0x10800] =	vst v63  }
0x10c: {  	p1 =	sne.s32 s24, $0xC8;
	s30 =	sadd.s32 $0x2A8, s0;
	s31 =	sadd.s32 $0x50, s26  }
0x10d: {  	[hbm4b:s31+s1] =	stream.linear.scatter [tilespmem:s30], [sflag:$0x2], $0x80, $0x38;
	[tilespmem:$0x10800] =	vst v63  }
.Ltmp2:
0x10e: {  	_ = 	snop;
	(pc) =	sbr.rel @p1 .LBB2_2-.Ltmp2, $4  }
0x10f: {  	s23 =	sadd.s32 $0x2000, s23;
	s29 =	sadd.s32 $0x330, s0;
	s30 =	sadd.s32 $0x60, s26  }
0x110: {  	[hbm4b:s30+s1] =	stream.linear.scatter [tilespmem:s29], [sflag:$0x2], $0x80, $0x38;
	[tilespmem:$0x10800] =	vst v63  }
0x111: {  	p0 =	por !p0, !p0;
	s0 =	sadd.s32 $0x3B8, s0;
	s31 =	sadd.s32 $0x70, s26  }
0x112: {  	[hbm4b:s31+s1] =	stream.linear.scatter [tilespmem:s0], [sflag:$0x2], $0x80, $0x38;
	[tilespmem:$0x10800] =	vst v63  }
0x113: {  	_ =	swait.ge [sflag:s14], $0x2000  }
0x114: {  	[sflag:s14] =	ssyncset.done $0x0  }
0x115: {  	[sflag:s14] =	ssyncadd.s32 $0xFFFFE000  }
0x116: {  	_ =	swait.ge [sflag:s14], $0x2000  }
0x117: {  	[sflag:s14] =	ssyncset.done $0x0  }
0x118: {  	s0 =	simm.s32 $0x0;
	s23 =	rddreg [dreg:$0x13];
	[sflag:s14] =	ssyncadd.s32 $0xFFFFE000  }
0x119: {  	[tilespmem:s0], [sflag:$0x3] =	stream.linear.gather [hbm4b:s23+s0], $0x400, $0x38;
	[tilespmem:$0x10800] =	vst v63  }
0x11a: {  	_ =	swait.ge [sflag:s11], $0x400  }
0x11b: {  	[sflag:s11] =	ssyncset.done $0x0  }
0x11c: {  	[sflag:s11] =	ssyncadd.s32 $0xFFFFFC00  }
0x11d: {  	[tilespmem:s16], [sflag:$0x1] =	stream.indirect.gather [hbm4b:s3+s12], $0x40, s19, s12, $0xb8;
	[tilespmem:$0x10800] =	vst v63  }
0x11e: {  	_ =	swait.ge [sflag:s13], $0x2000  }
0x11f: {  	[sflag:s13] =	ssyncset.done $0x0  }
0x120: {  	s23 =	simm.s32 $0x6480;
	[sflag:s13] =	ssyncadd.s32 $0xFFFFE000  }
0x121: {  	v4 =	vld [tilespmem:s23+$0x70]  }
0x122: {  	v6 =	vld [tilespmem:s23+$0x60]  }
0x123: {  	v5 =	vld [tilespmem:s23+$0x50]  }
0x124: {  	v7 =	vld [tilespmem:s23+$0x40]  }
0x125: {  	v8 =	vld [tilespmem:s23+$0x30]  }
0x126: {  	v9 =	vld [tilespmem:s23+$0x20]  }
0x127: {  	v10 =	vld [tilespmem:s23+$0x10]  }
0x128: {  	v11 =	vld [tilespmem:s23+$0x0]  }
0x129: {  	v13 =	vmov s0;
	v12 =	vld [tilespmem:s23+$0xFFFFFFF0]  }
0x12a: {  	v13 =	vand.u32 $0x7C, v13;
	v14 =	vld [tilespmem:s23+$0xFFFFFFE0]  }
0x12b: {  	v17 =	vadd.s32 v0, v13;
	v16 =	vld [tilespmem:s23+$0xFFFFFF80]  }
0x12c: {  	s29 =	simm.s32 $0x1;
	v19 =	vadd.s32 v1, v13;
	v18 =	vld [tilespmem:s23+$0xFFFFFF90]  }
0x12d: {  	v21 =	vmov s29;
	v22 =	vadd.s32 v2, v13;
	v20 =	vld [tilespmem:s23+$0xFFFFFFA0]  }
0x12e: {  	v21 =	vand.u32 $0x7D, v21;
	v13 =	vadd.s32 v3, v13;
	v23 =	vld [tilespmem:s23+$0xFFFFFFB0]  }
0x12f: {  	v25 =	vadd.s32 v0, v21;
	v24 =	vld [tilespmem:s23+$0xFFFFFFC0]  }
0x130: {  	s30 =	simm.s32 $0x2;
	v51 =	vadd.s32 v1, v21;
	v15 =	vld [tilespmem:s23+$0xFFFFFFD0];
	[tilespmem:v17+s15+$0x0] =	vst.idx.msk $0xffff, v16  }
0x131: {  	v52 =	vmov s30;
	v53 =	vadd.s32 v2, v21;
	[tilespmem:v19+s15+$0x0] =	vst.idx.msk $0xffff, v18  }
0x132: {  	v54 =	vadd.s32 v3, v21;
	v17 =	vand.u32 $0x7E, v52;
	[tilespmem:v22+s15+$0x0] =	vst.idx.msk $0xffff, v20  }
0x133: {  	v55 =	vadd.s32 v0, v17;
	[tilespmem:v13+s15+$0x0] =	vst.idx.msk $0xffff, v23  }
0x134: {  	s31 =	simm.s32 $0x3;
	v56 =	vadd.s32 v1, v17;
	[tilespmem:v25+s15+$0x0] =	vst.idx.msk $0xffff, v24  }
0x135: {  	v57 =	vmov s31;
	v58 =	vadd.s32 v2, v17;
	[tilespmem:v51+s15+$0x0] =	vst.idx.msk $0xffff, v15  }
0x136: {  	v60 =	vand.u32 $0x7F, v57;
	v59 =	vadd.s32 v3, v17;
	[tilespmem:v53+s15+$0x0] =	vst.idx.msk $0xffff, v14  }
0x137: {  	v61 =	vadd.s32 v0, v60;
	[tilespmem:v54+s15+$0x0] =	vst.idx.msk $0xffff, v12  }
0x138: {  	v62 =	vadd.s32 v1, v60;
	[tilespmem:v55+s15+$0x0] =	vst.idx.msk $0xffff, v11  }
0x139: {  	[tilespmem:v56+s15+$0x0] =	vst.idx.msk $0xffff, v10  }
0x13a: {  	[tilespmem:v58+s15+$0x0] =	vst.idx.msk $0xffff, v9  }
0x13b: {  	v63 =	vadd.s32 v2, v60;
	[tilespmem:v59+s15+$0x0] =	vst.idx.msk $0xffff, v8  }
0x13c: {  	[tilespmem:v61+s15+$0x0] =	vst.idx.msk $0xffff, v7  }
0x13d: {  	[tilespmem:v62+s15+$0x0] =	vst.idx.msk $0xffff, v5;
	v5 =	vadd.s32 v3, v60;
	_ =	sdelay $0x2  }
0x13e: {  	s24 =	simm.s32 $0x4;
	[tilespmem:v63+s15+$0x0] =	vst.idx.msk $0xffff, v6  }
.LBB2_8:
0x13f: {  	p0 =	sne.s32 s24, $0x7C  }
0x140: {  	[tilespmem:v5+s15+$0x0] =	vst.idx.msk $0xffff, v4;
	s23 =	sadd.s32 $0x100, s23;
	s0 =	smov.u32 s24;
	s24 =	sadd.s32 $0x4, s24  }
0x141: {  	v4 =	vld [tilespmem:s23+$0x70]  }
0x142: {  	v6 =	vld [tilespmem:s23+$0x60]  }
0x143: {  	v7 =	vld [tilespmem:s23+$0x50]  }
0x144: {  	v8 =	vld [tilespmem:s23+$0x40]  }
0x145: {  	v9 =	vld [tilespmem:s23+$0x30]  }
0x146: {  	v5 =	vld [tilespmem:s23+$0x20]  }
0x147: {  	v10 =	vld [tilespmem:s23+$0x10]  }
0x148: {  	v11 =	vld [tilespmem:s23+$0x0]  }
0x149: {  	v12 =	vld [tilespmem:s23+$0xFFFFFFF0]  }
0x14a: {  	v13 =	vmov s0;
	v14 =	vld [tilespmem:s23+$0xFFFFFFE0]  }
0x14b: {  	v13 =	vand.u32 $0x7C, v13;
	v15 =	vld [tilespmem:s23+$0xFFFFFFD0]  }
0x14c: {  	v17 =	vadd.s32 v0, v13;
	v16 =	vld [tilespmem:s23+$0xFFFFFF80]  }
0x14d: {  	s25 =	sadd.s32 $0x1, s0;
	v19 =	vadd.s32 v1, v13;
	v18 =	vld [tilespmem:s23+$0xFFFFFF90]  }
0x14e: {  	v21 =	vmov s25;
	v22 =	vadd.s32 v2, v13;
	v20 =	vld [tilespmem:s23+$0xFFFFFFA0]  }
0x14f: {  	v13 =	vadd.s32 v3, v13;
	v21 =	vand.u32 $0x7D, v21;
	v23 =	vld [tilespmem:s23+$0xFFFFFFB0]  }
0x150: {  	v25 =	vadd.s32 v0, v21;
	v24 =	vld [tilespmem:s23+$0xFFFFFFC0]  }
0x151: {  	s25 =	sadd.s32 $0x2, s0;
	[tilespmem:v17+s15+$0x0] =	vst.idx.msk $0xffff, v16;
	v16 =	vadd.s32 v1, v21  }
0x152: {  	v17 =	vmov s25;
	[tilespmem:v19+s15+$0x0] =	vst.idx.msk $0xffff, v18;
	v18 =	vadd.s32 v2, v21  }
0x153: {  	v19 =	vadd.s32 v3, v21;
	v17 =	vand.u32 $0x7E, v17;
	[tilespmem:v22+s15+$0x0] =	vst.idx.msk $0xffff, v20  }
0x154: {  	[tilespmem:v13+s15+$0x0] =	vst.idx.msk $0xffff, v23;
	v13 =	vadd.s32 v0, v17  }
0x155: {  	s0 =	sadd.s32 $0x3, s0;
	v20 =	vadd.s32 v1, v17;
	[tilespmem:v25+s15+$0x0] =	vst.idx.msk $0xffff, v24  }
0x156: {  	v21 =	vmov s0;
	[tilespmem:v16+s15+$0x0] =	vst.idx.msk $0xffff, v15;
	v15 =	vadd.s32 v2, v17  }
0x157: {  	v16 =	vand.u32 $0x7F, v21;
	[tilespmem:v18+s15+$0x0] =	vst.idx.msk $0xffff, v14;
	v14 =	vadd.s32 v3, v17  }
0x158: {  	[tilespmem:v19+s15+$0x0] =	vst.idx.msk $0xffff, v12;
	v12 =	vadd.s32 v0, v16  }
0x159: {  	[tilespmem:v13+s15+$0x0] =	vst.idx.msk $0xffff, v11;
	v11 =	vadd.s32 v1, v16  }
0x15a: {  	[tilespmem:v20+s15+$0x0] =	vst.idx.msk $0xffff, v10;
	v10 =	vadd.s32 v2, v16  }
.Ltmp3:
0x15b: {  	[tilespmem:v15+s15+$0x0] =	vst.idx.msk $0xffff, v5;
	v5 =	vadd.s32 v3, v16;
	(pc) =	sbr.rel @p0 .LBB2_8-.Ltmp3, $4  }
0x15c: {  	[tilespmem:v14+s15+$0x0] =	vst.idx.msk $0xffff, v9  }
0x15d: {  	[tilespmem:v12+s15+$0x0] =	vst.idx.msk $0xffff, v8  }
0x15e: {  	[tilespmem:v11+s15+$0x0] =	vst.idx.msk $0xffff, v7  }
0x15f: {  	[tilespmem:v10+s15+$0x0] =	vst.idx.msk $0xffff, v6  }
0x160: {  	_ =	sdelay $0x3  }
0x161: {  	[tilespmem:v5+s15+$0x0] =	vst.idx.msk $0xffff, v4;
	s0 =	simm.s32 $0xC400  }
0x162: {  	[hbm4b:s20+s1] =	stream.linear.scatter [tilespmem:s0], [sflag:$0x3], $0x80, $0x38;
	[tilespmem:$0x10800] =	vst v63  }
0x163: {  	s25 =	simm.s32 $0xC488;
	s23 =	sadd.s32 $0x10, s20  }
0x164: {  	[hbm4b:s23+s1] =	stream.linear.scatter [tilespmem:s25], [sflag:$0x3], $0x80, $0x38;
	[tilespmem:$0x10800] =	vst v63  }
0x165: {  	s26 =	simm.s32 $0xC510;
	s29 =	sadd.s32 $0x20, s20;
	s30 =	simm.s32 $0xC598  }
0x166: {  	[hbm4b:s29+s1] =	stream.linear.scatter [tilespmem:s26], [sflag:$0x3], $0x80, $0x38;
	[tilespmem:$0x10800] =	vst v63  }
0x167: {  	s31 =	sadd.s32 $0x30, s20;
	s24 =	simm.s32 $0xC620;
	s28 =	sadd.s32 $0x70, s20  }
0x168: {  	[hbm4b:s31+s1] =	stream.linear.scatter [tilespmem:s30], [sflag:$0x3], $0x80, $0x38;
	[tilespmem:$0x10800] =	vst v63  }
0x169: {  	s25 =	sadd.s32 $0x40, s20;
	s23 =	simm.s32 $0x440;
	s26 =	simm.s32 $0xC6A8  }
0x16a: {  	[hbm4b:s25+s1] =	stream.linear.scatter [tilespmem:s24], [sflag:$0x3], $0x80, $0x38;
	[tilespmem:$0x10800] =	vst v63  }
0x16b: {  	s29 =	sadd.s32 $0x50, s20;
	s30 =	simm.s32 $0xC730;
	s31 =	sadd.s32 $0x60, s20  }
0x16c: {  	[hbm4b:s29+s1] =	stream.linear.scatter [tilespmem:s26], [sflag:$0x3], $0x80, $0x38;
	[tilespmem:$0x10800] =	vst v63  }
0x16d: {  	s25 =	simm.s32 $0x2200;
	s24 =	sadd.s32 $0x1000, s20;
	s26 =	simm.s32 $0xC7B8  }
0x16e: {  	[hbm4b:s31+s1] =	stream.linear.scatter [tilespmem:s30], [sflag:$0x3], $0x80, $0x38;
	[tilespmem:$0x10800] =	vst v63  }
.LBB2_10:
0x16f: {  	[hbm4b:s28+s1] =	stream.linear.scatter [tilespmem:s26], [sflag:$0x3], $0x80, $0x38;
	[tilespmem:$0x10800] =	vst v63  }
0x170: {  	s0 =	smov.u32 s23;
	s23 =	smov.u32 s25  }
0x171: {  	s29 =	sadd.s32 $0x1100, s25;
	s23 =	sshra.s32 s23, $0x2;
	s26 =	sadd.s32 $0xC400, s0  }
0x172: {  	[hbm4b:s24+s1] =	stream.linear.scatter [tilespmem:s26], [sflag:$0x3], $0x80, $0x38;
	[tilespmem:$0x10800] =	vst v63  }
0x173: {  	p0 =	sne.s32 s25, $0x7700;
	s25 =	sadd.s32 $0xC488, s0;
	s26 =	sadd.s32 $0x10, s24  }
0x174: {  	[hbm4b:s26+s1] =	stream.linear.scatter [tilespmem:s25], [sflag:$0x3], $0x80, $0x38;
	[tilespmem:$0x10800] =	vst v63  }
0x175: {  	s25 =	sadd.s32 $0xC510, s0;
	s26 =	sadd.s32 $0x20, s24  }
0x176: {  	[hbm4b:s26+s1] =	stream.linear.scatter [tilespmem:s25], [sflag:$0x3], $0x80, $0x38;
	[tilespmem:$0x10800] =	vst v63  }
0x177: {  	s25 =	sadd.s32 $0xC598, s0;
	s26 =	sadd.s32 $0x30, s24  }
0x178: {  	[hbm4b:s26+s1] =	stream.linear.scatter [tilespmem:s25], [sflag:$0x3], $0x80, $0x38;
	[tilespmem:$0x10800] =	vst v63  }
0x179: {  	s25 =	sadd.s32 $0xC620, s0;
	s26 =	sadd.s32 $0x40, s24  }
0x17a: {  	[hbm4b:s26+s1] =	stream.linear.scatter [tilespmem:s25], [sflag:$0x3], $0x80, $0x38;
	[tilespmem:$0x10800] =	vst v63  }
.Ltmp4:
0x17b: {  	s25 =	sadd.s32 $0xC6A8, s0;
	s26 =	sadd.s32 $0x50, s24;
	(pc) =	sbr.rel @p0 .LBB2_10-.Ltmp4, $4  }
0x17c: {  	[hbm4b:s26+s1] =	stream.linear.scatter [tilespmem:s25], [sflag:$0x3], $0x80, $0x38;
	[tilespmem:$0x10800] =	vst v63  }
0x17d: {  	s28 =	sadd.s32 $0x70, s24;
	s25 =	sadd.s32 $0xC730, s0;
	s26 =	sadd.s32 $0x60, s24  }
0x17e: {  	[hbm4b:s26+s1] =	stream.linear.scatter [tilespmem:s25], [sflag:$0x3], $0x80, $0x38;
	[tilespmem:$0x10800] =	vst v63  }
0x17f: {  	s24 =	sadd.s32 $0x1000, s24;
	s26 =	sadd.s32 $0xC7B8, s0;
	s25 =	smov.u32 s29  }
0x180: {  	[hbm4b:s28+s1] =	stream.linear.scatter [tilespmem:s26], [sflag:$0x3], $0x80, $0x38;
	[tilespmem:$0x10800] =	vst v63  }
0x181: {  	s0 =	sadd.s32 $0xC400, s23  }
0x182: {  	[hbm4b:s24+s1] =	stream.linear.scatter [tilespmem:s0], [sflag:$0x3], $0x80, $0x38;
	[tilespmem:$0x10800] =	vst v63  }
0x183: {  	s26 =	sadd.s32 $0xC488, s23;
	s25 =	sadd.s32 $0x10, s24  }
0x184: {  	[hbm4b:s25+s1] =	stream.linear.scatter [tilespmem:s26], [sflag:$0x3], $0x80, $0x38;
	[tilespmem:$0x10800] =	vst v63  }
0x185: {  	s28 =	sadd.s32 $0xC510, s23;
	s29 =	sadd.s32 $0x20, s24  }
0x186: {  	[hbm4b:s29+s1] =	stream.linear.scatter [tilespmem:s28], [sflag:$0x3], $0x80, $0x38;
	[tilespmem:$0x10800] =	vst v63  }
0x187: {  	s30 =	sadd.s32 $0xC598, s23;
	s31 =	sadd.s32 $0x30, s24  }
0x188: {  	[hbm4b:s31+s1] =	stream.linear.scatter [tilespmem:s30], [sflag:$0x3], $0x80, $0x38;
	[tilespmem:$0x10800] =	vst v63  }
0x189: {  	s25 =	sadd.s32 $0xC620, s23;
	s26 =	sadd.s32 $0x40, s24  }
0x18a: {  	[hbm4b:s26+s1] =	stream.linear.scatter [tilespmem:s25], [sflag:$0x3], $0x80, $0x38;
	[tilespmem:$0x10800] =	vst v63  }
0x18b: {  	s28 =	sadd.s32 $0xC6A8, s23;
	s29 =	sadd.s32 $0x50, s24  }
0x18c: {  	[hbm4b:s29+s1] =	stream.linear.scatter [tilespmem:s28], [sflag:$0x3], $0x80, $0x38;
	[tilespmem:$0x10800] =	vst v63  }
0x18d: {  	s30 =	sadd.s32 $0xC730, s23;
	s31 =	sadd.s32 $0x60, s24  }
0x18e: {  	[hbm4b:s31+s1] =	stream.linear.scatter [tilespmem:s30], [sflag:$0x3], $0x80, $0x38;
	[tilespmem:$0x10800] =	vst v63  }
0x18f: {  	s23 =	sadd.s32 $0xC7B8, s23;
	s24 =	sadd.s32 $0x70, s24  }
0x190: {  	[hbm4b:s24+s1] =	stream.linear.scatter [tilespmem:s23], [sflag:$0x3], $0x80, $0x38;
	[tilespmem:$0x10800] =	vst v63  }
0x191: {  	_ =	swait.ge [sflag:s11], $0x2000  }
0x192: {  	[sflag:s11] =	ssyncset.done $0x0  }
0x193: {  	s25 =	simm.s32 $0x0;
	s26 =	rddreg [dreg:$0x14];
	[sflag:s11] =	ssyncadd.s32 $0xFFFFE000  }
0x194: {  	[tilespmem:s25], [sflag:$0x3] =	stream.linear.gather [hbm4b:s26+s25], $0x400, $0x38;
	[tilespmem:$0x10800] =	vst v63  }
0x195: {  	_ =	swait.ge [sflag:s11], $0x400  }
0x196: {  	[sflag:s11] =	ssyncset.done $0x0  }
0x197: {  	s28 =	rddreg [dreg:$0x7];
	[sflag:s11] =	ssyncadd.s32 $0xFFFFFC00  }
0x198: {  	[tilespmem:s16], [sflag:$0x1] =	stream.indirect.gather [hbm4b:s28+s12], $0x40, s19, s12, $0xb8;
	[tilespmem:$0x10800] =	vst v63  }
0x199: {  	_ =	swait.ge [sflag:s13], $0x2000  }
0x19a: {  	[sflag:s13] =	ssyncset.done $0x0  }
0x19b: {  	s23 =	simm.s32 $0x6480;
	[sflag:s13] =	ssyncadd.s32 $0xFFFFE000  }
0x19c: {  	v4 =	vld [tilespmem:s23+$0x70]  }
0x19d: {  	v6 =	vld [tilespmem:s23+$0x60]  }
0x19e: {  	v5 =	vld [tilespmem:s23+$0x50]  }
0x19f: {  	v7 =	vld [tilespmem:s23+$0x40]  }
0x1a0: {  	v8 =	vld [tilespmem:s23+$0x30]  }
0x1a1: {  	v9 =	vld [tilespmem:s23+$0x20]  }
0x1a2: {  	v10 =	vld [tilespmem:s23+$0x10]  }
0x1a3: {  	v11 =	vld [tilespmem:s23+$0x0]  }
0x1a4: {  	v13 =	vmov s25;
	v12 =	vld [tilespmem:s23+$0xFFFFFFF0]  }
0x1a5: {  	v13 =	vand.u32 $0x7C, v13;
	v14 =	vld [tilespmem:s23+$0xFFFFFFE0]  }
0x1a6: {  	v17 =	vadd.s32 v0, v13;
	v16 =	vld [tilespmem:s23+$0xFFFFFF80]  }
0x1a7: {  	s29 =	simm.s32 $0x1;
	v19 =	vadd.s32 v1, v13;
	v18 =	vld [tilespmem:s23+$0xFFFFFF90]  }
0x1a8: {  	v21 =	vmov s29;
	v22 =	vadd.s32 v2, v13;
	v20 =	vld [tilespmem:s23+$0xFFFFFFA0]  }
0x1a9: {  	v13 =	vadd.s32 v3, v13;
	v21 =	vand.u32 $0x7D, v21;
	v23 =	vld [tilespmem:s23+$0xFFFFFFB0]  }
0x1aa: {  	v25 =	vadd.s32 v0, v21;
	v24 =	vld [tilespmem:s23+$0xFFFFFFC0]  }
0x1ab: {  	s30 =	simm.s32 $0x2;
	v51 =	vadd.s32 v1, v21;
	v15 =	vld [tilespmem:s23+$0xFFFFFFD0];
	[tilespmem:v17+s15+$0x0] =	vst.idx.msk $0xffff, v16  }
0x1ac: {  	v52 =	vmov s30;
	v53 =	vadd.s32 v2, v21;
	[tilespmem:v19+s15+$0x0] =	vst.idx.msk $0xffff, v18  }
0x1ad: {  	v54 =	vadd.s32 v3, v21;
	v17 =	vand.u32 $0x7E, v52;
	[tilespmem:v22+s15+$0x0] =	vst.idx.msk $0xffff, v20  }
0x1ae: {  	v55 =	vadd.s32 v0, v17;
	[tilespmem:v13+s15+$0x0] =	vst.idx.msk $0xffff, v23  }
0x1af: {  	s31 =	simm.s32 $0x3;
	v56 =	vadd.s32 v1, v17;
	[tilespmem:v25+s15+$0x0] =	vst.idx.msk $0xffff, v24  }
0x1b0: {  	v57 =	vmov s31;
	v58 =	vadd.s32 v2, v17;
	[tilespmem:v51+s15+$0x0] =	vst.idx.msk $0xffff, v15  }
0x1b1: {  	v60 =	vand.u32 $0x7F, v57;
	v59 =	vadd.s32 v3, v17;
	[tilespmem:v53+s15+$0x0] =	vst.idx.msk $0xffff, v14  }
0x1b2: {  	v61 =	vadd.s32 v0, v60;
	[tilespmem:v54+s15+$0x0] =	vst.idx.msk $0xffff, v12  }
0x1b3: {  	v62 =	vadd.s32 v1, v60;
	[tilespmem:v55+s15+$0x0] =	vst.idx.msk $0xffff, v11  }
0x1b4: {  	[tilespmem:v56+s15+$0x0] =	vst.idx.msk $0xffff, v10  }
0x1b5: {  	[tilespmem:v58+s15+$0x0] =	vst.idx.msk $0xffff, v9  }
0x1b6: {  	v63 =	vadd.s32 v2, v60;
	[tilespmem:v59+s15+$0x0] =	vst.idx.msk $0xffff, v8  }
0x1b7: {  	[tilespmem:v61+s15+$0x0] =	vst.idx.msk $0xffff, v7  }
0x1b8: {  	[tilespmem:v62+s15+$0x0] =	vst.idx.msk $0xffff, v5;
	v5 =	vadd.s32 v3, v60;
	_ =	sdelay $0x2  }
0x1b9: {  	s24 =	simm.s32 $0x4;
	[tilespmem:v63+s15+$0x0] =	vst.idx.msk $0xffff, v6  }
.LBB2_12:
0x1ba: {  	p0 =	sne.s32 s24, $0x7C  }
0x1bb: {  	[tilespmem:v5+s15+$0x0] =	vst.idx.msk $0xffff, v4;
	s23 =	sadd.s32 $0x100, s23;
	s0 =	smov.u32 s24;
	s24 =	sadd.s32 $0x4, s24  }
0x1bc: {  	v4 =	vld [tilespmem:s23+$0x70]  }
0x1bd: {  	v6 =	vld [tilespmem:s23+$0x60]  }
0x1be: {  	v7 =	vld [tilespmem:s23+$0x50]  }
0x1bf: {  	v8 =	vld [tilespmem:s23+$0x40]  }
0x1c0: {  	v9 =	vld [tilespmem:s23+$0x30]  }
0x1c1: {  	v5 =	vld [tilespmem:s23+$0x20]  }
0x1c2: {  	v10 =	vld [tilespmem:s23+$0x10]  }
0x1c3: {  	v11 =	vld [tilespmem:s23+$0x0]  }
0x1c4: {  	v12 =	vld [tilespmem:s23+$0xFFFFFFF0]  }
0x1c5: {  	v13 =	vmov s0;
	v14 =	vld [tilespmem:s23+$0xFFFFFFE0]  }
0x1c6: {  	v13 =	vand.u32 $0x7C, v13;
	v15 =	vld [tilespmem:s23+$0xFFFFFFD0]  }
0x1c7: {  	v17 =	vadd.s32 v0, v13;
	v16 =	vld [tilespmem:s23+$0xFFFFFF80]  }
0x1c8: {  	s25 =	sadd.s32 $0x1, s0;
	v19 =	vadd.s32 v1, v13;
	v18 =	vld [tilespmem:s23+$0xFFFFFF90]  }
0x1c9: {  	v21 =	vmov s25;
	v22 =	vadd.s32 v2, v13;
	v20 =	vld [tilespmem:s23+$0xFFFFFFA0]  }
0x1ca: {  	v13 =	vadd.s32 v3, v13;
	v21 =	vand.u32 $0x7D, v21;
	v23 =	vld [tilespmem:s23+$0xFFFFFFB0]  }
0x1cb: {  	v25 =	vadd.s32 v0, v21;
	v24 =	vld [tilespmem:s23+$0xFFFFFFC0]  }
0x1cc: {  	s25 =	sadd.s32 $0x2, s0;
	[tilespmem:v17+s15+$0x0] =	vst.idx.msk $0xffff, v16;
	v16 =	vadd.s32 v1, v21  }
0x1cd: {  	v17 =	vmov s25;
	[tilespmem:v19+s15+$0x0] =	vst.idx.msk $0xffff, v18;
	v18 =	vadd.s32 v2, v21  }
0x1ce: {  	v19 =	vadd.s32 v3, v21;
	v17 =	vand.u32 $0x7E, v17;
	[tilespmem:v22+s15+$0x0] =	vst.idx.msk $0xffff, v20  }
0x1cf: {  	[tilespmem:v13+s15+$0x0] =	vst.idx.msk $0xffff, v23;
	v13 =	vadd.s32 v0, v17  }
0x1d0: {  	s0 =	sadd.s32 $0x3, s0;
	v20 =	vadd.s32 v1, v17;
	[tilespmem:v25+s15+$0x0] =	vst.idx.msk $0xffff, v24  }
0x1d1: {  	v21 =	vmov s0;
	[tilespmem:v16+s15+$0x0] =	vst.idx.msk $0xffff, v15;
	v15 =	vadd.s32 v2, v17  }
0x1d2: {  	v16 =	vand.u32 $0x7F, v21;
	[tilespmem:v18+s15+$0x0] =	vst.idx.msk $0xffff, v14;
	v14 =	vadd.s32 v3, v17  }
0x1d3: {  	[tilespmem:v19+s15+$0x0] =	vst.idx.msk $0xffff, v12;
	v12 =	vadd.s32 v0, v16  }
0x1d4: {  	[tilespmem:v13+s15+$0x0] =	vst.idx.msk $0xffff, v11;
	v11 =	vadd.s32 v1, v16  }
0x1d5: {  	[tilespmem:v20+s15+$0x0] =	vst.idx.msk $0xffff, v10;
	v10 =	vadd.s32 v2, v16  }
.Ltmp5:
0x1d6: {  	[tilespmem:v15+s15+$0x0] =	vst.idx.msk $0xffff, v5;
	v5 =	vadd.s32 v3, v16;
	(pc) =	sbr.rel @p0 .LBB2_12-.Ltmp5, $4  }
0x1d7: {  	[tilespmem:v14+s15+$0x0] =	vst.idx.msk $0xffff, v9  }
0x1d8: {  	[tilespmem:v12+s15+$0x0] =	vst.idx.msk $0xffff, v8  }
0x1d9: {  	[tilespmem:v11+s15+$0x0] =	vst.idx.msk $0xffff, v7  }
0x1da: {  	[tilespmem:v10+s15+$0x0] =	vst.idx.msk $0xffff, v6  }
0x1db: {  	_ =	sdelay $0x3  }
0x1dc: {  	[tilespmem:v5+s15+$0x0] =	vst.idx.msk $0xffff, v4;
	s0 =	simm.s32 $0xC400  }
0x1dd: {  	[hbm4b:s21+s1] =	stream.linear.scatter [tilespmem:s0], [sflag:$0x3], $0x80, $0x38;
	[tilespmem:$0x10800] =	vst v63  }
0x1de: {  	s25 =	simm.s32 $0xC488;
	s23 =	sadd.s32 $0x10, s21  }
0x1df: {  	[hbm4b:s23+s1] =	stream.linear.scatter [tilespmem:s25], [sflag:$0x3], $0x80, $0x38;
	[tilespmem:$0x10800] =	vst v63  }
0x1e0: {  	s26 =	simm.s32 $0xC510;
	s29 =	sadd.s32 $0x20, s21;
	s30 =	simm.s32 $0xC598  }
0x1e1: {  	[hbm4b:s29+s1] =	stream.linear.scatter [tilespmem:s26], [sflag:$0x3], $0x80, $0x38;
	[tilespmem:$0x10800] =	vst v63  }
0x1e2: {  	s31 =	sadd.s32 $0x30, s21;
	s24 =	simm.s32 $0xC620;
	s28 =	sadd.s32 $0x70, s21  }
0x1e3: {  	[hbm4b:s31+s1] =	stream.linear.scatter [tilespmem:s30], [sflag:$0x3], $0x80, $0x38;
	[tilespmem:$0x10800] =	vst v63  }
0x1e4: {  	s25 =	sadd.s32 $0x40, s21;
	s23 =	simm.s32 $0x440;
	s26 =	simm.s32 $0xC6A8  }
0x1e5: {  	[hbm4b:s25+s1] =	stream.linear.scatter [tilespmem:s24], [sflag:$0x3], $0x80, $0x38;
	[tilespmem:$0x10800] =	vst v63  }
0x1e6: {  	s29 =	sadd.s32 $0x50, s21;
	s30 =	simm.s32 $0xC730;
	s31 =	sadd.s32 $0x60, s21  }
0x1e7: {  	[hbm4b:s29+s1] =	stream.linear.scatter [tilespmem:s26], [sflag:$0x3], $0x80, $0x38;
	[tilespmem:$0x10800] =	vst v63  }
0x1e8: {  	s25 =	simm.s32 $0x2200;
	s24 =	sadd.s32 $0x1000, s21;
	s26 =	simm.s32 $0xC7B8  }
0x1e9: {  	[hbm4b:s31+s1] =	stream.linear.scatter [tilespmem:s30], [sflag:$0x3], $0x80, $0x38;
	[tilespmem:$0x10800] =	vst v63  }
.LBB2_14:
0x1ea: {  	[hbm4b:s28+s1] =	stream.linear.scatter [tilespmem:s26], [sflag:$0x3], $0x80, $0x38;
	[tilespmem:$0x10800] =	vst v63  }
0x1eb: {  	s0 =	smov.u32 s23;
	s23 =	smov.u32 s25  }
0x1ec: {  	s29 =	sadd.s32 $0x1100, s25;
	s23 =	sshra.s32 s23, $0x2;
	s26 =	sadd.s32 $0xC400, s0  }
0x1ed: {  	[hbm4b:s24+s1] =	stream.linear.scatter [tilespmem:s26], [sflag:$0x3], $0x80, $0x38;
	[tilespmem:$0x10800] =	vst v63  }
0x1ee: {  	p0 =	sne.s32 s25, $0x7700;
	s25 =	sadd.s32 $0xC488, s0;
	s26 =	sadd.s32 $0x10, s24  }
0x1ef: {  	[hbm4b:s26+s1] =	stream.linear.scatter [tilespmem:s25], [sflag:$0x3], $0x80, $0x38;
	[tilespmem:$0x10800] =	vst v63  }
0x1f0: {  	s25 =	sadd.s32 $0xC510, s0;
	s26 =	sadd.s32 $0x20, s24  }
0x1f1: {  	[hbm4b:s26+s1] =	stream.linear.scatter [tilespmem:s25], [sflag:$0x3], $0x80, $0x38;
	[tilespmem:$0x10800] =	vst v63  }
0x1f2: {  	s25 =	sadd.s32 $0xC598, s0;
	s26 =	sadd.s32 $0x30, s24  }
0x1f3: {  	[hbm4b:s26+s1] =	stream.linear.scatter [tilespmem:s25], [sflag:$0x3], $0x80, $0x38;
	[tilespmem:$0x10800] =	vst v63  }
0x1f4: {  	s25 =	sadd.s32 $0xC620, s0;
	s26 =	sadd.s32 $0x40, s24  }
0x1f5: {  	[hbm4b:s26+s1] =	stream.linear.scatter [tilespmem:s25], [sflag:$0x3], $0x80, $0x38;
	[tilespmem:$0x10800] =	vst v63  }
.Ltmp6:
0x1f6: {  	s25 =	sadd.s32 $0xC6A8, s0;
	s26 =	sadd.s32 $0x50, s24;
	(pc) =	sbr.rel @p0 .LBB2_14-.Ltmp6, $4  }
0x1f7: {  	[hbm4b:s26+s1] =	stream.linear.scatter [tilespmem:s25], [sflag:$0x3], $0x80, $0x38;
	[tilespmem:$0x10800] =	vst v63  }
0x1f8: {  	s28 =	sadd.s32 $0x70, s24;
	s25 =	sadd.s32 $0xC730, s0;
	s26 =	sadd.s32 $0x60, s24  }
0x1f9: {  	[hbm4b:s26+s1] =	stream.linear.scatter [tilespmem:s25], [sflag:$0x3], $0x80, $0x38;
	[tilespmem:$0x10800] =	vst v63  }
0x1fa: {  	s24 =	sadd.s32 $0x1000, s24;
	s26 =	sadd.s32 $0xC7B8, s0;
	s25 =	smov.u32 s29  }
0x1fb: {  	[hbm4b:s28+s1] =	stream.linear.scatter [tilespmem:s26], [sflag:$0x3], $0x80, $0x38;
	[tilespmem:$0x10800] =	vst v63  }
0x1fc: {  	s0 =	sadd.s32 $0xC400, s23  }
0x1fd: {  	[hbm4b:s24+s1] =	stream.linear.scatter [tilespmem:s0], [sflag:$0x3], $0x80, $0x38;
	[tilespmem:$0x10800] =	vst v63  }
0x1fe: {  	s26 =	sadd.s32 $0xC488, s23;
	s25 =	sadd.s32 $0x10, s24  }
0x1ff: {  	[hbm4b:s25+s1] =	stream.linear.scatter [tilespmem:s26], [sflag:$0x3], $0x80, $0x38;
	[tilespmem:$0x10800] =	vst v63  }
0x200: {  	s28 =	sadd.s32 $0xC510, s23;
	s29 =	sadd.s32 $0x20, s24  }
0x201: {  	[hbm4b:s29+s1] =	stream.linear.scatter [tilespmem:s28], [sflag:$0x3], $0x80, $0x38;
	[tilespmem:$0x10800] =	vst v63  }
0x202: {  	s30 =	sadd.s32 $0xC598, s23;
	s31 =	sadd.s32 $0x30, s24  }
0x203: {  	[hbm4b:s31+s1] =	stream.linear.scatter [tilespmem:s30], [sflag:$0x3], $0x80, $0x38;
	[tilespmem:$0x10800] =	vst v63  }
0x204: {  	s25 =	sadd.s32 $0xC620, s23;
	s26 =	sadd.s32 $0x40, s24  }
0x205: {  	[hbm4b:s26+s1] =	stream.linear.scatter [tilespmem:s25], [sflag:$0x3], $0x80, $0x38;
	[tilespmem:$0x10800] =	vst v63  }
0x206: {  	s28 =	sadd.s32 $0xC6A8, s23;
	s29 =	sadd.s32 $0x50, s24  }
0x207: {  	[hbm4b:s29+s1] =	stream.linear.scatter [tilespmem:s28], [sflag:$0x3], $0x80, $0x38;
	[tilespmem:$0x10800] =	vst v63  }
0x208: {  	s30 =	sadd.s32 $0xC730, s23;
	s31 =	sadd.s32 $0x60, s24  }
0x209: {  	[hbm4b:s31+s1] =	stream.linear.scatter [tilespmem:s30], [sflag:$0x3], $0x80, $0x38;
	[tilespmem:$0x10800] =	vst v63  }
0x20a: {  	s23 =	sadd.s32 $0xC7B8, s23;
	s25 =	sadd.s32 $0x70, s24  }
0x20b: {  	[hbm4b:s25+s1] =	stream.linear.scatter [tilespmem:s23], [sflag:$0x3], $0x80, $0x38;
	[tilespmem:$0x10800] =	vst v63  }
0x20c: {  	_ =	swait.ge [sflag:s11], $0x2000  }
0x20d: {  	[sflag:s11] =	ssyncset.done $0x0  }
0x20e: {  	s26 =	simm.s32 $0x0;
	s28 =	rddreg [dreg:$0x15];
	[sflag:s11] =	ssyncadd.s32 $0xFFFFE000  }
0x20f: {  	[tilespmem:s26], [sflag:$0x3] =	stream.linear.gather [hbm4b:s28+s26], $0x400, $0x38;
	[tilespmem:$0x10800] =	vst v63  }
0x210: {  	_ =	swait.ge [sflag:s11], $0x400  }
0x211: {  	[sflag:s11] =	ssyncset.done $0x0  }
0x212: {  	[sflag:s11] =	ssyncadd.s32 $0xFFFFFC00  }
0x213: {  	[tilespmem:s16], [sflag:$0x1] =	stream.indirect.gather [hbm4b:s3+s12], $0x40, s19, s12, $0xb8;
	[tilespmem:$0x10800] =	vst v63  }
0x214: {  	_ =	swait.ge [sflag:s13], $0x2000  }
0x215: {  	[sflag:s13] =	ssyncset.done $0x0  }
0x216: {  	s23 =	simm.s32 $0x6480;
	[sflag:s13] =	ssyncadd.s32 $0xFFFFE000  }
0x217: {  	v4 =	vld [tilespmem:s23+$0x70]  }
0x218: {  	v6 =	vld [tilespmem:s23+$0x60]  }
0x219: {  	v5 =	vld [tilespmem:s23+$0x50]  }
0x21a: {  	v7 =	vld [tilespmem:s23+$0x40]  }
0x21b: {  	v8 =	vld [tilespmem:s23+$0x30]  }
0x21c: {  	v9 =	vld [tilespmem:s23+$0x20]  }
0x21d: {  	v10 =	vld [tilespmem:s23+$0x10]  }
0x21e: {  	v11 =	vld [tilespmem:s23+$0x0]  }
0x21f: {  	v13 =	vmov s26;
	v12 =	vld [tilespmem:s23+$0xFFFFFFF0]  }
0x220: {  	v13 =	vand.u32 $0x7C, v13;
	v14 =	vld [tilespmem:s23+$0xFFFFFFE0]  }
0x221: {  	v17 =	vadd.s32 v0, v13;
	v16 =	vld [tilespmem:s23+$0xFFFFFF80]  }
0x222: {  	s29 =	simm.s32 $0x1;
	v19 =	vadd.s32 v1, v13;
	v18 =	vld [tilespmem:s23+$0xFFFFFF90]  }
0x223: {  	v21 =	vmov s29;
	v22 =	vadd.s32 v2, v13;
	v20 =	vld [tilespmem:s23+$0xFFFFFFA0]  }
0x224: {  	v13 =	vadd.s32 v3, v13;
	v21 =	vand.u32 $0x7D, v21;
	v23 =	vld [tilespmem:s23+$0xFFFFFFB0]  }
0x225: {  	v25 =	vadd.s32 v0, v21;
	v24 =	vld [tilespmem:s23+$0xFFFFFFC0]  }
0x226: {  	s30 =	simm.s32 $0x2;
	v51 =	vadd.s32 v1, v21;
	v15 =	vld [tilespmem:s23+$0xFFFFFFD0];
	[tilespmem:v17+s15+$0x0] =	vst.idx.msk $0xffff, v16  }
0x227: {  	v52 =	vmov s30;
	v53 =	vadd.s32 v2, v21;
	[tilespmem:v19+s15+$0x0] =	vst.idx.msk $0xffff, v18  }
0x228: {  	v54 =	vadd.s32 v3, v21;
	v17 =	vand.u32 $0x7E, v52;
	[tilespmem:v22+s15+$0x0] =	vst.idx.msk $0xffff, v20  }
0x229: {  	v55 =	vadd.s32 v0, v17;
	[tilespmem:v13+s15+$0x0] =	vst.idx.msk $0xffff, v23  }
0x22a: {  	s31 =	simm.s32 $0x3;
	v56 =	vadd.s32 v1, v17;
	[tilespmem:v25+s15+$0x0] =	vst.idx.msk $0xffff, v24  }
0x22b: {  	v57 =	vmov s31;
	v58 =	vadd.s32 v2, v17;
	[tilespmem:v51+s15+$0x0] =	vst.idx.msk $0xffff, v15  }
0x22c: {  	v60 =	vand.u32 $0x7F, v57;
	v59 =	vadd.s32 v3, v17;
	[tilespmem:v53+s15+$0x0] =	vst.idx.msk $0xffff, v14  }
0x22d: {  	v61 =	vadd.s32 v0, v60;
	[tilespmem:v54+s15+$0x0] =	vst.idx.msk $0xffff, v12  }
0x22e: {  	v62 =	vadd.s32 v1, v60;
	[tilespmem:v55+s15+$0x0] =	vst.idx.msk $0xffff, v11  }
0x22f: {  	[tilespmem:v56+s15+$0x0] =	vst.idx.msk $0xffff, v10  }
0x230: {  	[tilespmem:v58+s15+$0x0] =	vst.idx.msk $0xffff, v9  }
0x231: {  	v63 =	vadd.s32 v2, v60;
	[tilespmem:v59+s15+$0x0] =	vst.idx.msk $0xffff, v8  }
0x232: {  	[tilespmem:v61+s15+$0x0] =	vst.idx.msk $0xffff, v7  }
0x233: {  	[tilespmem:v62+s15+$0x0] =	vst.idx.msk $0xffff, v5;
	v5 =	vadd.s32 v3, v60;
	_ =	sdelay $0x2  }
0x234: {  	s24 =	simm.s32 $0x4;
	[tilespmem:v63+s15+$0x0] =	vst.idx.msk $0xffff, v6  }
.LBB2_16:
0x235: {  	p0 =	sne.s32 s24, $0x7C  }
0x236: {  	[tilespmem:v5+s15+$0x0] =	vst.idx.msk $0xffff, v4;
	s23 =	sadd.s32 $0x100, s23;
	s0 =	smov.u32 s24;
	s24 =	sadd.s32 $0x4, s24  }
0x237: {  	v4 =	vld [tilespmem:s23+$0x70]  }
0x238: {  	v6 =	vld [tilespmem:s23+$0x60]  }
0x239: {  	v7 =	vld [tilespmem:s23+$0x50]  }
0x23a: {  	v8 =	vld [tilespmem:s23+$0x40]  }
0x23b: {  	v9 =	vld [tilespmem:s23+$0x30]  }
0x23c: {  	v5 =	vld [tilespmem:s23+$0x20]  }
0x23d: {  	v10 =	vld [tilespmem:s23+$0x10]  }
0x23e: {  	v11 =	vld [tilespmem:s23+$0x0]  }
0x23f: {  	v12 =	vld [tilespmem:s23+$0xFFFFFFF0]  }
0x240: {  	v13 =	vmov s0;
	v14 =	vld [tilespmem:s23+$0xFFFFFFE0]  }
0x241: {  	v13 =	vand.u32 $0x7C, v13;
	v15 =	vld [tilespmem:s23+$0xFFFFFFD0]  }
0x242: {  	v17 =	vadd.s32 v0, v13;
	v16 =	vld [tilespmem:s23+$0xFFFFFF80]  }
0x243: {  	s25 =	sadd.s32 $0x1, s0;
	v19 =	vadd.s32 v1, v13;
	v18 =	vld [tilespmem:s23+$0xFFFFFF90]  }
0x244: {  	v21 =	vmov s25;
	v22 =	vadd.s32 v2, v13;
	v20 =	vld [tilespmem:s23+$0xFFFFFFA0]  }
0x245: {  	v13 =	vadd.s32 v3, v13;
	v21 =	vand.u32 $0x7D, v21;
	v23 =	vld [tilespmem:s23+$0xFFFFFFB0]  }
0x246: {  	v25 =	vadd.s32 v0, v21;
	v24 =	vld [tilespmem:s23+$0xFFFFFFC0]  }
0x247: {  	s25 =	sadd.s32 $0x2, s0;
	[tilespmem:v17+s15+$0x0] =	vst.idx.msk $0xffff, v16;
	v16 =	vadd.s32 v1, v21  }
0x248: {  	v17 =	vmov s25;
	[tilespmem:v19+s15+$0x0] =	vst.idx.msk $0xffff, v18;
	v18 =	vadd.s32 v2, v21  }
0x249: {  	v19 =	vadd.s32 v3, v21;
	v17 =	vand.u32 $0x7E, v17;
	[tilespmem:v22+s15+$0x0] =	vst.idx.msk $0xffff, v20  }
0x24a: {  	[tilespmem:v13+s15+$0x0] =	vst.idx.msk $0xffff, v23;
	v13 =	vadd.s32 v0, v17  }
0x24b: {  	s0 =	sadd.s32 $0x3, s0;
	v20 =	vadd.s32 v1, v17;
	[tilespmem:v25+s15+$0x0] =	vst.idx.msk $0xffff, v24  }
0x24c: {  	v21 =	vmov s0;
	[tilespmem:v16+s15+$0x0] =	vst.idx.msk $0xffff, v15;
	v15 =	vadd.s32 v2, v17  }
0x24d: {  	v16 =	vand.u32 $0x7F, v21;
	[tilespmem:v18+s15+$0x0] =	vst.idx.msk $0xffff, v14;
	v14 =	vadd.s32 v3, v17  }
0x24e: {  	[tilespmem:v19+s15+$0x0] =	vst.idx.msk $0xffff, v12;
	v12 =	vadd.s32 v0, v16  }
0x24f: {  	[tilespmem:v13+s15+$0x0] =	vst.idx.msk $0xffff, v11;
	v11 =	vadd.s32 v1, v16  }
0x250: {  	[tilespmem:v20+s15+$0x0] =	vst.idx.msk $0xffff, v10;
	v10 =	vadd.s32 v2, v16  }
.Ltmp7:
0x251: {  	[tilespmem:v15+s15+$0x0] =	vst.idx.msk $0xffff, v5;
	v5 =	vadd.s32 v3, v16;
	(pc) =	sbr.rel @p0 .LBB2_16-.Ltmp7, $4  }
0x252: {  	[tilespmem:v14+s15+$0x0] =	vst.idx.msk $0xffff, v9  }
0x253: {  	[tilespmem:v12+s15+$0x0] =	vst.idx.msk $0xffff, v8  }
0x254: {  	[tilespmem:v11+s15+$0x0] =	vst.idx.msk $0xffff, v7  }
0x255: {  	[tilespmem:v10+s15+$0x0] =	vst.idx.msk $0xffff, v6  }
0x256: {  	_ =	sdelay $0x3  }
0x257: {  	[tilespmem:v5+s15+$0x0] =	vst.idx.msk $0xffff, v4;
	s0 =	simm.s32 $0xC400  }
0x258: {  	[hbm4b:s22+s1] =	stream.linear.scatter [tilespmem:s0], [sflag:$0x3], $0x80, $0x38;
	[tilespmem:$0x10800] =	vst v63  }
0x259: {  	s25 =	simm.s32 $0xC488;
	s23 =	sadd.s32 $0x10, s22  }
0x25a: {  	[hbm4b:s23+s1] =	stream.linear.scatter [tilespmem:s25], [sflag:$0x3], $0x80, $0x38;
	[tilespmem:$0x10800] =	vst v63  }
0x25b: {  	s26 =	simm.s32 $0xC510;
	s29 =	sadd.s32 $0x20, s22;
	s30 =	simm.s32 $0xC598  }
0x25c: {  	[hbm4b:s29+s1] =	stream.linear.scatter [tilespmem:s26], [sflag:$0x3], $0x80, $0x38;
	[tilespmem:$0x10800] =	vst v63  }
0x25d: {  	s31 =	sadd.s32 $0x30, s22;
	s24 =	simm.s32 $0xC620;
	s28 =	sadd.s32 $0x70, s22  }
0x25e: {  	[hbm4b:s31+s1] =	stream.linear.scatter [tilespmem:s30], [sflag:$0x3], $0x80, $0x38;
	[tilespmem:$0x10800] =	vst v63  }
0x25f: {  	s25 =	sadd.s32 $0x40, s22;
	s23 =	simm.s32 $0x440;
	s26 =	simm.s32 $0xC6A8  }
0x260: {  	[hbm4b:s25+s1] =	stream.linear.scatter [tilespmem:s24], [sflag:$0x3], $0x80, $0x38;
	[tilespmem:$0x10800] =	vst v63  }
0x261: {  	s29 =	sadd.s32 $0x50, s22;
	s30 =	simm.s32 $0xC730;
	s31 =	sadd.s32 $0x60, s22  }
0x262: {  	[hbm4b:s29+s1] =	stream.linear.scatter [tilespmem:s26], [sflag:$0x3], $0x80, $0x38;
	[tilespmem:$0x10800] =	vst v63  }
0x263: {  	s25 =	simm.s32 $0x2200;
	s24 =	sadd.s32 $0x1000, s22;
	s26 =	simm.s32 $0xC7B8  }
0x264: {  	[hbm4b:s31+s1] =	stream.linear.scatter [tilespmem:s30], [sflag:$0x3], $0x80, $0x38;
	[tilespmem:$0x10800] =	vst v63  }
.LBB2_18:
0x265: {  	[hbm4b:s28+s1] =	stream.linear.scatter [tilespmem:s26], [sflag:$0x3], $0x80, $0x38;
	[tilespmem:$0x10800] =	vst v63  }
0x266: {  	s0 =	smov.u32 s23;
	s23 =	smov.u32 s25  }
0x267: {  	s29 =	sadd.s32 $0x1100, s25;
	s23 =	sshra.s32 s23, $0x2;
	s26 =	sadd.s32 $0xC400, s0  }
0x268: {  	[hbm4b:s24+s1] =	stream.linear.scatter [tilespmem:s26], [sflag:$0x3], $0x80, $0x38;
	[tilespmem:$0x10800] =	vst v63  }
0x269: {  	p0 =	sne.s32 s25, $0x7700;
	s25 =	sadd.s32 $0xC488, s0;
	s26 =	sadd.s32 $0x10, s24  }
0x26a: {  	[hbm4b:s26+s1] =	stream.linear.scatter [tilespmem:s25], [sflag:$0x3], $0x80, $0x38;
	[tilespmem:$0x10800] =	vst v63  }
0x26b: {  	s25 =	sadd.s32 $0xC510, s0;
	s26 =	sadd.s32 $0x20, s24  }
0x26c: {  	[hbm4b:s26+s1] =	stream.linear.scatter [tilespmem:s25], [sflag:$0x3], $0x80, $0x38;
	[tilespmem:$0x10800] =	vst v63  }
0x26d: {  	s25 =	sadd.s32 $0xC598, s0;
	s26 =	sadd.s32 $0x30, s24  }
0x26e: {  	[hbm4b:s26+s1] =	stream.linear.scatter [tilespmem:s25], [sflag:$0x3], $0x80, $0x38;
	[tilespmem:$0x10800] =	vst v63  }
0x26f: {  	s25 =	sadd.s32 $0xC620, s0;
	s26 =	sadd.s32 $0x40, s24  }
0x270: {  	[hbm4b:s26+s1] =	stream.linear.scatter [tilespmem:s25], [sflag:$0x3], $0x80, $0x38;
	[tilespmem:$0x10800] =	vst v63  }
.Ltmp8:
0x271: {  	s25 =	sadd.s32 $0xC6A8, s0;
	s26 =	sadd.s32 $0x50, s24;
	(pc) =	sbr.rel @p0 .LBB2_18-.Ltmp8, $4  }
0x272: {  	[hbm4b:s26+s1] =	stream.linear.scatter [tilespmem:s25], [sflag:$0x3], $0x80, $0x38;
	[tilespmem:$0x10800] =	vst v63  }
0x273: {  	s28 =	sadd.s32 $0x70, s24;
	s25 =	sadd.s32 $0xC730, s0;
	s26 =	sadd.s32 $0x60, s24  }
0x274: {  	[hbm4b:s26+s1] =	stream.linear.scatter [tilespmem:s25], [sflag:$0x3], $0x80, $0x38;
	[tilespmem:$0x10800] =	vst v63  }
0x275: {  	s24 =	sadd.s32 $0x1000, s24;
	s26 =	sadd.s32 $0xC7B8, s0;
	s25 =	smov.u32 s29  }
0x276: {  	[hbm4b:s28+s1] =	stream.linear.scatter [tilespmem:s26], [sflag:$0x3], $0x80, $0x38;
	[tilespmem:$0x10800] =	vst v63  }
0x277: {  	s0 =	sadd.s32 $0xC400, s23  }
0x278: {  	[hbm4b:s24+s1] =	stream.linear.scatter [tilespmem:s0], [sflag:$0x3], $0x80, $0x38;
	[tilespmem:$0x10800] =	vst v63  }
0x279: {  	s29 =	sadd.s32 $0xC488, s23;
	s25 =	sadd.s32 $0x10, s24  }
0x27a: {  	[hbm4b:s25+s1] =	stream.linear.scatter [tilespmem:s29], [sflag:$0x3], $0x80, $0x38;
	[tilespmem:$0x10800] =	vst v63  }
0x27b: {  	s30 =	sadd.s32 $0xC510, s23;
	s31 =	sadd.s32 $0x20, s24  }
0x27c: {  	[hbm4b:s31+s1] =	stream.linear.scatter [tilespmem:s30], [sflag:$0x3], $0x80, $0x38;
	[tilespmem:$0x10800] =	vst v63  }
0x27d: {  	s26 =	sadd.s32 $0x30, s24;
	s25 =	sadd.s32 $0xC598, s23  }
0x27e: {  	[hbm4b:s26+s1] =	stream.linear.scatter [tilespmem:s25], [sflag:$0x3], $0x80, $0x38;
	[tilespmem:$0x10800] =	vst v63  }
0x27f: {  	s28 =	sadd.s32 $0xC620, s23;
	s29 =	sadd.s32 $0x40, s24  }
0x280: {  	[hbm4b:s29+s1] =	stream.linear.scatter [tilespmem:s28], [sflag:$0x3], $0x80, $0x38;
	[tilespmem:$0x10800] =	vst v63  }
0x281: {  	s30 =	sadd.s32 $0xC6A8, s23;
	s31 =	sadd.s32 $0x50, s24  }
0x282: {  	[hbm4b:s31+s1] =	stream.linear.scatter [tilespmem:s30], [sflag:$0x3], $0x80, $0x38;
	[tilespmem:$0x10800] =	vst v63  }
0x283: {  	s26 =	sadd.s32 $0xC730, s23;
	s28 =	sadd.s32 $0x60, s24  }
0x284: {  	[hbm4b:s28+s1] =	stream.linear.scatter [tilespmem:s26], [sflag:$0x3], $0x80, $0x38;
	[tilespmem:$0x10800] =	vst v63  }
0x285: {  	s29 =	sadd.s32 $0xC7B8, s23;
	s30 =	sadd.s32 $0x70, s24  }
0x286: {  	[hbm4b:s30+s1] =	stream.linear.scatter [tilespmem:s29], [sflag:$0x3], $0x80, $0x38;
	[tilespmem:$0x10800] =	vst v63  }
0x287: {  	_ =	swait.ge [sflag:s11], $0x2000  }
0x288: {  	s18 =	sadd.s32 $0x1, s18;
	s31 =	rddreg [dreg:$0x16]  }
0x289: {  	p0 =	sne.s32 s18, s31  }
.Ltmp9:
0x28a: {  	_ = 	snop;
	(pc) =	sbr.rel @p0 .LBB2_1-.Ltmp9, $3  }
0x28b: {  	_ =	sdelay $0x1  }
0x28c: {  	[sflag:s11] =	ssyncset.done $0x0  }
0x28d: {  	[sflag:s11] =	ssyncadd.s32 $0xFFFFE000  }
0x28e: {  	_ =	sfence.sel $0x180000  }
0x28f: {  	[bflag:$0x0] =	sbarrier.arrive $0xFFFF  }
0x290: {  	_ =	strace $0x90000047  }
0x291: {  	s0 =	stileid.u32;
	[bflag:$0x2] =	sbarrier.arrive $0xFFFF  }
0x292: {  	p0 =	sne.s32 s0, $0x0;
	s0 =	rddreg [dreg:$0x6]  }
0x293: {  	s0 =	sadd.s32 @!p0 $0x100000, s0  }
0x294: {  	[sflag:s0] =	ssyncadd.tile.s32 @!p0 $0x1;
	_ =	shalt  }
.Lfunc_end2:
_tile_overlayer_lowered:
.L_overlay_start_2:
0x295: {  	(tag) =	ssettag $0x2  }
0x296: {  	s0 =	rddreg [dreg:$0x0];
	s2 =	stileid.u32  }
0x297: {  	s1 =	rddreg [dreg:$0x1];
	p0 =	sne.s32 s2, $0x0  }
0x298: {  	s3 =	rddreg [dreg:$0x2];
	[bflag:$0x3] =	sbarrier.arrive $0xFFFF;
	s2 =	simm.s32 @!p0 $0x1C03  }
0x299: {  	[timem:s3], [sflag:s2] =	dma.local @!p0 [hbm:s0], s1  }
0x29a: {  	s0 =	simm.s32 @!p0 $0x3  }
0x29b: {  	_ =	swait.ge @!p0 [sflag:s0], s1  }
0x29c: {  	s1 =	ssub.s32 @!p0 $0x0, s1;
	[sflag:s0] =	ssyncset.done @!p0 $0x0  }
0x29d: {  	[sflag:s0] =	ssyncadd.s32 @!p0 s1  }
0x29e: {  	[bflag:$0x3] =	sbarrier.arrive $0xFFFF  }
0x29f: {  	_ =	shalt  }

</sc_bundles>
